<compile_context>
chip_gen: v7x
topology: tpu7x:2x2x1
jax: 0.10.2.dev20260603
libtpu: 0.0.44.dev20260713+nightly
codegen_flags: <defaults>
</compile_context>

<pallas_src>
import functools

import jax
import jax.numpy as jnp
import numpy as np
from jax import lax
from jax.experimental import pallas as pl
from jax.experimental.pallas import tpu as pltpu
from jax.experimental.pallas import tpu_sc as plsc

SPATIAL_SHAPES = ((64, 64), (32, 32), (16, 16), (8, 8))
EMBED_DIM = 256
NUM_HEADS = 8
NUM_LEVELS = 4
NUM_POINTS = 4
BS = 4
LEN_Q = 1024
LEN_V = sum(h * w for h, w in SPATIAL_SHAPES)
NEMBED = EMBED_DIM // NUM_HEADS
LP = NUM_LEVELS * NUM_POINTS
BH = BS * NUM_HEADS
TERMS = LP * 4
QCHUNK = 32
NCHUNK = LEN_Q // QCHUNK
ROWS_PER_CHUNK = QCHUNK * TERMS
IDX_ROWS = ROWS_PER_CHUNK // 128

_LEVEL_STARTS = []
_s = 0
for _h, _w in SPATIAL_SHAPES:
    _LEVEL_STARTS.append(_s)
    _s += _h * _w


def _lp_const(per_level_vals, dtype):
    v = np.zeros((NUM_LEVELS, NUM_POINTS), dtype=dtype)
    for li, val in enumerate(per_level_vals):
        v[li, :] = val
    return jnp.asarray(v.reshape(1, LP))


def _level_selector():
    s = np.zeros((NUM_LEVELS, LP), dtype=np.float32)
    for li in range(NUM_LEVELS):
        s[li, li * NUM_POINTS:(li + 1) * NUM_POINTS] = 1.0
    return jnp.asarray(s)


def _vproj_body(v_ref, w_ref, b_ref, m_ref, o_ref):
    v = v_ref[...]
    out = jnp.dot(v, w_ref[...], preferred_element_type=jnp.float32) + b_ref[...]
    o_ref[...] = out * m_ref[...]


def _value_projection(value, vpk, vpb, maskf):
    return pl.pallas_call(
        _vproj_body,
        grid=(BS,),
        in_specs=[
            pl.BlockSpec((None, LEN_V, EMBED_DIM), lambda b: (b, 0, 0)),
            pl.BlockSpec((EMBED_DIM, EMBED_DIM), lambda b: (0, 0)),
            pl.BlockSpec((1, EMBED_DIM), lambda b: (0, 0)),
            pl.BlockSpec((None, LEN_V, 1), lambda b: (b, 0, 0)),
        ],
        out_specs=pl.BlockSpec((None, LEN_V, EMBED_DIM), lambda b: (b, 0, 0)),
        out_shape=jax.ShapeDtypeStruct((BS, LEN_V, EMBED_DIM), jnp.float32),
    )(value, vpk, vpb, maskf)


def _addr_body(q_ref, refx_ref, refy_ref, skk_ref, b48_ref, wf_ref, hf_ref,
               wi_ref, hi_ref, st_ref, idx_ref, w_ref):
    b = pl.program_id(0)
    h = pl.program_id(1)
    q = q_ref[...]
    o = jnp.dot(q, skk_ref[...], preferred_element_type=jnp.float32,
                precision=lax.Precision.HIGHEST) + b48_ref[...]
    offx = o[:, 0:LP]
    offy = o[:, LP:2 * LP]
    s = o[:, 2 * LP:3 * LP]
    refx = refx_ref[...]
    refy = refy_ref[...]
    wf = wf_ref[...]
    hf = hf_ref[...]
    px = refx * wf + offx - 0.5
    py = refy * hf + offy - 0.5
    x0f = jnp.floor(px)
    y0f = jnp.floor(py)
    fx = px - x0f
    fy = py - y0f
    x0 = x0f.astype(jnp.int32)
    y0 = y0f.astype(jnp.int32)
    x1 = x0 + 1
    y1 = y0 + 1
    wi = wi_ref[...]
    hi = hi_ref[...]
    zero_i = jnp.zeros_like(x0)
    x0in = (x0 >= 0) & (x0 <= wi - 1)
    x1in = (x1 >= 0) & (x1 <= wi - 1)
    y0in = (y0 >= 0) & (y0 <= hi - 1)
    y1in = (y1 >= 0) & (y1 <= hi - 1)
    cx0 = jnp.clip(x0, zero_i, wi - 1)
    cx1 = jnp.clip(x1, zero_i, wi - 1)
    cy0 = jnp.clip(y0, zero_i, hi - 1)
    cy1 = jnp.clip(y1, zero_i, hi - 1)
    base = st_ref[...] + b * LEN_V
    ia = (cy0 * wi + cx0 + base) * NUM_HEADS + h
    ib = (cy1 * wi + cx0 + base) * NUM_HEADS + h
    ic = (cy0 * wi + cx1 + base) * NUM_HEADS + h
    idd = (cy1 * wi + cx1 + base) * NUM_HEADS + h
    m = jnp.max(s, axis=-1, keepdims=True)
    e = jnp.exp(s - m)
    a = e / jnp.sum(e, axis=-1, keepdims=True)
    onefx = 1.0 - fx
    onefy = 1.0 - fy
    zero_f = jnp.zeros_like(fx)
    wa = jnp.where(x0in & y0in, onefx * onefy, zero_f) * a
    wb = jnp.where(x0in & y1in, onefx * fy, zero_f) * a
    wc = jnp.where(x1in & y0in, fx * onefy, zero_f) * a
    wd = jnp.where(x1in & y1in, fx * fy, zero_f) * a
    idx_ref[...] = jnp.concatenate([ia, ib, ic, idd], axis=-1)
    w_ref[...] = jnp.concatenate([wa, wb, wc, wd], axis=-1)


def _addresses(query, refx, refy, skk, b48):
    wf = _lp_const([w for (_h, w) in SPATIAL_SHAPES], np.float32)
    hf = _lp_const([h for (h, _w) in SPATIAL_SHAPES], np.float32)
    wi = _lp_const([w for (_h, w) in SPATIAL_SHAPES], np.int32)
    hi = _lp_const([h for (h, _w) in SPATIAL_SHAPES], np.int32)
    st = _lp_const(_LEVEL_STARTS, np.int32)
    full = lambda shape: pl.BlockSpec(shape, lambda b, h: tuple(0 for _ in shape))
    hsl = lambda shape: pl.BlockSpec(shape, lambda b, h: (h, 0, 0))
    out_spec = pl.BlockSpec((None, None, LEN_Q, TERMS), lambda b, h: (b, h, 0, 0))
    return pl.pallas_call(
        _addr_body,
        grid=(BS, NUM_HEADS),
        in_specs=[
            pl.BlockSpec((None, LEN_Q, EMBED_DIM), lambda b, h: (b, 0, 0)),
            pl.BlockSpec((None, LEN_Q, LP), lambda b, h: (b, 0, 0)),
            pl.BlockSpec((None, LEN_Q, LP), lambda b, h: (b, 0, 0)),
            pl.BlockSpec((None, EMBED_DIM, 3 * LP), lambda b, h: (h, 0, 0)),
            hsl((None, 1, 3 * LP)),
            full((1, LP)), full((1, LP)), full((1, LP)), full((1, LP)),
            full((1, LP)),
        ],
        out_specs=[out_spec, out_spec],
        out_shape=[
            jax.ShapeDtypeStruct((BS, NUM_HEADS, LEN_Q, TERMS), jnp.int32),
            jax.ShapeDtypeStruct((BS, NUM_HEADS, LEN_Q, TERMS), jnp.float32),
        ],
    )(query, refx, refy, skk, b48, wf, hf, wi, hi, st)


def _sc_body(vflat_hbm, idx_hbm, w_hbm, out_hbm, idx_v, rows_v, w_v, out_v, sem):
    wid = lax.axis_index("s") * 2 + lax.axis_index("c")
    b = wid // NUM_HEADS
    h = wid % NUM_HEADS

    def chunk_body(cc, carry):
        pltpu.sync_copy(idx_hbm.at[wid, cc], idx_v)
        pltpu.sync_copy(w_hbm.at[wid, cc], w_v)
        copies = [
            pltpu.async_copy(vflat_hbm.at[idx_v.at[j]], rows_v.at[j], sem)
            for j in range(IDX_ROWS)
        ]
        for cp in copies:
            cp.wait()

        def q_body(qi, c2):
            jq = qi // 2
            rbase = (qi % 2) * TERMS
            fbase = qi * TERMS
            acc0 = jnp.zeros((16,), jnp.float32)
            acc1 = jnp.zeros((16,), jnp.float32)
            for g in range(TERMS // 16):
                wvec = w_v[pl.ds(fbase + g * 16, 16)]
                for k in range(16):
                    t = g * 16 + k
                    wt = wvec[k]
                    r = rbase + t
                    acc0 = acc0 + wt * rows_v[jq, r, pl.ds(0, 16)]
                    acc1 = acc1 + wt * rows_v[jq, r, pl.ds(16, 16)]
            out_v[qi, pl.ds(0, 16)] = acc0
            out_v[qi, pl.ds(16, 16)] = acc1
            return c2

        lax.fori_loop(0, QCHUNK, q_body, 0)
        pltpu.sync_copy(out_v, out_hbm.at[b, pl.ds(cc * QCHUNK, QCHUNK), h])
        return carry

    lax.fori_loop(0, NCHUNK, chunk_body, 0)


@functools.cache
def _sc_gather():
    return pl.kernel(
        _sc_body,
        mesh=plsc.VectorSubcoreMesh(core_axis_name="c", subcore_axis_name="s"),
        out_type=jax.ShapeDtypeStruct((BS, LEN_Q, NUM_HEADS, NEMBED), jnp.float32),
        compiler_params=pltpu.CompilerParams(use_tc_tiling_on_sc=False),
        scratch_types=[
            pltpu.VMEM((IDX_ROWS, 128), jnp.int32),
            pltpu.VMEM((IDX_ROWS, 128, NEMBED), jnp.float32),
            pltpu.VMEM((ROWS_PER_CHUNK,), jnp.float32),
            pltpu.VMEM((QCHUNK, NEMBED), jnp.float32),
            pltpu.SemaphoreType.DMA,
        ],
    )


def _oproj_body(x_ref, w_ref, b_ref, o_ref):
    o_ref[...] = (
        jnp.dot(x_ref[...], w_ref[...], preferred_element_type=jnp.float32)
        + b_ref[...]
    )


def _out_projection(x, ok, ob):
    return pl.pallas_call(
        _oproj_body,
        grid=(BS,),
        in_specs=[
            pl.BlockSpec((None, LEN_Q, EMBED_DIM), lambda b: (b, 0, 0)),
            pl.BlockSpec((EMBED_DIM, EMBED_DIM), lambda b: (0, 0)),
            pl.BlockSpec((1, EMBED_DIM), lambda b: (0, 0)),
        ],
        out_specs=pl.BlockSpec((None, LEN_Q, EMBED_DIM), lambda b: (b, 0, 0)),
        out_shape=jax.ShapeDtypeStruct((BS, LEN_Q, EMBED_DIM), jnp.float32),
    )(x, ok, ob)


def kernel(query, ref_points, value, pad_mask, train, value_proj_kernel,
           value_proj_bias, samp_kernel, samp_bias, attn_kernel, attn_bias,
           out_kernel, out_bias):
    del train
    vpk = value_proj_kernel.reshape(EMBED_DIM, EMBED_DIM)
    vpb = value_proj_bias.reshape(1, EMBED_DIM)
    maskf = pad_mask.astype(jnp.float32).reshape(BS, LEN_V, 1)
    sk = samp_kernel.reshape(EMBED_DIM, NUM_HEADS, LP, 2)
    skx = sk[..., 0].transpose(1, 0, 2)
    sky = sk[..., 1].transpose(1, 0, 2)
    sb = samp_bias.reshape(NUM_HEADS, 1, LP, 2)
    ak = attn_kernel.reshape(EMBED_DIM, NUM_HEADS, LP).transpose(1, 0, 2)
    ab = attn_bias.reshape(NUM_HEADS, 1, LP)
    skk = jnp.concatenate([skx, sky, ak], axis=-1)
    b48 = jnp.concatenate([sb[..., 0], sb[..., 1], ab], axis=-1)
    refx = jnp.broadcast_to(
        ref_points[:, :, :, None, 0], (BS, LEN_Q, NUM_LEVELS, NUM_POINTS)
    ).reshape(BS, LEN_Q, LP)
    refy = jnp.broadcast_to(
        ref_points[:, :, :, None, 1], (BS, LEN_Q, NUM_LEVELS, NUM_POINTS)
    ).reshape(BS, LEN_Q, LP)

    vproj = _value_projection(value, vpk, vpb, maskf)
    vflat = vproj.reshape(BS * LEN_V * NUM_HEADS, NEMBED)

    idx_out, w_out = _addresses(query, refx, refy, skk, b48)
    idxs = idx_out.reshape(BH, NCHUNK, IDX_ROWS, 128)
    ws = w_out.reshape(BH, NCHUNK, ROWS_PER_CHUNK)

    sc_out = _sc_gather()(vflat, idxs, ws)

    comb = sc_out.reshape(BS, LEN_Q, EMBED_DIM)
    return _out_projection(comb, out_kernel.reshape(EMBED_DIM, EMBED_DIM),
                           out_bias.reshape(1, EMBED_DIM))

# --- scband reference (transcript-rebuilt; emitter-appended) ---
"""Pipeline reference for scband-multi-scale-deformable-attention-23811298689520 (READ-ONLY COPY).

The authoritative reference and input builder live on the scoring server;
editing this copy changes nothing except your own understanding.
"""

import jax, jax.numpy as jnp
import numpy as np
import math

SPATIAL_SHAPES = ((64, 64), (32, 32), (16, 16), (8, 8))
EMBED_DIM = 256
NUM_HEADS = 8
NUM_LEVELS = 4
NUM_POINTS = 4
BS = 4
LEN_Q = 1024
LEN_V = sum(h * w for h, w in SPATIAL_SHAPES)


def pos_grid_init():
    thetas = np.arange(NUM_HEADS, dtype=np.float32) * (2.0 * math.pi) / NUM_HEADS
    grid = np.stack([np.cos(thetas), np.sin(thetas)], -1)
    grid = grid / np.max(np.abs(grid), axis=-1, keepdims=True)
    grid = grid.reshape(NUM_HEADS, 1, 1, 2)
    grid = np.tile(grid, (1, NUM_LEVELS, NUM_POINTS, 1))
    for i in range(NUM_POINTS):
        grid[:, :, i, :] = grid[:, :, i, :] * (i + 1)
    return jnp.asarray(grid, jnp.float32)


def setup_inputs(seed: int = 0) -> dict:
    key = jax.random.key(seed)
    ks = jax.random.split(key, 8)
    nembed = EMBED_DIM // NUM_HEADS
    sc = 1.0 / math.sqrt(EMBED_DIM)
    query = jax.random.normal(ks[0], (BS, LEN_Q, EMBED_DIM), jnp.float32)
    ref_points = jax.random.uniform(ks[1], (BS, LEN_Q, NUM_LEVELS, 2), jnp.float32)
    value = jax.random.normal(ks[2], (BS, LEN_V, EMBED_DIM), jnp.float32)
    pad_mask = jnp.ones((BS, LEN_V), dtype=bool)
    value_proj_kernel = jax.random.normal(ks[3], (EMBED_DIM, NUM_HEADS, nembed), jnp.float32) * sc
    value_proj_bias = jnp.zeros((NUM_HEADS, nembed), jnp.float32)
    samp_kernel = jnp.zeros((EMBED_DIM, NUM_HEADS, NUM_LEVELS, NUM_POINTS, 2), jnp.float32)
    samp_bias = pos_grid_init()
    attn_kernel = jax.random.normal(ks[4], (EMBED_DIM, NUM_HEADS * NUM_LEVELS * NUM_POINTS), jnp.float32) * sc
    attn_bias = jnp.zeros((NUM_HEADS * NUM_LEVELS * NUM_POINTS,), jnp.float32)
    out_kernel = jax.random.normal(ks[5], (EMBED_DIM, EMBED_DIM), jnp.float32) * sc
    out_bias = jnp.zeros((EMBED_DIM,), jnp.float32)
    return {
        'query': query, 'ref_points': ref_points, 'value': value,
        'pad_mask': pad_mask, 'train': False,
        'value_proj_kernel': value_proj_kernel, 'value_proj_bias': value_proj_bias,
        'samp_kernel': samp_kernel, 'samp_bias': samp_bias,
        'attn_kernel': attn_kernel, 'attn_bias': attn_bias,
        'out_kernel': out_kernel, 'out_bias': out_bias,
    }


def bilinear_interpolate(im, grid, w, h):
    # im: [B, h*w, c] flattened image; grid: [B, N, 2] normalized in [0,1].
    x = grid[..., 0] * w - 0.5
    y = grid[..., 1] * h - 0.5
    x0 = jnp.floor(x).astype(jnp.int32)
    x1 = x0 + 1
    y0 = jnp.floor(y).astype(jnp.int32)
    y1 = y0 + 1

    def gather(yy, xx):
        idx = jnp.clip(yy, 0, h - 1) * w + jnp.clip(xx, 0, w - 1)
        return jnp.take_along_axis(im, idx[..., None], axis=1)

    im_a = gather(y0, x0)
    im_b = gather(y1, x0)
    im_c = gather(y0, x1)
    im_d = gather(y1, x1)
    x0f = x0.astype(x.dtype); x1f = x1.astype(x.dtype)
    y0f = y0.astype(y.dtype); y1f = y1.astype(y.dtype)
    x0_out = (x0 < 0) | (x0 > w - 1)
    x1_out = (x1 < 0) | (x1 > w - 1)
    y0_out = (y0 < 0) | (y0 > h - 1)
    y1_out = (y1 < 0) | (y1 > h - 1)
    wa = jnp.where(x0_out | y0_out, 0.0, (x1f - x) * (y1f - y))
    wb = jnp.where(x0_out | y1_out, 0.0, (x1f - x) * (y - y0f))
    wc = jnp.where(x1_out | y0_out, 0.0, (x - x0f) * (y1f - y))
    wd = jnp.where(x1_out | y1_out, 0.0, (x - x0f) * (y - y0f))
    return (im_a * wa[..., None] + im_b * wb[..., None]
            + im_c * wc[..., None] + im_d * wd[..., None])


def msda_forward(query, ref_points, value, pad_mask,
                 value_proj_kernel, value_proj_bias, samp_kernel, samp_bias,
                 attn_kernel, attn_bias, out_kernel, out_bias):
    bs, len_q, _ = query.shape
    len_v = value.shape[1]
    nembed = EMBED_DIM // NUM_HEADS
    # value projection [bs, len_v, H, nembed]
    v = jnp.einsum('bve,ehc->bvhc', value, value_proj_kernel) + value_proj_bias
    v = jnp.where(pad_mask[..., None, None], v, 0)
    v = v.transpose(0, 2, 1, 3).reshape(bs * NUM_HEADS, len_v, nembed)
    # sampling offsets [bs, len_q, H, L, P, 2]
    offsets = jnp.einsum('bqe,ehlpt->bqhlpt', query, samp_kernel) + samp_bias
    offset_norm = jnp.asarray([[w, h] for h, w in SPATIAL_SHAPES], jnp.float32)
    ref_xy = ref_points[:, :, None, :, None, :]
    sampling_locations = ref_xy + offsets / offset_norm[None, None, None, :, None, :]
    # attention weights, softmax over levels*points per head
    aw = jnp.einsum('bqe,ef->bqf', query, attn_kernel) + attn_bias
    aw = aw.reshape(bs, len_q, NUM_HEADS, NUM_LEVELS * NUM_POINTS)
    aw = jax.nn.softmax(aw, axis=-1)
    aw = aw.transpose(0, 2, 1, 3).reshape(bs * NUM_HEADS, len_q, NUM_LEVELS * NUM_POINTS)
    # [bs*H, L, P*len_q, 2] (points major over queries)
    sl = sampling_locations.transpose(0, 2, 3, 4, 1, 5).reshape(
        bs * NUM_HEADS, NUM_LEVELS, NUM_POINTS * len_q, 2)
    sampled_all = []
    start = 0
    for li, (h, w) in enumerate(SPATIAL_SHAPES):
        im = v[:, start:start + h * w]
        start += h * w
        sampled = bilinear_interpolate(im, sl[:, li], w, h)
        sampled_all.append(sampled.reshape(bs * NUM_HEADS, NUM_POINTS, len_q, nembed))
    sampled_all = jnp.concatenate(sampled_all, axis=1)  # [bs*H, L*P, len_q, nembed]
    out = jnp.einsum('blqe,bql->bqe', sampled_all, aw)
    out = out.reshape(bs, NUM_HEADS, len_q, nembed).transpose(0, 2, 1, 3).reshape(bs, len_q, EMBED_DIM)
    out = jnp.einsum('bqe,ef->bqf', out, out_kernel) + out_bias
    return out


def reference(query, ref_points, value, pad_mask, train,
              value_proj_kernel, value_proj_bias, samp_kernel, samp_bias,
              attn_kernel, attn_bias, out_kernel, out_bias):
    del train
    return msda_forward(query, ref_points, value, pad_mask,
                        value_proj_kernel, value_proj_bias, samp_kernel, samp_bias,
                        attn_kernel, attn_bias, out_kernel, out_bias)

if __name__ == "__main__":
    import jax
    _d = setup_inputs()
    print(jax.jit(kernel)(*tuple(_d.values())))

</pallas_src>

<mosaic_0001>
#map = affine_map<(d0, d1) -> (0, 0)>
#map1 = affine_map<(d0, d1) -> (0, 0, 0, 0)>
#map2 = affine_map<(d0, d1) -> (0, 0, 0)>
module attributes {stable_mosaic.version = 14 : i64} {
  func.func @_sc_body(%arg0: i32, %arg1: i32, %arg2: memref<174080x32xf32, #tpu.memory_space<hbm>>, %arg3: memref<32x32x16x128xi32, #tpu.memory_space<hbm>>, %arg4: memref<32x32x2048xf32, #tpu.memory_space<hbm>>, %arg5: memref<4x1024x8x32xf32, #tpu.memory_space<hbm>>, %arg6: memref<16x128xi32, #tpu.memory_space<vmem>>, %arg7: memref<16x128x32xf32, #tpu.memory_space<vmem>>, %arg8: memref<2048xf32, #tpu.memory_space<vmem>>, %arg9: memref<32x32xf32, #tpu.memory_space<vmem>>, %arg10: memref<!tpu.dma_semaphore, #tpu.memory_space<semaphore_mem>>) attributes {dimension_semantics = [#tpu.dimension_semantics<core_parallel>, #tpu.dimension_semantics<subcore_parallel>], iteration_bounds = array<i64: 2, 16>, scalar_prefetch = 0 : i64, scratch_operands = 5 : i64, tpu.core_type = #tpu.core_type<sc_vector_subcore>, window_params = [{transform_indices = #map}, {transform_indices = #map1}, {transform_indices = #map2}, {transform_indices = #map1}]} {
    %mul3A = arith.constant 2 : i32
    %mul3A_0 = arith.muli %arg1, %mul3A : i32
    %add3A = arith.addi %mul3A_0, %arg0 : i32
    %jit3A = arith.constant 8 : i32
    %div3A = arith.divsi %add3A, %jit3A : i32
    %sign3A = arith.constant 0 : i32
    %sign3A_1 = arith.cmpi sgt, %add3A, %sign3A : i32
    %sign3A_2 = arith.extui %sign3A_1 : i1 to i32
    %sign3A_3 = arith.constant 0 : i32
    %sign3A_4 = arith.cmpi slt, %add3A, %sign3A_3 : i32
    %sign3A_5 = arith.extui %sign3A_4 : i1 to i32
    %sign3A_6 = arith.subi %sign3A_2, %sign3A_5 : i32
    %sign3A_7 = arith.constant 0 : i32
    %sign3A_8 = arith.cmpi sgt, %jit3A, %sign3A_7 : i32
    %sign3A_9 = arith.extui %sign3A_8 : i1 to i32
    %sign3A_10 = arith.constant 0 : i32
    %sign3A_11 = arith.cmpi slt, %jit3A, %sign3A_10 : i32
    %sign3A_12 = arith.extui %sign3A_11 : i1 to i32
    %sign3A_13 = arith.subi %sign3A_9, %sign3A_12 : i32
    %ne3A = arith.cmpi ne, %sign3A_6, %sign3A_13 : i32
    %rem3A = arith.remsi %add3A, %jit3A : i32
    %ne3A_14 = arith.constant 0 : i32
    %ne3A_15 = arith.cmpi ne, %rem3A, %ne3A_14 : i32
    %and3A = arith.andi %ne3A, %ne3A_15 : i1
    %sub3A = arith.constant 1 : i32
    %sub3A_16 = arith.subi %div3A, %sub3A : i32
    %select_n3A = arith.select %and3A, %sub3A_16, %div3A : i32
    %jit3A_17 = arith.constant 8 : i32
    %eq3A = arith.constant 0 : i32
    %eq3A_18 = arith.cmpi eq, %jit3A_17, %eq3A : i32
    %jit3A_19 = arith.constant 1 : i32
    %select_n3A_20 = arith.select %eq3A_18, %jit3A_19, %jit3A_17 : i32
    %rem3A_21 = arith.remsi %add3A, %select_n3A_20 : i32
    %ne3A_22 = arith.constant 0 : i32
    %ne3A_23 = arith.cmpi ne, %rem3A_21, %ne3A_22 : i32
    %lt3A = arith.constant 0 : i32
    %lt3A_24 = arith.cmpi slt, %rem3A_21, %lt3A : i32
    %lt3A_25 = arith.constant 0 : i32
    %lt3A_26 = arith.cmpi slt, %select_n3A_20, %lt3A_25 : i32
    %ne3A_27 = arith.xori %lt3A_24, %lt3A_26 : i1
    %and3A_28 = arith.andi %ne3A_27, %ne3A_23 : i1
    %add3A_29 = arith.addi %rem3A_21, %select_n3A_20 : i32
    %select_n3A_30 = arith.select %and3A_28, %add3A_29, %rem3A_21 : i32
    %scan3A = arith.constant 0 : i32
    %scan3A_31 = arith.constant 0 : i32
    %scan3A_32 = arith.constant 32 : i32
    %scan3A_33 = arith.addi %scan3A_31, %scan3A_32 : i32
    %scan3A_34 = arith.constant 1 : i32
    scf.for %scan3A_36 = %scan3A_31 to %scan3A_33 step %scan3A_34  : i32 {
      "tpu.region"() ({
        %run_scoped3A = tpu.sem_alloc : memref<!tpu.dma_semaphore, #tpu.memory_space<semaphore_mem>>
        %dma_start3A_427 = arith.constant 0 : i32
        %dma_start3A_428 = arith.constant 0 : i32
        %dma_start3A_429 = tpu.memref_slice %arg3[%add3A, %scan3A_36, %dma_start3A_427, %dma_start3A_428] : memref<32x32x16x128xi32, #tpu.memory_space<hbm>> -> memref<1x1x16x128xi32, #tpu.memory_space<hbm>>
        %dma_start3A_430 = tpu.memref_squeeze %dma_start3A_429 : memref<1x1x16x128xi32, #tpu.memory_space<hbm>> -> memref<16x128xi32, #tpu.memory_space<hbm>>
        %dma_start3A_431 = arith.constant 0 : i32
        %dma_start3A_432 = arith.constant 0 : i32
        %dma_start3A_433 = tpu.memref_slice %arg3[%add3A, %scan3A_36, %dma_start3A_431, %dma_start3A_432] : memref<32x32x16x128xi32, #tpu.memory_space<hbm>> -> memref<1x1x16x128xi32, #tpu.memory_space<hbm>>
        %dma_start3A_434 = tpu.memref_squeeze %dma_start3A_433 : memref<1x1x16x128xi32, #tpu.memory_space<hbm>> -> memref<16x128xi32, #tpu.memory_space<hbm>>
        tpu.enqueue_dma source(%dma_start3A_434 : memref<16x128xi32, #tpu.memory_space<hbm>>) target(%arg6 : memref<16x128xi32, #tpu.memory_space<vmem>>) target_semaphore(%run_scoped3A : memref<!tpu.dma_semaphore, #tpu.memory_space<semaphore_mem>>)
        %dma_wait3A_435 = arith.constant 0 : i32
        %dma_wait3A_436 = arith.constant 0 : i32
        %dma_wait3A_437 = tpu.memref_slice %arg3[%add3A, %scan3A_36, %dma_wait3A_435, %dma_wait3A_436] : memref<32x32x16x128xi32, #tpu.memory_space<hbm>> -> memref<1x1x16x128xi32, #tpu.memory_space<hbm>>
        %dma_wait3A_438 = tpu.memref_squeeze %dma_wait3A_437 : memref<1x1x16x128xi32, #tpu.memory_space<hbm>> -> memref<16x128xi32, #tpu.memory_space<hbm>>
        %dma_wait3A_439 = arith.constant 0 : i32
        %dma_wait3A_440 = arith.constant 0 : i32
        %dma_wait3A_441 = tpu.memref_slice %arg3[%add3A, %scan3A_36, %dma_wait3A_439, %dma_wait3A_440] : memref<32x32x16x128xi32, #tpu.memory_space<hbm>> -> memref<1x1x16x128xi32, #tpu.memory_space<hbm>>
        %dma_wait3A_442 = tpu.memref_squeeze %dma_wait3A_441 : memref<1x1x16x128xi32, #tpu.memory_space<hbm>> -> memref<16x128xi32, #tpu.memory_space<hbm>>
        tpu.wait_dma2 semaphore(%run_scoped3A : memref<!tpu.dma_semaphore, #tpu.memory_space<semaphore_mem>>) src(%dma_wait3A_442 : memref<16x128xi32, #tpu.memory_space<hbm>>) dst(%arg6 : memref<16x128xi32, #tpu.memory_space<vmem>>)
        tpu.yield
      }) : () -> ()
      "tpu.region"() ({
        %run_scoped3A = tpu.sem_alloc : memref<!tpu.dma_semaphore, #tpu.memory_space<semaphore_mem>>
        %dma_start3A_427 = arith.constant 0 : i32
        %dma_start3A_428 = tpu.memref_slice %arg4[%add3A, %scan3A_36, %dma_start3A_427] : memref<32x32x2048xf32, #tpu.memory_space<hbm>> -> memref<1x1x2048xf32, #tpu.memory_space<hbm>>
        %dma_start3A_429 = tpu.memref_squeeze %dma_start3A_428 : memref<1x1x2048xf32, #tpu.memory_space<hbm>> -> memref<2048xf32, #tpu.memory_space<hbm>>
        %dma_start3A_430 = arith.constant 0 : i32
        %dma_start3A_431 = tpu.memref_slice %arg4[%add3A, %scan3A_36, %dma_start3A_430] : memref<32x32x2048xf32, #tpu.memory_space<hbm>> -> memref<1x1x2048xf32, #tpu.memory_space<hbm>>
        %dma_start3A_432 = tpu.memref_squeeze %dma_start3A_431 : memref<1x1x2048xf32, #tpu.memory_space<hbm>> -> memref<2048xf32, #tpu.memory_space<hbm>>
        tpu.enqueue_dma source(%dma_start3A_432 : memref<2048xf32, #tpu.memory_space<hbm>>) target(%arg8 : memref<2048xf32, #tpu.memory_space<vmem>>) target_semaphore(%run_scoped3A : memref<!tpu.dma_semaphore, #tpu.memory_space<semaphore_mem>>)
        %dma_wait3A_433 = arith.constant 0 : i32
        %dma_wait3A_434 = tpu.memref_slice %arg4[%add3A, %scan3A_36, %dma_wait3A_433] : memref<32x32x2048xf32, #tpu.memory_space<hbm>> -> memref<1x1x2048xf32, #tpu.memory_space<hbm>>
        %dma_wait3A_435 = tpu.memref_squeeze %dma_wait3A_434 : memref<1x1x2048xf32, #tpu.memory_space<hbm>> -> memref<2048xf32, #tpu.memory_space<hbm>>
        %dma_wait3A_436 = arith.constant 0 : i32
        %dma_wait3A_437 = tpu.memref_slice %arg4[%add3A, %scan3A_36, %dma_wait3A_436] : memref<32x32x2048xf32, #tpu.memory_space<hbm>> -> memref<1x1x2048xf32, #tpu.memory_space<hbm>>
        %dma_wait3A_438 = tpu.memref_squeeze %dma_wait3A_437 : memref<1x1x2048xf32, #tpu.memory_space<hbm>> -> memref<2048xf32, #tpu.memory_space<hbm>>
        tpu.wait_dma2 semaphore(%run_scoped3A : memref<!tpu.dma_semaphore, #tpu.memory_space<semaphore_mem>>) src(%dma_wait3A_438 : memref<2048xf32, #tpu.memory_space<hbm>>) dst(%arg8 : memref<2048xf32, #tpu.memory_space<vmem>>)
        tpu.yield
      }) : () -> ()
      %dma_start3A = arith.constant 0 : i32
      %dma_start3A_37 = arith.constant 0 : i32
      %dma_start3A_38 = arith.constant 0 : i32
      %dma_start3A_39 = arith.constant 0 : i32
      %dma_start3A_40 = tpu.memref_slice %arg7[%dma_start3A_37, %dma_start3A_38, %dma_start3A_39] : memref<16x128x32xf32, #tpu.memory_space<vmem>> -> memref<1x128x32xf32, #tpu.memory_space<vmem>>
      %dma_start3A_41 = tpu.memref_squeeze %dma_start3A_40 : memref<1x128x32xf32, #tpu.memory_space<vmem>> -> memref<128x32xf32, #tpu.memory_space<vmem>>
      %dma_start3A_42 = arith.constant 0 : i32
      %dma_start3A_43 = tpu.memref_slice %arg6[%dma_start3A, %dma_start3A_42] : memref<16x128xi32, #tpu.memory_space<vmem>> -> memref<1x128xi32, #tpu.memory_space<vmem>>
      %dma_start3A_44 = tpu.memref_squeeze %dma_start3A_43 : memref<1x128xi32, #tpu.memory_space<vmem>> -> memref<128xi32, #tpu.memory_space<vmem>>
      %dma_start3A_45 = arith.constant 0 : i32
      %dma_start3A_46 = arith.constant 0 : i32
      %dma_start3A_47 = tpu.memref_slice %arg2[%dma_start3A_45, %dma_start3A_46] : memref<174080x32xf32, #tpu.memory_space<hbm>> -> memref<174080x32xf32, #tpu.memory_space<hbm>>
      tpu.enqueue_indirect_dma source(%dma_start3A_47 : memref<174080x32xf32, #tpu.memory_space<hbm>>) target(%dma_start3A_41 : memref<128x32xf32, #tpu.memory_space<vmem>>) offsets(%dma_start3A_44 : memref<128xi32, #tpu.memory_space<vmem>>) semaphore(%arg10 : memref<!tpu.dma_semaphore, #tpu.memory_space<semaphore_mem>>)
      %dma_start3A_48 = arith.constant 1 : i32
      %dma_start3A_49 = arith.constant 1 : i32
      %dma_start3A_50 = arith.constant 0 : i32
      %dma_start3A_51 = arith.constant 0 : i32
      %dma_start3A_52 = tpu.memref_slice %arg7[%dma_start3A_49, %dma_start3A_50, %dma_start3A_51] : memref<16x128x32xf32, #tpu.memory_space<vmem>> -> memref<1x128x32xf32, #tpu.memory_space<vmem>>
      %dma_start3A_53 = tpu.memref_squeeze %dma_start3A_52 : memref<1x128x32xf32, #tpu.memory_space<vmem>> -> memref<128x32xf32, #tpu.memory_space<vmem>>
      %dma_start3A_54 = arith.constant 0 : i32
      %dma_start3A_55 = tpu.memref_slice %arg6[%dma_start3A_48, %dma_start3A_54] : memref<16x128xi32, #tpu.memory_space<vmem>> -> memref<1x128xi32, #tpu.memory_space<vmem>>
      %dma_start3A_56 = tpu.memref_squeeze %dma_start3A_55 : memref<1x128xi32, #tpu.memory_space<vmem>> -> memref<128xi32, #tpu.memory_space<vmem>>
      %dma_start3A_57 = arith.constant 0 : i32
      %dma_start3A_58 = arith.constant 0 : i32
      %dma_start3A_59 = tpu.memref_slice %arg2[%dma_start3A_57, %dma_start3A_58] : memref<174080x32xf32, #tpu.memory_space<hbm>> -> memref<174080x32xf32, #tpu.memory_space<hbm>>
      tpu.enqueue_indirect_dma source(%dma_start3A_59 : memref<174080x32xf32, #tpu.memory_space<hbm>>) target(%dma_start3A_53 : memref<128x32xf32, #tpu.memory_space<vmem>>) offsets(%dma_start3A_56 : memref<128xi32, #tpu.memory_space<vmem>>) semaphore(%arg10 : memref<!tpu.dma_semaphore, #tpu.memory_space<semaphore_mem>>)
      %dma_start3A_60 = arith.constant 2 : i32
      %dma_start3A_61 = arith.constant 2 : i32
      %dma_start3A_62 = arith.constant 0 : i32
      %dma_start3A_63 = arith.constant 0 : i32
      %dma_start3A_64 = tpu.memref_slice %arg7[%dma_start3A_61, %dma_start3A_62, %dma_start3A_63] : memref<16x128x32xf32, #tpu.memory_space<vmem>> -> memref<1x128x32xf32, #tpu.memory_space<vmem>>
      %dma_start3A_65 = tpu.memref_squeeze %dma_start3A_64 : memref<1x128x32xf32, #tpu.memory_space<vmem>> -> memref<128x32xf32, #tpu.memory_space<vmem>>
      %dma_start3A_66 = arith.constant 0 : i32
      %dma_start3A_67 = tpu.memref_slice %arg6[%dma_start3A_60, %dma_start3A_66] : memref<16x128xi32, #tpu.memory_space<vmem>> -> memref<1x128xi32, #tpu.memory_space<vmem>>
      %dma_start3A_68 = tpu.memref_squeeze %dma_start3A_67 : memref<1x128xi32, #tpu.memory_space<vmem>> -> memref<128xi32, #tpu.memory_space<vmem>>
      %dma_start3A_69 = arith.constant 0 : i32
      %dma_start3A_70 = arith.constant 0 : i32
      %dma_start3A_71 = tpu.memref_slice %arg2[%dma_start3A_69, %dma_start3A_70] : memref<174080x32xf32, #tpu.memory_space<hbm>> -> memref<174080x32xf32, #tpu.memory_space<hbm>>
      tpu.enqueue_indirect_dma source(%dma_start3A_71 : memref<174080x32xf32, #tpu.memory_space<hbm>>) target(%dma_start3A_65 : memref<128x32xf32, #tpu.memory_space<vmem>>) offsets(%dma_start3A_68 : memref<128xi32, #tpu.memory_space<vmem>>) semaphore(%arg10 : memref<!tpu.dma_semaphore, #tpu.memory_space<semaphore_mem>>)
      %dma_start3A_72 = arith.constant 3 : i32
      %dma_start3A_73 = arith.constant 3 : i32
      %dma_start3A_74 = arith.constant 0 : i32
      %dma_start3A_75 = arith.constant 0 : i32
      %dma_start3A_76 = tpu.memref_slice %arg7[%dma_start3A_73, %dma_start3A_74, %dma_start3A_75] : memref<16x128x32xf32, #tpu.memory_space<vmem>> -> memref<1x128x32xf32, #tpu.memory_space<vmem>>
      %dma_start3A_77 = tpu.memref_squeeze %dma_start3A_76 : memref<1x128x32xf32, #tpu.memory_space<vmem>> -> memref<128x32xf32, #tpu.memory_space<vmem>>
      %dma_start3A_78 = arith.constant 0 : i32
      %dma_start3A_79 = tpu.memref_slice %arg6[%dma_start3A_72, %dma_start3A_78] : memref<16x128xi32, #tpu.memory_space<vmem>> -> memref<1x128xi32, #tpu.memory_space<vmem>>
      %dma_start3A_80 = tpu.memref_squeeze %dma_start3A_79 : memref<1x128xi32, #tpu.memory_space<vmem>> -> memref<128xi32, #tpu.memory_space<vmem>>
      %dma_start3A_81 = arith.constant 0 : i32
      %dma_start3A_82 = arith.constant 0 : i32
      %dma_start3A_83 = tpu.memref_slice %arg2[%dma_start3A_81, %dma_start3A_82] : memref<174080x32xf32, #tpu.memory_space<hbm>> -> memref<174080x32xf32, #tpu.memory_space<hbm>>
      tpu.enqueue_indirect_dma source(%dma_start3A_83 : memref<174080x32xf32, #tpu.memory_space<hbm>>) target(%dma_start3A_77 : memref<128x32xf32, #tpu.memory_space<vmem>>) offsets(%dma_start3A_80 : memref<128xi32, #tpu.memory_space<vmem>>) semaphore(%arg10 : memref<!tpu.dma_semaphore, #tpu.memory_space<semaphore_mem>>)
      %dma_start3A_84 = arith.constant 4 : i32
      %dma_start3A_85 = arith.constant 4 : i32
      %dma_start3A_86 = arith.constant 0 : i32
      %dma_start3A_87 = arith.constant 0 : i32
      %dma_start3A_88 = tpu.memref_slice %arg7[%dma_start3A_85, %dma_start3A_86, %dma_start3A_87] : memref<16x128x32xf32, #tpu.memory_space<vmem>> -> memref<1x128x32xf32, #tpu.memory_space<vmem>>
      %dma_start3A_89 = tpu.memref_squeeze %dma_start3A_88 : memref<1x128x32xf32, #tpu.memory_space<vmem>> -> memref<128x32xf32, #tpu.memory_space<vmem>>
      %dma_start3A_90 = arith.constant 0 : i32
      %dma_start3A_91 = tpu.memref_slice %arg6[%dma_start3A_84, %dma_start3A_90] : memref<16x128xi32, #tpu.memory_space<vmem>> -> memref<1x128xi32, #tpu.memory_space<vmem>>
      %dma_start3A_92 = tpu.memref_squeeze %dma_start3A_91 : memref<1x128xi32, #tpu.memory_space<vmem>> -> memref<128xi32, #tpu.memory_space<vmem>>
      %dma_start3A_93 = arith.constant 0 : i32
      %dma_start3A_94 = arith.constant 0 : i32
      %dma_start3A_95 = tpu.memref_slice %arg2[%dma_start3A_93, %dma_start3A_94] : memref<174080x32xf32, #tpu.memory_space<hbm>> -> memref<174080x32xf32, #tpu.memory_space<hbm>>
      tpu.enqueue_indirect_dma source(%dma_start3A_95 : memref<174080x32xf32, #tpu.memory_space<hbm>>) target(%dma_start3A_89 : memref<128x32xf32, #tpu.memory_space<vmem>>) offsets(%dma_start3A_92 : memref<128xi32, #tpu.memory_space<vmem>>) semaphore(%arg10 : memref<!tpu.dma_semaphore, #tpu.memory_space<semaphore_mem>>)
      %dma_start3A_96 = arith.constant 5 : i32
      %dma_start3A_97 = arith.constant 5 : i32
      %dma_start3A_98 = arith.constant 0 : i32
      %dma_start3A_99 = arith.constant 0 : i32
      %dma_start3A_100 = tpu.memref_slice %arg7[%dma_start3A_97, %dma_start3A_98, %dma_start3A_99] : memref<16x128x32xf32, #tpu.memory_space<vmem>> -> memref<1x128x32xf32, #tpu.memory_space<vmem>>
      %dma_start3A_101 = tpu.memref_squeeze %dma_start3A_100 : memref<1x128x32xf32, #tpu.memory_space<vmem>> -> memref<128x32xf32, #tpu.memory_space<vmem>>
      %dma_start3A_102 = arith.constant 0 : i32
      %dma_start3A_103 = tpu.memref_slice %arg6[%dma_start3A_96, %dma_start3A_102] : memref<16x128xi32, #tpu.memory_space<vmem>> -> memref<1x128xi32, #tpu.memory_space<vmem>>
      %dma_start3A_104 = tpu.memref_squeeze %dma_start3A_103 : memref<1x128xi32, #tpu.memory_space<vmem>> -> memref<128xi32, #tpu.memory_space<vmem>>
      %dma_start3A_105 = arith.constant 0 : i32
      %dma_start3A_106 = arith.constant 0 : i32
      %dma_start3A_107 = tpu.memref_slice %arg2[%dma_start3A_105, %dma_start3A_106] : memref<174080x32xf32, #tpu.memory_space<hbm>> -> memref<174080x32xf32, #tpu.memory_space<hbm>>
      tpu.enqueue_indirect_dma source(%dma_start3A_107 : memref<174080x32xf32, #tpu.memory_space<hbm>>) target(%dma_start3A_101 : memref<128x32xf32, #tpu.memory_space<vmem>>) offsets(%dma_start3A_104 : memref<128xi32, #tpu.memory_space<vmem>>) semaphore(%arg10 : memref<!tpu.dma_semaphore, #tpu.memory_space<semaphore_mem>>)
      %dma_start3A_108 = arith.constant 6 : i32
      %dma_start3A_109 = arith.constant 6 : i32
      %dma_start3A_110 = arith.constant 0 : i32
      %dma_start3A_111 = arith.constant 0 : i32
      %dma_start3A_112 = tpu.memref_slice %arg7[%dma_start3A_109, %dma_start3A_110, %dma_start3A_111] : memref<16x128x32xf32, #tpu.memory_space<vmem>> -> memref<1x128x32xf32, #tpu.memory_space<vmem>>
      %dma_start3A_113 = tpu.memref_squeeze %dma_start3A_112 : memref<1x128x32xf32, #tpu.memory_space<vmem>> -> memref<128x32xf32, #tpu.memory_space<vmem>>
      %dma_start3A_114 = arith.constant 0 : i32
      %dma_start3A_115 = tpu.memref_slice %arg6[%dma_start3A_108, %dma_start3A_114] : memref<16x128xi32, #tpu.memory_space<vmem>> -> memref<1x128xi32, #tpu.memory_space<vmem>>
      %dma_start3A_116 = tpu.memref_squeeze %dma_start3A_115 : memref<1x128xi32, #tpu.memory_space<vmem>> -> memref<128xi32, #tpu.memory_space<vmem>>
      %dma_start3A_117 = arith.constant 0 : i32
      %dma_start3A_118 = arith.constant 0 : i32
      %dma_start3A_119 = tpu.memref_slice %arg2[%dma_start3A_117, %dma_start3A_118] : memref<174080x32xf32, #tpu.memory_space<hbm>> -> memref<174080x32xf32, #tpu.memory_space<hbm>>
      tpu.enqueue_indirect_dma source(%dma_start3A_119 : memref<174080x32xf32, #tpu.memory_space<hbm>>) target(%dma_start3A_113 : memref<128x32xf32, #tpu.memory_space<vmem>>) offsets(%dma_start3A_116 : memref<128xi32, #tpu.memory_space<vmem>>) semaphore(%arg10 : memref<!tpu.dma_semaphore, #tpu.memory_space<semaphore_mem>>)
      %dma_start3A_120 = arith.constant 7 : i32
      %dma_start3A_121 = arith.constant 7 : i32
      %dma_start3A_122 = arith.constant 0 : i32
      %dma_start3A_123 = arith.constant 0 : i32
      %dma_start3A_124 = tpu.memref_slice %arg7[%dma_start3A_121, %dma_start3A_122, %dma_start3A_123] : memref<16x128x32xf32, #tpu.memory_space<vmem>> -> memref<1x128x32xf32, #tpu.memory_space<vmem>>
      %dma_start3A_125 = tpu.memref_squeeze %dma_start3A_124 : memref<1x128x32xf32, #tpu.memory_space<vmem>> -> memref<128x32xf32, #tpu.memory_space<vmem>>
      %dma_start3A_126 = arith.constant 0 : i32
      %dma_start3A_127 = tpu.memref_slice %arg6[%dma_start3A_120, %dma_start3A_126] : memref<16x128xi32, #tpu.memory_space<vmem>> -> memref<1x128xi32, #tpu.memory_space<vmem>>
      %dma_start3A_128 = tpu.memref_squeeze %dma_start3A_127 : memref<1x128xi32, #tpu.memory_space<vmem>> -> memref<128xi32, #tpu.memory_space<vmem>>
      %dma_start3A_129 = arith.constant 0 : i32
      %dma_start3A_130 = arith.constant 0 : i32
      %dma_start3A_131 = tpu.memref_slice %arg2[%dma_start3A_129, %dma_start3A_130] : memref<174080x32xf32, #tpu.memory_space<hbm>> -> memref<174080x32xf32, #tpu.memory_space<hbm>>
      tpu.enqueue_indirect_dma source(%dma_start3A_131 : memref<174080x32xf32, #tpu.memory_space<hbm>>) target(%dma_start3A_125 : memref<128x32xf32, #tpu.memory_space<vmem>>) offsets(%dma_start3A_128 : memref<128xi32, #tpu.memory_space<vmem>>) semaphore(%arg10 : memref<!tpu.dma_semaphore, #tpu.memory_space<semaphore_mem>>)
      %dma_start3A_132 = arith.constant 8 : i32
      %dma_start3A_133 = arith.constant 8 : i32
      %dma_start3A_134 = arith.constant 0 : i32
      %dma_start3A_135 = arith.constant 0 : i32
      %dma_start3A_136 = tpu.memref_slice %arg7[%dma_start3A_133, %dma_start3A_134, %dma_start3A_135] : memref<16x128x32xf32, #tpu.memory_space<vmem>> -> memref<1x128x32xf32, #tpu.memory_space<vmem>>
      %dma_start3A_137 = tpu.memref_squeeze %dma_start3A_136 : memref<1x128x32xf32, #tpu.memory_space<vmem>> -> memref<128x32xf32, #tpu.memory_space<vmem>>
      %dma_start3A_138 = arith.constant 0 : i32
      %dma_start3A_139 = tpu.memref_slice %arg6[%dma_start3A_132, %dma_start3A_138] : memref<16x128xi32, #tpu.memory_space<vmem>> -> memref<1x128xi32, #tpu.memory_space<vmem>>
      %dma_start3A_140 = tpu.memref_squeeze %dma_start3A_139 : memref<1x128xi32, #tpu.memory_space<vmem>> -> memref<128xi32, #tpu.memory_space<vmem>>
      %dma_start3A_141 = arith.constant 0 : i32
      %dma_start3A_142 = arith.constant 0 : i32
      %dma_start3A_143 = tpu.memref_slice %arg2[%dma_start3A_141, %dma_start3A_142] : memref<174080x32xf32, #tpu.memory_space<hbm>> -> memref<174080x32xf32, #tpu.memory_space<hbm>>
      tpu.enqueue_indirect_dma source(%dma_start3A_143 : memref<174080x32xf32, #tpu.memory_space<hbm>>) target(%dma_start3A_137 : memref<128x32xf32, #tpu.memory_space<vmem>>) offsets(%dma_start3A_140 : memref<128xi32, #tpu.memory_space<vmem>>) semaphore(%arg10 : memref<!tpu.dma_semaphore, #tpu.memory_space<semaphore_mem>>)
      %dma_start3A_144 = arith.constant 9 : i32
      %dma_start3A_145 = arith.constant 9 : i32
      %dma_start3A_146 = arith.constant 0 : i32
      %dma_start3A_147 = arith.constant 0 : i32
      %dma_start3A_148 = tpu.memref_slice %arg7[%dma_start3A_145, %dma_start3A_146, %dma_start3A_147] : memref<16x128x32xf32, #tpu.memory_space<vmem>> -> memref<1x128x32xf32, #tpu.memory_space<vmem>>
      %dma_start3A_149 = tpu.memref_squeeze %dma_start3A_148 : memref<1x128x32xf32, #tpu.memory_space<vmem>> -> memref<128x32xf32, #tpu.memory_space<vmem>>
      %dma_start3A_150 = arith.constant 0 : i32
      %dma_start3A_151 = tpu.memref_slice %arg6[%dma_start3A_144, %dma_start3A_150] : memref<16x128xi32, #tpu.memory_space<vmem>> -> memref<1x128xi32, #tpu.memory_space<vmem>>
      %dma_start3A_152 = tpu.memref_squeeze %dma_start3A_151 : memref<1x128xi32, #tpu.memory_space<vmem>> -> memref<128xi32, #tpu.memory_space<vmem>>
      %dma_start3A_153 = arith.constant 0 : i32
      %dma_start3A_154 = arith.constant 0 : i32
      %dma_start3A_155 = tpu.memref_slice %arg2[%dma_start3A_153, %dma_start3A_154] : memref<174080x32xf32, #tpu.memory_space<hbm>> -> memref<174080x32xf32, #tpu.memory_space<hbm>>
      tpu.enqueue_indirect_dma source(%dma_start3A_155 : memref<174080x32xf32, #tpu.memory_space<hbm>>) target(%dma_start3A_149 : memref<128x32xf32, #tpu.memory_space<vmem>>) offsets(%dma_start3A_152 : memref<128xi32, #tpu.memory_space<vmem>>) semaphore(%arg10 : memref<!tpu.dma_semaphore, #tpu.memory_space<semaphore_mem>>)
      %dma_start3A_156 = arith.constant 10 : i32
      %dma_start3A_157 = arith.constant 10 : i32
      %dma_start3A_158 = arith.constant 0 : i32
      %dma_start3A_159 = arith.constant 0 : i32
      %dma_start3A_160 = tpu.memref_slice %arg7[%dma_start3A_157, %dma_start3A_158, %dma_start3A_159] : memref<16x128x32xf32, #tpu.memory_space<vmem>> -> memref<1x128x32xf32, #tpu.memory_space<vmem>>
      %dma_start3A_161 = tpu.memref_squeeze %dma_start3A_160 : memref<1x128x32xf32, #tpu.memory_space<vmem>> -> memref<128x32xf32, #tpu.memory_space<vmem>>
      %dma_start3A_162 = arith.constant 0 : i32
      %dma_start3A_163 = tpu.memref_slice %arg6[%dma_start3A_156, %dma_start3A_162] : memref<16x128xi32, #tpu.memory_space<vmem>> -> memref<1x128xi32, #tpu.memory_space<vmem>>
      %dma_start3A_164 = tpu.memref_squeeze %dma_start3A_163 : memref<1x128xi32, #tpu.memory_space<vmem>> -> memref<128xi32, #tpu.memory_space<vmem>>
      %dma_start3A_165 = arith.constant 0 : i32
      %dma_start3A_166 = arith.constant 0 : i32
      %dma_start3A_167 = tpu.memref_slice %arg2[%dma_start3A_165, %dma_start3A_166] : memref<174080x32xf32, #tpu.memory_space<hbm>> -> memref<174080x32xf32, #tpu.memory_space<hbm>>
      tpu.enqueue_indirect_dma source(%dma_start3A_167 : memref<174080x32xf32, #tpu.memory_space<hbm>>) target(%dma_start3A_161 : memref<128x32xf32, #tpu.memory_space<vmem>>) offsets(%dma_start3A_164 : memref<128xi32, #tpu.memory_space<vmem>>) semaphore(%arg10 : memref<!tpu.dma_semaphore, #tpu.memory_space<semaphore_mem>>)
      %dma_start3A_168 = arith.constant 11 : i32
      %dma_start3A_169 = arith.constant 11 : i32
      %dma_start3A_170 = arith.constant 0 : i32
      %dma_start3A_171 = arith.constant 0 : i32
      %dma_start3A_172 = tpu.memref_slice %arg7[%dma_start3A_169, %dma_start3A_170, %dma_start3A_171] : memref<16x128x32xf32, #tpu.memory_space<vmem>> -> memref<1x128x32xf32, #tpu.memory_space<vmem>>
      %dma_start3A_173 = tpu.memref_squeeze %dma_start3A_172 : memref<1x128x32xf32, #tpu.memory_space<vmem>> -> memref<128x32xf32, #tpu.memory_space<vmem>>
      %dma_start3A_174 = arith.constant 0 : i32
      %dma_start3A_175 = tpu.memref_slice %arg6[%dma_start3A_168, %dma_start3A_174] : memref<16x128xi32, #tpu.memory_space<vmem>> -> memref<1x128xi32, #tpu.memory_space<vmem>>
      %dma_start3A_176 = tpu.memref_squeeze %dma_start3A_175 : memref<1x128xi32, #tpu.memory_space<vmem>> -> memref<128xi32, #tpu.memory_space<vmem>>
      %dma_start3A_177 = arith.constant 0 : i32
      %dma_start3A_178 = arith.constant 0 : i32
      %dma_start3A_179 = tpu.memref_slice %arg2[%dma_start3A_177, %dma_start3A_178] : memref<174080x32xf32, #tpu.memory_space<hbm>> -> memref<174080x32xf32, #tpu.memory_space<hbm>>
      tpu.enqueue_indirect_dma source(%dma_start3A_179 : memref<174080x32xf32, #tpu.memory_space<hbm>>) target(%dma_start3A_173 : memref<128x32xf32, #tpu.memory_space<vmem>>) offsets(%dma_start3A_176 : memref<128xi32, #tpu.memory_space<vmem>>) semaphore(%arg10 : memref<!tpu.dma_semaphore, #tpu.memory_space<semaphore_mem>>)
      %dma_start3A_180 = arith.constant 12 : i32
      %dma_start3A_181 = arith.constant 12 : i32
      %dma_start3A_182 = arith.constant 0 : i32
      %dma_start3A_183 = arith.constant 0 : i32
      %dma_start3A_184 = tpu.memref_slice %arg7[%dma_start3A_181, %dma_start3A_182, %dma_start3A_183] : memref<16x128x32xf32, #tpu.memory_space<vmem>> -> memref<1x128x32xf32, #tpu.memory_space<vmem>>
      %dma_start3A_185 = tpu.memref_squeeze %dma_start3A_184 : memref<1x128x32xf32, #tpu.memory_space<vmem>> -> memref<128x32xf32, #tpu.memory_space<vmem>>
      %dma_start3A_186 = arith.constant 0 : i32
      %dma_start3A_187 = tpu.memref_slice %arg6[%dma_start3A_180, %dma_start3A_186] : memref<16x128xi32, #tpu.memory_space<vmem>> -> memref<1x128xi32, #tpu.memory_space<vmem>>
      %dma_start3A_188 = tpu.memref_squeeze %dma_start3A_187 : memref<1x128xi32, #tpu.memory_space<vmem>> -> memref<128xi32, #tpu.memory_space<vmem>>
      %dma_start3A_189 = arith.constant 0 : i32
      %dma_start3A_190 = arith.constant 0 : i32
      %dma_start3A_191 = tpu.memref_slice %arg2[%dma_start3A_189, %dma_start3A_190] : memref<174080x32xf32, #tpu.memory_space<hbm>> -> memref<174080x32xf32, #tpu.memory_space<hbm>>
      tpu.enqueue_indirect_dma source(%dma_start3A_191 : memref<174080x32xf32, #tpu.memory_space<hbm>>) target(%dma_start3A_185 : memref<128x32xf32, #tpu.memory_space<vmem>>) offsets(%dma_start3A_188 : memref<128xi32, #tpu.memory_space<vmem>>) semaphore(%arg10 : memref<!tpu.dma_semaphore, #tpu.memory_space<semaphore_mem>>)
      %dma_start3A_192 = arith.constant 13 : i32
      %dma_start3A_193 = arith.constant 13 : i32
      %dma_start3A_194 = arith.constant 0 : i32
      %dma_start3A_195 = arith.constant 0 : i32
      %dma_start3A_196 = tpu.memref_slice %arg7[%dma_start3A_193, %dma_start3A_194, %dma_start3A_195] : memref<16x128x32xf32, #tpu.memory_space<vmem>> -> memref<1x128x32xf32, #tpu.memory_space<vmem>>
      %dma_start3A_197 = tpu.memref_squeeze %dma_start3A_196 : memref<1x128x32xf32, #tpu.memory_space<vmem>> -> memref<128x32xf32, #tpu.memory_space<vmem>>
      %dma_start3A_198 = arith.constant 0 : i32
      %dma_start3A_199 = tpu.memref_slice %arg6[%dma_start3A_192, %dma_start3A_198] : memref<16x128xi32, #tpu.memory_space<vmem>> -> memref<1x128xi32, #tpu.memory_space<vmem>>
      %dma_start3A_200 = tpu.memref_squeeze %dma_start3A_199 : memref<1x128xi32, #tpu.memory_space<vmem>> -> memref<128xi32, #tpu.memory_space<vmem>>
      %dma_start3A_201 = arith.constant 0 : i32
      %dma_start3A_202 = arith.constant 0 : i32
      %dma_start3A_203 = tpu.memref_slice %arg2[%dma_start3A_201, %dma_start3A_202] : memref<174080x32xf32, #tpu.memory_space<hbm>> -> memref<174080x32xf32, #tpu.memory_space<hbm>>
      tpu.enqueue_indirect_dma source(%dma_start3A_203 : memref<174080x32xf32, #tpu.memory_space<hbm>>) target(%dma_start3A_197 : memref<128x32xf32, #tpu.memory_space<vmem>>) offsets(%dma_start3A_200 : memref<128xi32, #tpu.memory_space<vmem>>) semaphore(%arg10 : memref<!tpu.dma_semaphore, #tpu.memory_space<semaphore_mem>>)
      %dma_start3A_204 = arith.constant 14 : i32
      %dma_start3A_205 = arith.constant 14 : i32
      %dma_start3A_206 = arith.constant 0 : i32
      %dma_start3A_207 = arith.constant 0 : i32
      %dma_start3A_208 = tpu.memref_slice %arg7[%dma_start3A_205, %dma_start3A_206, %dma_start3A_207] : memref<16x128x32xf32, #tpu.memory_space<vmem>> -> memref<1x128x32xf32, #tpu.memory_space<vmem>>
      %dma_start3A_209 = tpu.memref_squeeze %dma_start3A_208 : memref<1x128x32xf32, #tpu.memory_space<vmem>> -> memref<128x32xf32, #tpu.memory_space<vmem>>
      %dma_start3A_210 = arith.constant 0 : i32
      %dma_start3A_211 = tpu.memref_slice %arg6[%dma_start3A_204, %dma_start3A_210] : memref<16x128xi32, #tpu.memory_space<vmem>> -> memref<1x128xi32, #tpu.memory_space<vmem>>
      %dma_start3A_212 = tpu.memref_squeeze %dma_start3A_211 : memref<1x128xi32, #tpu.memory_space<vmem>> -> memref<128xi32, #tpu.memory_space<vmem>>
      %dma_start3A_213 = arith.constant 0 : i32
      %dma_start3A_214 = arith.constant 0 : i32
      %dma_start3A_215 = tpu.memref_slice %arg2[%dma_start3A_213, %dma_start3A_214] : memref<174080x32xf32, #tpu.memory_space<hbm>> -> memref<174080x32xf32, #tpu.memory_space<hbm>>
      tpu.enqueue_indirect_dma source(%dma_start3A_215 : memref<174080x32xf32, #tpu.memory_space<hbm>>) target(%dma_start3A_209 : memref<128x32xf32, #tpu.memory_space<vmem>>) offsets(%dma_start3A_212 : memref<128xi32, #tpu.memory_space<vmem>>) semaphore(%arg10 : memref<!tpu.dma_semaphore, #tpu.memory_space<semaphore_mem>>)
      %dma_start3A_216 = arith.constant 15 : i32
      %dma_start3A_217 = arith.constant 15 : i32
      %dma_start3A_218 = arith.constant 0 : i32
      %dma_start3A_219 = arith.constant 0 : i32
      %dma_start3A_220 = tpu.memref_slice %arg7[%dma_start3A_217, %dma_start3A_218, %dma_start3A_219] : memref<16x128x32xf32, #tpu.memory_space<vmem>> -> memref<1x128x32xf32, #tpu.memory_space<vmem>>
      %dma_start3A_221 = tpu.memref_squeeze %dma_start3A_220 : memref<1x128x32xf32, #tpu.memory_space<vmem>> -> memref<128x32xf32, #tpu.memory_space<vmem>>
      %dma_start3A_222 = arith.constant 0 : i32
      %dma_start3A_223 = tpu.memref_slice %arg6[%dma_start3A_216, %dma_start3A_222] : memref<16x128xi32, #tpu.memory_space<vmem>> -> memref<1x128xi32, #tpu.memory_space<vmem>>
      %dma_start3A_224 = tpu.memref_squeeze %dma_start3A_223 : memref<1x128xi32, #tpu.memory_space<vmem>> -> memref<128xi32, #tpu.memory_space<vmem>>
      %dma_start3A_225 = arith.constant 0 : i32
      %dma_start3A_226 = arith.constant 0 : i32
      %dma_start3A_227 = tpu.memref_slice %arg2[%dma_start3A_225, %dma_start3A_226] : memref<174080x32xf32, #tpu.memory_space<hbm>> -> memref<174080x32xf32, #tpu.memory_space<hbm>>
      tpu.enqueue_indirect_dma source(%dma_start3A_227 : memref<174080x32xf32, #tpu.memory_space<hbm>>) target(%dma_start3A_221 : memref<128x32xf32, #tpu.memory_space<vmem>>) offsets(%dma_start3A_224 : memref<128xi32, #tpu.memory_space<vmem>>) semaphore(%arg10 : memref<!tpu.dma_semaphore, #tpu.memory_space<semaphore_mem>>)
      %dma_wait3A = arith.constant 0 : i32
      %dma_wait3A_228 = arith.constant 0 : i32
      %dma_wait3A_229 = arith.constant 0 : i32
      %dma_wait3A_230 = arith.constant 0 : i32
      %dma_wait3A_231 = tpu.memref_slice %arg7[%dma_wait3A_228, %dma_wait3A_229, %dma_wait3A_230] : memref<16x128x32xf32, #tpu.memory_space<vmem>> -> memref<1x128x32xf32, #tpu.memory_space<vmem>>
      %dma_wait3A_232 = tpu.memref_squeeze %dma_wait3A_231 : memref<1x128x32xf32, #tpu.memory_space<vmem>> -> memref<128x32xf32, #tpu.memory_space<vmem>>
      %dma_wait3A_233 = arith.constant 0 : i32
      %dma_wait3A_234 = tpu.memref_slice %arg6[%dma_wait3A, %dma_wait3A_233] : memref<16x128xi32, #tpu.memory_space<vmem>> -> memref<1x128xi32, #tpu.memory_space<vmem>>
      %dma_wait3A_235 = tpu.memref_squeeze %dma_wait3A_234 : memref<1x128xi32, #tpu.memory_space<vmem>> -> memref<128xi32, #tpu.memory_space<vmem>>
      %dma_wait3A_236 = arith.constant 0 : i32
      %dma_wait3A_237 = arith.constant 0 : i32
      %dma_wait3A_238 = tpu.memref_slice %arg2[%dma_wait3A_236, %dma_wait3A_237] : memref<174080x32xf32, #tpu.memory_space<hbm>> -> memref<174080x32xf32, #tpu.memory_space<hbm>>
      tpu.wait_indirect_dma semaphore(%arg10 : memref<!tpu.dma_semaphore, #tpu.memory_space<semaphore_mem>>) src(%dma_wait3A_238 : memref<174080x32xf32, #tpu.memory_space<hbm>>) dst(%dma_wait3A_232 : memref<128x32xf32, #tpu.memory_space<vmem>>)
      %dma_wait3A_239 = arith.constant 1 : i32
      %dma_wait3A_240 = arith.constant 1 : i32
      %dma_wait3A_241 = arith.constant 0 : i32
      %dma_wait3A_242 = arith.constant 0 : i32
      %dma_wait3A_243 = tpu.memref_slice %arg7[%dma_wait3A_240, %dma_wait3A_241, %dma_wait3A_242] : memref<16x128x32xf32, #tpu.memory_space<vmem>> -> memref<1x128x32xf32, #tpu.memory_space<vmem>>
      %dma_wait3A_244 = tpu.memref_squeeze %dma_wait3A_243 : memref<1x128x32xf32, #tpu.memory_space<vmem>> -> memref<128x32xf32, #tpu.memory_space<vmem>>
      %dma_wait3A_245 = arith.constant 0 : i32
      %dma_wait3A_246 = tpu.memref_slice %arg6[%dma_wait3A_239, %dma_wait3A_245] : memref<16x128xi32, #tpu.memory_space<vmem>> -> memref<1x128xi32, #tpu.memory_space<vmem>>
      %dma_wait3A_247 = tpu.memref_squeeze %dma_wait3A_246 : memref<1x128xi32, #tpu.memory_space<vmem>> -> memref<128xi32, #tpu.memory_space<vmem>>
      %dma_wait3A_248 = arith.constant 0 : i32
      %dma_wait3A_249 = arith.constant 0 : i32
      %dma_wait3A_250 = tpu.memref_slice %arg2[%dma_wait3A_248, %dma_wait3A_249] : memref<174080x32xf32, #tpu.memory_space<hbm>> -> memref<174080x32xf32, #tpu.memory_space<hbm>>
      tpu.wait_indirect_dma semaphore(%arg10 : memref<!tpu.dma_semaphore, #tpu.memory_space<semaphore_mem>>) src(%dma_wait3A_250 : memref<174080x32xf32, #tpu.memory_space<hbm>>) dst(%dma_wait3A_244 : memref<128x32xf32, #tpu.memory_space<vmem>>)
      %dma_wait3A_251 = arith.constant 2 : i32
      %dma_wait3A_252 = arith.constant 2 : i32
      %dma_wait3A_253 = arith.constant 0 : i32
      %dma_wait3A_254 = arith.constant 0 : i32
      %dma_wait3A_255 = tpu.memref_slice %arg7[%dma_wait3A_252, %dma_wait3A_253, %dma_wait3A_254] : memref<16x128x32xf32, #tpu.memory_space<vmem>> -> memref<1x128x32xf32, #tpu.memory_space<vmem>>
      %dma_wait3A_256 = tpu.memref_squeeze %dma_wait3A_255 : memref<1x128x32xf32, #tpu.memory_space<vmem>> -> memref<128x32xf32, #tpu.memory_space<vmem>>
      %dma_wait3A_257 = arith.constant 0 : i32
      %dma_wait3A_258 = tpu.memref_slice %arg6[%dma_wait3A_251, %dma_wait3A_257] : memref<16x128xi32, #tpu.memory_space<vmem>> -> memref<1x128xi32, #tpu.memory_space<vmem>>
      %dma_wait3A_259 = tpu.memref_squeeze %dma_wait3A_258 : memref<1x128xi32, #tpu.memory_space<vmem>> -> memref<128xi32, #tpu.memory_space<vmem>>
      %dma_wait3A_260 = arith.constant 0 : i32
      %dma_wait3A_261 = arith.constant 0 : i32
      %dma_wait3A_262 = tpu.memref_slice %arg2[%dma_wait3A_260, %dma_wait3A_261] : memref<174080x32xf32, #tpu.memory_space<hbm>> -> memref<174080x32xf32, #tpu.memory_space<hbm>>
      tpu.wait_indirect_dma semaphore(%arg10 : memref<!tpu.dma_semaphore, #tpu.memory_space<semaphore_mem>>) src(%dma_wait3A_262 : memref<174080x32xf32, #tpu.memory_space<hbm>>) dst(%dma_wait3A_256 : memref<128x32xf32, #tpu.memory_space<vmem>>)
      %dma_wait3A_263 = arith.constant 3 : i32
      %dma_wait3A_264 = arith.constant 3 : i32
      %dma_wait3A_265 = arith.constant 0 : i32
      %dma_wait3A_266 = arith.constant 0 : i32
      %dma_wait3A_267 = tpu.memref_slice %arg7[%dma_wait3A_264, %dma_wait3A_265, %dma_wait3A_266] : memref<16x128x32xf32, #tpu.memory_space<vmem>> -> memref<1x128x32xf32, #tpu.memory_space<vmem>>
      %dma_wait3A_268 = tpu.memref_squeeze %dma_wait3A_267 : memref<1x128x32xf32, #tpu.memory_space<vmem>> -> memref<128x32xf32, #tpu.memory_space<vmem>>
      %dma_wait3A_269 = arith.constant 0 : i32
      %dma_wait3A_270 = tpu.memref_slice %arg6[%dma_wait3A_263, %dma_wait3A_269] : memref<16x128xi32, #tpu.memory_space<vmem>> -> memref<1x128xi32, #tpu.memory_space<vmem>>
      %dma_wait3A_271 = tpu.memref_squeeze %dma_wait3A_270 : memref<1x128xi32, #tpu.memory_space<vmem>> -> memref<128xi32, #tpu.memory_space<vmem>>
      %dma_wait3A_272 = arith.constant 0 : i32
      %dma_wait3A_273 = arith.constant 0 : i32
      %dma_wait3A_274 = tpu.memref_slice %arg2[%dma_wait3A_272, %dma_wait3A_273] : memref<174080x32xf32, #tpu.memory_space<hbm>> -> memref<174080x32xf32, #tpu.memory_space<hbm>>
      tpu.wait_indirect_dma semaphore(%arg10 : memref<!tpu.dma_semaphore, #tpu.memory_space<semaphore_mem>>) src(%dma_wait3A_274 : memref<174080x32xf32, #tpu.memory_space<hbm>>) dst(%dma_wait3A_268 : memref<128x32xf32, #tpu.memory_space<vmem>>)
      %dma_wait3A_275 = arith.constant 4 : i32
      %dma_wait3A_276 = arith.constant 4 : i32
      %dma_wait3A_277 = arith.constant 0 : i32
      %dma_wait3A_278 = arith.constant 0 : i32
      %dma_wait3A_279 = tpu.memref_slice %arg7[%dma_wait3A_276, %dma_wait3A_277, %dma_wait3A_278] : memref<16x128x32xf32, #tpu.memory_space<vmem>> -> memref<1x128x32xf32, #tpu.memory_space<vmem>>
      %dma_wait3A_280 = tpu.memref_squeeze %dma_wait3A_279 : memref<1x128x32xf32, #tpu.memory_space<vmem>> -> memref<128x32xf32, #tpu.memory_space<vmem>>
      %dma_wait3A_281 = arith.constant 0 : i32
      %dma_wait3A_282 = tpu.memref_slice %arg6[%dma_wait3A_275, %dma_wait3A_281] : memref<16x128xi32, #tpu.memory_space<vmem>> -> memref<1x128xi32, #tpu.memory_space<vmem>>
      %dma_wait3A_283 = tpu.memref_squeeze %dma_wait3A_282 : memref<1x128xi32, #tpu.memory_space<vmem>> -> memref<128xi32, #tpu.memory_space<vmem>>
      %dma_wait3A_284 = arith.constant 0 : i32
      %dma_wait3A_285 = arith.constant 0 : i32
      %dma_wait3A_286 = tpu.memref_slice %arg2[%dma_wait3A_284, %dma_wait3A_285] : memref<174080x32xf32, #tpu.memory_space<hbm>> -> memref<174080x32xf32, #tpu.memory_space<hbm>>
      tpu.wait_indirect_dma semaphore(%arg10 : memref<!tpu.dma_semaphore, #tpu.memory_space<semaphore_mem>>) src(%dma_wait3A_286 : memref<174080x32xf32, #tpu.memory_space<hbm>>) dst(%dma_wait3A_280 : memref<128x32xf32, #tpu.memory_space<vmem>>)
      %dma_wait3A_287 = arith.constant 5 : i32
      %dma_wait3A_288 = arith.constant 5 : i32
      %dma_wait3A_289 = arith.constant 0 : i32
      %dma_wait3A_290 = arith.constant 0 : i32
      %dma_wait3A_291 = tpu.memref_slice %arg7[%dma_wait3A_288, %dma_wait3A_289, %dma_wait3A_290] : memref<16x128x32xf32, #tpu.memory_space<vmem>> -> memref<1x128x32xf32, #tpu.memory_space<vmem>>
      %dma_wait3A_292 = tpu.memref_squeeze %dma_wait3A_291 : memref<1x128x32xf32, #tpu.memory_space<vmem>> -> memref<128x32xf32, #tpu.memory_space<vmem>>
      %dma_wait3A_293 = arith.constant 0 : i32
      %dma_wait3A_294 = tpu.memref_slice %arg6[%dma_wait3A_287, %dma_wait3A_293] : memref<16x128xi32, #tpu.memory_space<vmem>> -> memref<1x128xi32, #tpu.memory_space<vmem>>
      %dma_wait3A_295 = tpu.memref_squeeze %dma_wait3A_294 : memref<1x128xi32, #tpu.memory_space<vmem>> -> memref<128xi32, #tpu.memory_space<vmem>>
      %dma_wait3A_296 = arith.constant 0 : i32
      %dma_wait3A_297 = arith.constant 0 : i32
      %dma_wait3A_298 = tpu.memref_slice %arg2[%dma_wait3A_296, %dma_wait3A_297] : memref<174080x32xf32, #tpu.memory_space<hbm>> -> memref<174080x32xf32, #tpu.memory_space<hbm>>
      tpu.wait_indirect_dma semaphore(%arg10 : memref<!tpu.dma_semaphore, #tpu.memory_space<semaphore_mem>>) src(%dma_wait3A_298 : memref<174080x32xf32, #tpu.memory_space<hbm>>) dst(%dma_wait3A_292 : memref<128x32xf32, #tpu.memory_space<vmem>>)
      %dma_wait3A_299 = arith.constant 6 : i32
      %dma_wait3A_300 = arith.constant 6 : i32
      %dma_wait3A_301 = arith.constant 0 : i32
      %dma_wait3A_302 = arith.constant 0 : i32
      %dma_wait3A_303 = tpu.memref_slice %arg7[%dma_wait3A_300, %dma_wait3A_301, %dma_wait3A_302] : memref<16x128x32xf32, #tpu.memory_space<vmem>> -> memref<1x128x32xf32, #tpu.memory_space<vmem>>
      %dma_wait3A_304 = tpu.memref_squeeze %dma_wait3A_303 : memref<1x128x32xf32, #tpu.memory_space<vmem>> -> memref<128x32xf32, #tpu.memory_space<vmem>>
      %dma_wait3A_305 = arith.constant 0 : i32
      %dma_wait3A_306 = tpu.memref_slice %arg6[%dma_wait3A_299, %dma_wait3A_305] : memref<16x128xi32, #tpu.memory_space<vmem>> -> memref<1x128xi32, #tpu.memory_space<vmem>>
      %dma_wait3A_307 = tpu.memref_squeeze %dma_wait3A_306 : memref<1x128xi32, #tpu.memory_space<vmem>> -> memref<128xi32, #tpu.memory_space<vmem>>
      %dma_wait3A_308 = arith.constant 0 : i32
      %dma_wait3A_309 = arith.constant 0 : i32
      %dma_wait3A_310 = tpu.memref_slice %arg2[%dma_wait3A_308, %dma_wait3A_309] : memref<174080x32xf32, #tpu.memory_space<hbm>> -> memref<174080x32xf32, #tpu.memory_space<hbm>>
      tpu.wait_indirect_dma semaphore(%arg10 : memref<!tpu.dma_semaphore, #tpu.memory_space<semaphore_mem>>) src(%dma_wait3A_310 : memref<174080x32xf32, #tpu.memory_space<hbm>>) dst(%dma_wait3A_304 : memref<128x32xf32, #tpu.memory_space<vmem>>)
      %dma_wait3A_311 = arith.constant 7 : i32
      %dma_wait3A_312 = arith.constant 7 : i32
      %dma_wait3A_313 = arith.constant 0 : i32
      %dma_wait3A_314 = arith.constant 0 : i32
      %dma_wait3A_315 = tpu.memref_slice %arg7[%dma_wait3A_312, %dma_wait3A_313, %dma_wait3A_314] : memref<16x128x32xf32, #tpu.memory_space<vmem>> -> memref<1x128x32xf32, #tpu.memory_space<vmem>>
      %dma_wait3A_316 = tpu.memref_squeeze %dma_wait3A_315 : memref<1x128x32xf32, #tpu.memory_space<vmem>> -> memref<128x32xf32, #tpu.memory_space<vmem>>
      %dma_wait3A_317 = arith.constant 0 : i32
      %dma_wait3A_318 = tpu.memref_slice %arg6[%dma_wait3A_311, %dma_wait3A_317] : memref<16x128xi32, #tpu.memory_space<vmem>> -> memref<1x128xi32, #tpu.memory_space<vmem>>
      %dma_wait3A_319 = tpu.memref_squeeze %dma_wait3A_318 : memref<1x128xi32, #tpu.memory_space<vmem>> -> memref<128xi32, #tpu.memory_space<vmem>>
      %dma_wait3A_320 = arith.constant 0 : i32
      %dma_wait3A_321 = arith.constant 0 : i32
      %dma_wait3A_322 = tpu.memref_slice %arg2[%dma_wait3A_320, %dma_wait3A_321] : memref<174080x32xf32, #tpu.memory_space<hbm>> -> memref<174080x32xf32, #tpu.memory_space<hbm>>
      tpu.wait_indirect_dma semaphore(%arg10 : memref<!tpu.dma_semaphore, #tpu.memory_space<semaphore_mem>>) src(%dma_wait3A_322 : memref<174080x32xf32, #tpu.memory_space<hbm>>) dst(%dma_wait3A_316 : memref<128x32xf32, #tpu.memory_space<vmem>>)
      %dma_wait3A_323 = arith.constant 8 : i32
      %dma_wait3A_324 = arith.constant 8 : i32
      %dma_wait3A_325 = arith.constant 0 : i32
      %dma_wait3A_326 = arith.constant 0 : i32
      %dma_wait3A_327 = tpu.memref_slice %arg7[%dma_wait3A_324, %dma_wait3A_325, %dma_wait3A_326] : memref<16x128x32xf32, #tpu.memory_space<vmem>> -> memref<1x128x32xf32, #tpu.memory_space<vmem>>
      %dma_wait3A_328 = tpu.memref_squeeze %dma_wait3A_327 : memref<1x128x32xf32, #tpu.memory_space<vmem>> -> memref<128x32xf32, #tpu.memory_space<vmem>>
      %dma_wait3A_329 = arith.constant 0 : i32
      %dma_wait3A_330 = tpu.memref_slice %arg6[%dma_wait3A_323, %dma_wait3A_329] : memref<16x128xi32, #tpu.memory_space<vmem>> -> memref<1x128xi32, #tpu.memory_space<vmem>>
      %dma_wait3A_331 = tpu.memref_squeeze %dma_wait3A_330 : memref<1x128xi32, #tpu.memory_space<vmem>> -> memref<128xi32, #tpu.memory_space<vmem>>
      %dma_wait3A_332 = arith.constant 0 : i32
      %dma_wait3A_333 = arith.constant 0 : i32
      %dma_wait3A_334 = tpu.memref_slice %arg2[%dma_wait3A_332, %dma_wait3A_333] : memref<174080x32xf32, #tpu.memory_space<hbm>> -> memref<174080x32xf32, #tpu.memory_space<hbm>>
      tpu.wait_indirect_dma semaphore(%arg10 : memref<!tpu.dma_semaphore, #tpu.memory_space<semaphore_mem>>) src(%dma_wait3A_334 : memref<174080x32xf32, #tpu.memory_space<hbm>>) dst(%dma_wait3A_328 : memref<128x32xf32, #tpu.memory_space<vmem>>)
      %dma_wait3A_335 = arith.constant 9 : i32
      %dma_wait3A_336 = arith.constant 9 : i32
      %dma_wait3A_337 = arith.constant 0 : i32
      %dma_wait3A_338 = arith.constant 0 : i32
      %dma_wait3A_339 = tpu.memref_slice %arg7[%dma_wait3A_336, %dma_wait3A_337, %dma_wait3A_338] : memref<16x128x32xf32, #tpu.memory_space<vmem>> -> memref<1x128x32xf32, #tpu.memory_space<vmem>>
      %dma_wait3A_340 = tpu.memref_squeeze %dma_wait3A_339 : memref<1x128x32xf32, #tpu.memory_space<vmem>> -> memref<128x32xf32, #tpu.memory_space<vmem>>
      %dma_wait3A_341 = arith.constant 0 : i32
      %dma_wait3A_342 = tpu.memref_slice %arg6[%dma_wait3A_335, %dma_wait3A_341] : memref<16x128xi32, #tpu.memory_space<vmem>> -> memref<1x128xi32, #tpu.memory_space<vmem>>
      %dma_wait3A_343 = tpu.memref_squeeze %dma_wait3A_342 : memref<1x128xi32, #tpu.memory_space<vmem>> -> memref<128xi32, #tpu.memory_space<vmem>>
      %dma_wait3A_344 = arith.constant 0 : i32
      %dma_wait3A_345 = arith.constant 0 : i32
      %dma_wait3A_346 = tpu.memref_slice %arg2[%dma_wait3A_344, %dma_wait3A_345] : memref<174080x32xf32, #tpu.memory_space<hbm>> -> memref<174080x32xf32, #tpu.memory_space<hbm>>
      tpu.wait_indirect_dma semaphore(%arg10 : memref<!tpu.dma_semaphore, #tpu.memory_space<semaphore_mem>>) src(%dma_wait3A_346 : memref<174080x32xf32, #tpu.memory_space<hbm>>) dst(%dma_wait3A_340 : memref<128x32xf32, #tpu.memory_space<vmem>>)
      %dma_wait3A_347 = arith.constant 10 : i32
      %dma_wait3A_348 = arith.constant 10 : i32
      %dma_wait3A_349 = arith.constant 0 : i32
      %dma_wait3A_350 = arith.constant 0 : i32
      %dma_wait3A_351 = tpu.memref_slice %arg7[%dma_wait3A_348, %dma_wait3A_349, %dma_wait3A_350] : memref<16x128x32xf32, #tpu.memory_space<vmem>> -> memref<1x128x32xf32, #tpu.memory_space<vmem>>
      %dma_wait3A_352 = tpu.memref_squeeze %dma_wait3A_351 : memref<1x128x32xf32, #tpu.memory_space<vmem>> -> memref<128x32xf32, #tpu.memory_space<vmem>>
      %dma_wait3A_353 = arith.constant 0 : i32
      %dma_wait3A_354 = tpu.memref_slice %arg6[%dma_wait3A_347, %dma_wait3A_353] : memref<16x128xi32, #tpu.memory_space<vmem>> -> memref<1x128xi32, #tpu.memory_space<vmem>>
      %dma_wait3A_355 = tpu.memref_squeeze %dma_wait3A_354 : memref<1x128xi32, #tpu.memory_space<vmem>> -> memref<128xi32, #tpu.memory_space<vmem>>
      %dma_wait3A_356 = arith.constant 0 : i32
      %dma_wait3A_357 = arith.constant 0 : i32
      %dma_wait3A_358 = tpu.memref_slice %arg2[%dma_wait3A_356, %dma_wait3A_357] : memref<174080x32xf32, #tpu.memory_space<hbm>> -> memref<174080x32xf32, #tpu.memory_space<hbm>>
      tpu.wait_indirect_dma semaphore(%arg10 : memref<!tpu.dma_semaphore, #tpu.memory_space<semaphore_mem>>) src(%dma_wait3A_358 : memref<174080x32xf32, #tpu.memory_space<hbm>>) dst(%dma_wait3A_352 : memref<128x32xf32, #tpu.memory_space<vmem>>)
      %dma_wait3A_359 = arith.constant 11 : i32
      %dma_wait3A_360 = arith.constant 11 : i32
      %dma_wait3A_361 = arith.constant 0 : i32
      %dma_wait3A_362 = arith.constant 0 : i32
      %dma_wait3A_363 = tpu.memref_slice %arg7[%dma_wait3A_360, %dma_wait3A_361, %dma_wait3A_362] : memref<16x128x32xf32, #tpu.memory_space<vmem>> -> memref<1x128x32xf32, #tpu.memory_space<vmem>>
      %dma_wait3A_364 = tpu.memref_squeeze %dma_wait3A_363 : memref<1x128x32xf32, #tpu.memory_space<vmem>> -> memref<128x32xf32, #tpu.memory_space<vmem>>
      %dma_wait3A_365 = arith.constant 0 : i32
      %dma_wait3A_366 = tpu.memref_slice %arg6[%dma_wait3A_359, %dma_wait3A_365] : memref<16x128xi32, #tpu.memory_space<vmem>> -> memref<1x128xi32, #tpu.memory_space<vmem>>
      %dma_wait3A_367 = tpu.memref_squeeze %dma_wait3A_366 : memref<1x128xi32, #tpu.memory_space<vmem>> -> memref<128xi32, #tpu.memory_space<vmem>>
      %dma_wait3A_368 = arith.constant 0 : i32
      %dma_wait3A_369 = arith.constant 0 : i32
      %dma_wait3A_370 = tpu.memref_slice %arg2[%dma_wait3A_368, %dma_wait3A_369] : memref<174080x32xf32, #tpu.memory_space<hbm>> -> memref<174080x32xf32, #tpu.memory_space<hbm>>
      tpu.wait_indirect_dma semaphore(%arg10 : memref<!tpu.dma_semaphore, #tpu.memory_space<semaphore_mem>>) src(%dma_wait3A_370 : memref<174080x32xf32, #tpu.memory_space<hbm>>) dst(%dma_wait3A_364 : memref<128x32xf32, #tpu.memory_space<vmem>>)
      %dma_wait3A_371 = arith.constant 12 : i32
      %dma_wait3A_372 = arith.constant 12 : i32
      %dma_wait3A_373 = arith.constant 0 : i32
      %dma_wait3A_374 = arith.constant 0 : i32
      %dma_wait3A_375 = tpu.memref_slice %arg7[%dma_wait3A_372, %dma_wait3A_373, %dma_wait3A_374] : memref<16x128x32xf32, #tpu.memory_space<vmem>> -> memref<1x128x32xf32, #tpu.memory_space<vmem>>
      %dma_wait3A_376 = tpu.memref_squeeze %dma_wait3A_375 : memref<1x128x32xf32, #tpu.memory_space<vmem>> -> memref<128x32xf32, #tpu.memory_space<vmem>>
      %dma_wait3A_377 = arith.constant 0 : i32
      %dma_wait3A_378 = tpu.memref_slice %arg6[%dma_wait3A_371, %dma_wait3A_377] : memref<16x128xi32, #tpu.memory_space<vmem>> -> memref<1x128xi32, #tpu.memory_space<vmem>>
      %dma_wait3A_379 = tpu.memref_squeeze %dma_wait3A_378 : memref<1x128xi32, #tpu.memory_space<vmem>> -> memref<128xi32, #tpu.memory_space<vmem>>
      %dma_wait3A_380 = arith.constant 0 : i32
      %dma_wait3A_381 = arith.constant 0 : i32
      %dma_wait3A_382 = tpu.memref_slice %arg2[%dma_wait3A_380, %dma_wait3A_381] : memref<174080x32xf32, #tpu.memory_space<hbm>> -> memref<174080x32xf32, #tpu.memory_space<hbm>>
      tpu.wait_indirect_dma semaphore(%arg10 : memref<!tpu.dma_semaphore, #tpu.memory_space<semaphore_mem>>) src(%dma_wait3A_382 : memref<174080x32xf32, #tpu.memory_space<hbm>>) dst(%dma_wait3A_376 : memref<128x32xf32, #tpu.memory_space<vmem>>)
      %dma_wait3A_383 = arith.constant 13 : i32
      %dma_wait3A_384 = arith.constant 13 : i32
      %dma_wait3A_385 = arith.constant 0 : i32
      %dma_wait3A_386 = arith.constant 0 : i32
      %dma_wait3A_387 = tpu.memref_slice %arg7[%dma_wait3A_384, %dma_wait3A_385, %dma_wait3A_386] : memref<16x128x32xf32, #tpu.memory_space<vmem>> -> memref<1x128x32xf32, #tpu.memory_space<vmem>>
      %dma_wait3A_388 = tpu.memref_squeeze %dma_wait3A_387 : memref<1x128x32xf32, #tpu.memory_space<vmem>> -> memref<128x32xf32, #tpu.memory_space<vmem>>
      %dma_wait3A_389 = arith.constant 0 : i32
      %dma_wait3A_390 = tpu.memref_slice %arg6[%dma_wait3A_383, %dma_wait3A_389] : memref<16x128xi32, #tpu.memory_space<vmem>> -> memref<1x128xi32, #tpu.memory_space<vmem>>
      %dma_wait3A_391 = tpu.memref_squeeze %dma_wait3A_390 : memref<1x128xi32, #tpu.memory_space<vmem>> -> memref<128xi32, #tpu.memory_space<vmem>>
      %dma_wait3A_392 = arith.constant 0 : i32
      %dma_wait3A_393 = arith.constant 0 : i32
      %dma_wait3A_394 = tpu.memref_slice %arg2[%dma_wait3A_392, %dma_wait3A_393] : memref<174080x32xf32, #tpu.memory_space<hbm>> -> memref<174080x32xf32, #tpu.memory_space<hbm>>
      tpu.wait_indirect_dma semaphore(%arg10 : memref<!tpu.dma_semaphore, #tpu.memory_space<semaphore_mem>>) src(%dma_wait3A_394 : memref<174080x32xf32, #tpu.memory_space<hbm>>) dst(%dma_wait3A_388 : memref<128x32xf32, #tpu.memory_space<vmem>>)
      %dma_wait3A_395 = arith.constant 14 : i32
      %dma_wait3A_396 = arith.constant 14 : i32
      %dma_wait3A_397 = arith.constant 0 : i32
      %dma_wait3A_398 = arith.constant 0 : i32
      %dma_wait3A_399 = tpu.memref_slice %arg7[%dma_wait3A_396, %dma_wait3A_397, %dma_wait3A_398] : memref<16x128x32xf32, #tpu.memory_space<vmem>> -> memref<1x128x32xf32, #tpu.memory_space<vmem>>
      %dma_wait3A_400 = tpu.memref_squeeze %dma_wait3A_399 : memref<1x128x32xf32, #tpu.memory_space<vmem>> -> memref<128x32xf32, #tpu.memory_space<vmem>>
      %dma_wait3A_401 = arith.constant 0 : i32
      %dma_wait3A_402 = tpu.memref_slice %arg6[%dma_wait3A_395, %dma_wait3A_401] : memref<16x128xi32, #tpu.memory_space<vmem>> -> memref<1x128xi32, #tpu.memory_space<vmem>>
      %dma_wait3A_403 = tpu.memref_squeeze %dma_wait3A_402 : memref<1x128xi32, #tpu.memory_space<vmem>> -> memref<128xi32, #tpu.memory_space<vmem>>
      %dma_wait3A_404 = arith.constant 0 : i32
      %dma_wait3A_405 = arith.constant 0 : i32
      %dma_wait3A_406 = tpu.memref_slice %arg2[%dma_wait3A_404, %dma_wait3A_405] : memref<174080x32xf32, #tpu.memory_space<hbm>> -> memref<174080x32xf32, #tpu.memory_space<hbm>>
      tpu.wait_indirect_dma semaphore(%arg10 : memref<!tpu.dma_semaphore, #tpu.memory_space<semaphore_mem>>) src(%dma_wait3A_406 : memref<174080x32xf32, #tpu.memory_space<hbm>>) dst(%dma_wait3A_400 : memref<128x32xf32, #tpu.memory_space<vmem>>)
      %dma_wait3A_407 = arith.constant 15 : i32
      %dma_wait3A_408 = arith.constant 15 : i32
      %dma_wait3A_409 = arith.constant 0 : i32
      %dma_wait3A_410 = arith.constant 0 : i32
      %dma_wait3A_411 = tpu.memref_slice %arg7[%dma_wait3A_408, %dma_wait3A_409, %dma_wait3A_410] : memref<16x128x32xf32, #tpu.memory_space<vmem>> -> memref<1x128x32xf32, #tpu.memory_space<vmem>>
      %dma_wait3A_412 = tpu.memref_squeeze %dma_wait3A_411 : memref<1x128x32xf32, #tpu.memory_space<vmem>> -> memref<128x32xf32, #tpu.memory_space<vmem>>
      %dma_wait3A_413 = arith.constant 0 : i32
      %dma_wait3A_414 = tpu.memref_slice %arg6[%dma_wait3A_407, %dma_wait3A_413] : memref<16x128xi32, #tpu.memory_space<vmem>> -> memref<1x128xi32, #tpu.memory_space<vmem>>
      %dma_wait3A_415 = tpu.memref_squeeze %dma_wait3A_414 : memref<1x128xi32, #tpu.memory_space<vmem>> -> memref<128xi32, #tpu.memory_space<vmem>>
      %dma_wait3A_416 = arith.constant 0 : i32
      %dma_wait3A_417 = arith.constant 0 : i32
      %dma_wait3A_418 = tpu.memref_slice %arg2[%dma_wait3A_416, %dma_wait3A_417] : memref<174080x32xf32, #tpu.memory_space<hbm>> -> memref<174080x32xf32, #tpu.memory_space<hbm>>
      tpu.wait_indirect_dma semaphore(%arg10 : memref<!tpu.dma_semaphore, #tpu.memory_space<semaphore_mem>>) src(%dma_wait3A_418 : memref<174080x32xf32, #tpu.memory_space<hbm>>) dst(%dma_wait3A_412 : memref<128x32xf32, #tpu.memory_space<vmem>>)
      %scan3A_419 = arith.constant 0 : i32
      %scan3A_420 = arith.constant 0 : i32
      %scan3A_421 = arith.constant 32 : i32
      %scan3A_422 = arith.addi %scan3A_420, %scan3A_421 : i32
      %scan3A_423 = arith.constant 1 : i32
      scf.for %scan3A_427 = %scan3A_420 to %scan3A_422 step %scan3A_423  : i32 {
        %jit3A_428 = arith.constant 2 : i32
        %div3A_429 = arith.divsi %scan3A_427, %jit3A_428 : i32
        %sign3A_430 = arith.constant 0 : i32
        %sign3A_431 = arith.cmpi sgt, %scan3A_427, %sign3A_430 : i32
        %sign3A_432 = arith.extui %sign3A_431 : i1 to i32
        %sign3A_433 = arith.constant 0 : i32
        %sign3A_434 = arith.cmpi slt, %scan3A_427, %sign3A_433 : i32
        %sign3A_435 = arith.extui %sign3A_434 : i1 to i32
        %sign3A_436 = arith.subi %sign3A_432, %sign3A_435 : i32
        %sign3A_437 = arith.constant 0 : i32
        %sign3A_438 = arith.cmpi sgt, %jit3A_428, %sign3A_437 : i32
        %sign3A_439 = arith.extui %sign3A_438 : i1 to i32
        %sign3A_440 = arith.constant 0 : i32
        %sign3A_441 = arith.cmpi slt, %jit3A_428, %sign3A_440 : i32
        %sign3A_442 = arith.extui %sign3A_441 : i1 to i32
        %sign3A_443 = arith.subi %sign3A_439, %sign3A_442 : i32
        %ne3A_444 = arith.cmpi ne, %sign3A_436, %sign3A_443 : i32
        %rem3A_445 = arith.remsi %scan3A_427, %jit3A_428 : i32
        %ne3A_446 = arith.constant 0 : i32
        %ne3A_447 = arith.cmpi ne, %rem3A_445, %ne3A_446 : i32
        %and3A_448 = arith.andi %ne3A_444, %ne3A_447 : i1
        %sub3A_449 = arith.constant 1 : i32
        %sub3A_450 = arith.subi %div3A_429, %sub3A_449 : i32
        %select_n3A_451 = arith.select %and3A_448, %sub3A_450, %div3A_429 : i32
        %jit3A_452 = arith.constant 2 : i32
        %eq3A_453 = arith.constant 0 : i32
        %eq3A_454 = arith.cmpi eq, %jit3A_452, %eq3A_453 : i32
        %jit3A_455 = arith.constant 1 : i32
        %select_n3A_456 = arith.select %eq3A_454, %jit3A_455, %jit3A_452 : i32
        %rem3A_457 = arith.remsi %scan3A_427, %select_n3A_456 : i32
        %ne3A_458 = arith.constant 0 : i32
        %ne3A_459 = arith.cmpi ne, %rem3A_457, %ne3A_458 : i32
        %lt3A_460 = arith.constant 0 : i32
        %lt3A_461 = arith.cmpi slt, %rem3A_457, %lt3A_460 : i32
        %lt3A_462 = arith.constant 0 : i32
        %lt3A_463 = arith.cmpi slt, %select_n3A_456, %lt3A_462 : i32
        %ne3A_464 = arith.xori %lt3A_461, %lt3A_463 : i1
        %and3A_465 = arith.andi %ne3A_464, %ne3A_459 : i1
        %add3A_466 = arith.addi %rem3A_457, %select_n3A_456 : i32
        %select_n3A_467 = arith.select %and3A_465, %add3A_466, %rem3A_457 : i32
        %mul3A_468 = arith.constant 64 : i32
        %mul3A_469 = arith.muli %select_n3A_467, %mul3A_468 : i32
        %mul3A_470 = arith.constant 64 : i32
        %mul3A_471 = arith.muli %scan3A_427, %mul3A_470 : i32
        %broadcast_in_dim3A = arith.constant 0.000000e+00 : f32
        %broadcast_in_dim3A_472 = vector.broadcast %broadcast_in_dim3A : f32 to vector<16xf32>
        %broadcast_in_dim3A_473 = arith.constant 0.000000e+00 : f32
        %broadcast_in_dim3A_474 = vector.broadcast %broadcast_in_dim3A_473 : f32 to vector<16xf32>
        %add3A_475 = arith.constant 0 : i32
        %add3A_476 = arith.addi %mul3A_471, %add3A_475 : i32
        %get3A = arith.index_cast %add3A_476 : i32 to index
        %get3A_477 = tpu.vector_load %arg8[%get3A] {strides = array<i32>} : memref<2048xf32, #tpu.memory_space<vmem>>, vector<16xf32>,
        %get3A_478 = vector.shape_cast %get3A_477 : vector<16xf32> to vector<16xf32>
        %slice3A = vector.extract_strided_slice %get3A_478 {offsets = [0], sizes = [1], strides = [1]} : vector<16xf32> to vector<1xf32>
        %squeeze3A = vector.extract %slice3A[0] : f32 from vector<1xf32>
        %add3A_479 = arith.constant 0 : i32
        %add3A_480 = arith.addi %mul3A_469, %add3A_479 : i32
        %get3A_481 = arith.index_cast %select_n3A_451 : i32 to index
        %get3A_482 = arith.index_cast %add3A_480 : i32 to index
        %get3A_483 = arith.constant 0 : index
        %get3A_484 = tpu.vector_load %arg7[%get3A_481, %get3A_482, %get3A_483] {strides = array<i32>} : memref<16x128x32xf32, #tpu.memory_space<vmem>>, vector<1x1x16xf32>,
        %get3A_485 = vector.shape_cast %get3A_484 : vector<1x1x16xf32> to vector<16xf32>
        %mul3A_486 = vector.broadcast %squeeze3A : f32 to vector<16xf32>
        %mul3A_487 = arith.mulf %mul3A_486, %get3A_485 : vector<16xf32>
        %add3A_488 = arith.addf %broadcast_in_dim3A_472, %mul3A_487 : vector<16xf32>
        %get3A_489 = arith.index_cast %select_n3A_451 : i32 to index
        %get3A_490 = arith.index_cast %add3A_480 : i32 to index
        %get3A_491 = arith.constant 16 : index
        %get3A_492 = tpu.vector_load %arg7[%get3A_489, %get3A_490, %get3A_491] {strides = array<i32>} : memref<16x128x32xf32, #tpu.memory_space<vmem>>, vector<1x1x16xf32>,
        %get3A_493 = vector.shape_cast %get3A_492 : vector<1x1x16xf32> to vector<16xf32>
        %mul3A_494 = vector.broadcast %squeeze3A : f32 to vector<16xf32>
        %mul3A_495 = arith.mulf %mul3A_494, %get3A_493 : vector<16xf32>
        %add3A_496 = arith.addf %broadcast_in_dim3A_474, %mul3A_495 : vector<16xf32>
        %slice3A_497 = vector.extract_strided_slice %get3A_478 {offsets = [1], sizes = [1], strides = [1]} : vector<16xf32> to vector<1xf32>
        %squeeze3A_498 = vector.extract %slice3A_497[0] : f32 from vector<1xf32>
        %add3A_499 = arith.constant 1 : i32
        %add3A_500 = arith.addi %mul3A_469, %add3A_499 : i32
        %get3A_501 = arith.index_cast %select_n3A_451 : i32 to index
        %get3A_502 = arith.index_cast %add3A_500 : i32 to index
        %get3A_503 = arith.constant 0 : index
        %get3A_504 = tpu.vector_load %arg7[%get3A_501, %get3A_502, %get3A_503] {strides = array<i32>} : memref<16x128x32xf32, #tpu.memory_space<vmem>>, vector<1x1x16xf32>,
        %get3A_505 = vector.shape_cast %get3A_504 : vector<1x1x16xf32> to vector<16xf32>
        %mul3A_506 = vector.broadcast %squeeze3A_498 : f32 to vector<16xf32>
        %mul3A_507 = arith.mulf %mul3A_506, %get3A_505 : vector<16xf32>
        %add3A_508 = arith.addf %add3A_488, %mul3A_507 : vector<16xf32>
        %get3A_509 = arith.index_cast %select_n3A_451 : i32 to index
        %get3A_510 = arith.index_cast %add3A_500 : i32 to index
        %get3A_511 = arith.constant 16 : index
        %get3A_512 = tpu.vector_load %arg7[%get3A_509, %get3A_510, %get3A_511] {strides = array<i32>} : memref<16x128x32xf32, #tpu.memory_space<vmem>>, vector<1x1x16xf32>,
        %get3A_513 = vector.shape_cast %get3A_512 : vector<1x1x16xf32> to vector<16xf32>
        %mul3A_514 = vector.broadcast %squeeze3A_498 : f32 to vector<16xf32>
        %mul3A_515 = arith.mulf %mul3A_514, %get3A_513 : vector<16xf32>
        %add3A_516 = arith.addf %add3A_496, %mul3A_515 : vector<16xf32>
        %slice3A_517 = vector.extract_strided_slice %get3A_478 {offsets = [2], sizes = [1], strides = [1]} : vector<16xf32> to vector<1xf32>
        %squeeze3A_518 = vector.extract %slice3A_517[0] : f32 from vector<1xf32>
        %add3A_519 = arith.constant 2 : i32
        %add3A_520 = arith.addi %mul3A_469, %add3A_519 : i32
        %get3A_521 = arith.index_cast %select_n3A_451 : i32 to index
        %get3A_522 = arith.index_cast %add3A_520 : i32 to index
        %get3A_523 = arith.constant 0 : index
        %get3A_524 = tpu.vector_load %arg7[%get3A_521, %get3A_522, %get3A_523] {strides = array<i32>} : memref<16x128x32xf32, #tpu.memory_space<vmem>>, vector<1x1x16xf32>,
        %get3A_525 = vector.shape_cast %get3A_524 : vector<1x1x16xf32> to vector<16xf32>
        %mul3A_526 = vector.broadcast %squeeze3A_518 : f32 to vector<16xf32>
        %mul3A_527 = arith.mulf %mul3A_526, %get3A_525 : vector<16xf32>
        %add3A_528 = arith.addf %add3A_508, %mul3A_527 : vector<16xf32>
        %get3A_529 = arith.index_cast %select_n3A_451 : i32 to index
        %get3A_530 = arith.index_cast %add3A_520 : i32 to index
        %get3A_531 = arith.constant 16 : index
        %get3A_532 = tpu.vector_load %arg7[%get3A_529, %get3A_530, %get3A_531] {strides = array<i32>} : memref<16x128x32xf32, #tpu.memory_space<vmem>>, vector<1x1x16xf32>,
        %get3A_533 = vector.shape_cast %get3A_532 : vector<1x1x16xf32> to vector<16xf32>
        %mul3A_534 = vector.broadcast %squeeze3A_518 : f32 to vector<16xf32>
        %mul3A_535 = arith.mulf %mul3A_534, %get3A_533 : vector<16xf32>
        %add3A_536 = arith.addf %add3A_516, %mul3A_535 : vector<16xf32>
        %slice3A_537 = vector.extract_strided_slice %get3A_478 {offsets = [3], sizes = [1], strides = [1]} : vector<16xf32> to vector<1xf32>
        %squeeze3A_538 = vector.extract %slice3A_537[0] : f32 from vector<1xf32>
        %add3A_539 = arith.constant 3 : i32
        %add3A_540 = arith.addi %mul3A_469, %add3A_539 : i32
        %get3A_541 = arith.index_cast %select_n3A_451 : i32 to index
        %get3A_542 = arith.index_cast %add3A_540 : i32 to index
        %get3A_543 = arith.constant 0 : index
        %get3A_544 = tpu.vector_load %arg7[%get3A_541, %get3A_542, %get3A_543] {strides = array<i32>} : memref<16x128x32xf32, #tpu.memory_space<vmem>>, vector<1x1x16xf32>,
        %get3A_545 = vector.shape_cast %get3A_544 : vector<1x1x16xf32> to vector<16xf32>
        %mul3A_546 = vector.broadcast %squeeze3A_538 : f32 to vector<16xf32>
        %mul3A_547 = arith.mulf %mul3A_546, %get3A_545 : vector<16xf32>
        %add3A_548 = arith.addf %add3A_528, %mul3A_547 : vector<16xf32>
        %get3A_549 = arith.index_cast %select_n3A_451 : i32 to index
        %get3A_550 = arith.index_cast %add3A_540 : i32 to index
        %get3A_551 = arith.constant 16 : index
        %get3A_552 = tpu.vector_load %arg7[%get3A_549, %get3A_550, %get3A_551] {strides = array<i32>} : memref<16x128x32xf32, #tpu.memory_space<vmem>>, vector<1x1x16xf32>,
        %get3A_553 = vector.shape_cast %get3A_552 : vector<1x1x16xf32> to vector<16xf32>
        %mul3A_554 = vector.broadcast %squeeze3A_538 : f32 to vector<16xf32>
        %mul3A_555 = arith.mulf %mul3A_554, %get3A_553 : vector<16xf32>
        %add3A_556 = arith.addf %add3A_536, %mul3A_555 : vector<16xf32>
        %slice3A_557 = vector.extract_strided_slice %get3A_478 {offsets = [4], sizes = [1], strides = [1]} : vector<16xf32> to vector<1xf32>
        %squeeze3A_558 = vector.extract %slice3A_557[0] : f32 from vector<1xf32>
        %add3A_559 = arith.constant 4 : i32
        %add3A_560 = arith.addi %mul3A_469, %add3A_559 : i32
        %get3A_561 = arith.index_cast %select_n3A_451 : i32 to index
        %get3A_562 = arith.index_cast %add3A_560 : i32 to index
        %get3A_563 = arith.constant 0 : index
        %get3A_564 = tpu.vector_load %arg7[%get3A_561, %get3A_562, %get3A_563] {strides = array<i32>} : memref<16x128x32xf32, #tpu.memory_space<vmem>>, vector<1x1x16xf32>,
        %get3A_565 = vector.shape_cast %get3A_564 : vector<1x1x16xf32> to vector<16xf32>
        %mul3A_566 = vector.broadcast %squeeze3A_558 : f32 to vector<16xf32>
        %mul3A_567 = arith.mulf %mul3A_566, %get3A_565 : vector<16xf32>
        %add3A_568 = arith.addf %add3A_548, %mul3A_567 : vector<16xf32>
        %get3A_569 = arith.index_cast %select_n3A_451 : i32 to index
        %get3A_570 = arith.index_cast %add3A_560 : i32 to index
        %get3A_571 = arith.constant 16 : index
        %get3A_572 = tpu.vector_load %arg7[%get3A_569, %get3A_570, %get3A_571] {strides = array<i32>} : memref<16x128x32xf32, #tpu.memory_space<vmem>>, vector<1x1x16xf32>,
        %get3A_573 = vector.shape_cast %get3A_572 : vector<1x1x16xf32> to vector<16xf32>
        %mul3A_574 = vector.broadcast %squeeze3A_558 : f32 to vector<16xf32>
        %mul3A_575 = arith.mulf %mul3A_574, %get3A_573 : vector<16xf32>
        %add3A_576 = arith.addf %add3A_556, %mul3A_575 : vector<16xf32>
        %slice3A_577 = vector.extract_strided_slice %get3A_478 {offsets = [5], sizes = [1], strides = [1]} : vector<16xf32> to vector<1xf32>
        %squeeze3A_578 = vector.extract %slice3A_577[0] : f32 from vector<1xf32>
        %add3A_579 = arith.constant 5 : i32
        %add3A_580 = arith.addi %mul3A_469, %add3A_579 : i32
        %get3A_581 = arith.index_cast %select_n3A_451 : i32 to index
        %get3A_582 = arith.index_cast %add3A_580 : i32 to index
        %get3A_583 = arith.constant 0 : index
        %get3A_584 = tpu.vector_load %arg7[%get3A_581, %get3A_582, %get3A_583] {strides = array<i32>} : memref<16x128x32xf32, #tpu.memory_space<vmem>>, vector<1x1x16xf32>,
        %get3A_585 = vector.shape_cast %get3A_584 : vector<1x1x16xf32> to vector<16xf32>
        %mul3A_586 = vector.broadcast %squeeze3A_578 : f32 to vector<16xf32>
        %mul3A_587 = arith.mulf %mul3A_586, %get3A_585 : vector<16xf32>
        %add3A_588 = arith.addf %add3A_568, %mul3A_587 : vector<16xf32>
        %get3A_589 = arith.index_cast %select_n3A_451 : i32 to index
        %get3A_590 = arith.index_cast %add3A_580 : i32 to index
        %get3A_591 = arith.constant 16 : index
        %get3A_592 = tpu.vector_load %arg7[%get3A_589, %get3A_590, %get3A_591] {strides = array<i32>} : memref<16x128x32xf32, #tpu.memory_space<vmem>>, vector<1x1x16xf32>,
        %get3A_593 = vector.shape_cast %get3A_592 : vector<1x1x16xf32> to vector<16xf32>
        %mul3A_594 = vector.broadcast %squeeze3A_578 : f32 to vector<16xf32>
        %mul3A_595 = arith.mulf %mul3A_594, %get3A_593 : vector<16xf32>
        %add3A_596 = arith.addf %add3A_576, %mul3A_595 : vector<16xf32>
        %slice3A_597 = vector.extract_strided_slice %get3A_478 {offsets = [6], sizes = [1], strides = [1]} : vector<16xf32> to vector<1xf32>
        %squeeze3A_598 = vector.extract %slice3A_597[0] : f32 from vector<1xf32>
        %add3A_599 = arith.constant 6 : i32
        %add3A_600 = arith.addi %mul3A_469, %add3A_599 : i32
        %get3A_601 = arith.index_cast %select_n3A_451 : i32 to index
        %get3A_602 = arith.index_cast %add3A_600 : i32 to index
        %get3A_603 = arith.constant 0 : index
        %get3A_604 = tpu.vector_load %arg7[%get3A_601, %get3A_602, %get3A_603] {strides = array<i32>} : memref<16x128x32xf32, #tpu.memory_space<vmem>>, vector<1x1x16xf32>,
        %get3A_605 = vector.shape_cast %get3A_604 : vector<1x1x16xf32> to vector<16xf32>
        %mul3A_606 = vector.broadcast %squeeze3A_598 : f32 to vector<16xf32>
        %mul3A_607 = arith.mulf %mul3A_606, %get3A_605 : vector<16xf32>
        %add3A_608 = arith.addf %add3A_588, %mul3A_607 : vector<16xf32>
        %get3A_609 = arith.index_cast %select_n3A_451 : i32 to index
        %get3A_610 = arith.index_cast %add3A_600 : i32 to index
        %get3A_611 = arith.constant 16 : index
        %get3A_612 = tpu.vector_load %arg7[%get3A_609, %get3A_610, %get3A_611] {strides = array<i32>} : memref<16x128x32xf32, #tpu.memory_space<vmem>>, vector<1x1x16xf32>,
        %get3A_613 = vector.shape_cast %get3A_612 : vector<1x1x16xf32> to vector<16xf32>
        %mul3A_614 = vector.broadcast %squeeze3A_598 : f32 to vector<16xf32>
        %mul3A_615 = arith.mulf %mul3A_614, %get3A_613 : vector<16xf32>
        %add3A_616 = arith.addf %add3A_596, %mul3A_615 : vector<16xf32>
        %slice3A_617 = vector.extract_strided_slice %get3A_478 {offsets = [7], sizes = [1], strides = [1]} : vector<16xf32> to vector<1xf32>
        %squeeze3A_618 = vector.extract %slice3A_617[0] : f32 from vector<1xf32>
        %add3A_619 = arith.constant 7 : i32
        %add3A_620 = arith.addi %mul3A_469, %add3A_619 : i32
        %get3A_621 = arith.index_cast %select_n3A_451 : i32 to index
        %get3A_622 = arith.index_cast %add3A_620 : i32 to index
        %get3A_623 = arith.constant 0 : index
        %get3A_624 = tpu.vector_load %arg7[%get3A_621, %get3A_622, %get3A_623] {strides = array<i32>} : memref<16x128x32xf32, #tpu.memory_space<vmem>>, vector<1x1x16xf32>,
        %get3A_625 = vector.shape_cast %get3A_624 : vector<1x1x16xf32> to vector<16xf32>
        %mul3A_626 = vector.broadcast %squeeze3A_618 : f32 to vector<16xf32>
        %mul3A_627 = arith.mulf %mul3A_626, %get3A_625 : vector<16xf32>
        %add3A_628 = arith.addf %add3A_608, %mul3A_627 : vector<16xf32>
        %get3A_629 = arith.index_cast %select_n3A_451 : i32 to index
        %get3A_630 = arith.index_cast %add3A_620 : i32 to index
        %get3A_631 = arith.constant 16 : index
        %get3A_632 = tpu.vector_load %arg7[%get3A_629, %get3A_630, %get3A_631] {strides = array<i32>} : memref<16x128x32xf32, #tpu.memory_space<vmem>>, vector<1x1x16xf32>,
        %get3A_633 = vector.shape_cast %get3A_632 : vector<1x1x16xf32> to vector<16xf32>
        %mul3A_634 = vector.broadcast %squeeze3A_618 : f32 to vector<16xf32>
        %mul3A_635 = arith.mulf %mul3A_634, %get3A_633 : vector<16xf32>
        %add3A_636 = arith.addf %add3A_616, %mul3A_635 : vector<16xf32>
        %slice3A_637 = vector.extract_strided_slice %get3A_478 {offsets = [8], sizes = [1], strides = [1]} : vector<16xf32> to vector<1xf32>
        %squeeze3A_638 = vector.extract %slice3A_637[0] : f32 from vector<1xf32>
        %add3A_639 = arith.constant 8 : i32
        %add3A_640 = arith.addi %mul3A_469, %add3A_639 : i32
        %get3A_641 = arith.index_cast %select_n3A_451 : i32 to index
        %get3A_642 = arith.index_cast %add3A_640 : i32 to index
        %get3A_643 = arith.constant 0 : index
        %get3A_644 = tpu.vector_load %arg7[%get3A_641, %get3A_642, %get3A_643] {strides = array<i32>} : memref<16x128x32xf32, #tpu.memory_space<vmem>>, vector<1x1x16xf32>,
        %get3A_645 = vector.shape_cast %get3A_644 : vector<1x1x16xf32> to vector<16xf32>
        %mul3A_646 = vector.broadcast %squeeze3A_638 : f32 to vector<16xf32>
        %mul3A_647 = arith.mulf %mul3A_646, %get3A_645 : vector<16xf32>
        %add3A_648 = arith.addf %add3A_628, %mul3A_647 : vector<16xf32>
        %get3A_649 = arith.index_cast %select_n3A_451 : i32 to index
        %get3A_650 = arith.index_cast %add3A_640 : i32 to index
        %get3A_651 = arith.constant 16 : index
        %get3A_652 = tpu.vector_load %arg7[%get3A_649, %get3A_650, %get3A_651] {strides = array<i32>} : memref<16x128x32xf32, #tpu.memory_space<vmem>>, vector<1x1x16xf32>,
        %get3A_653 = vector.shape_cast %get3A_652 : vector<1x1x16xf32> to vector<16xf32>
        %mul3A_654 = vector.broadcast %squeeze3A_638 : f32 to vector<16xf32>
        %mul3A_655 = arith.mulf %mul3A_654, %get3A_653 : vector<16xf32>
        %add3A_656 = arith.addf %add3A_636, %mul3A_655 : vector<16xf32>
        %slice3A_657 = vector.extract_strided_slice %get3A_478 {offsets = [9], sizes = [1], strides = [1]} : vector<16xf32> to vector<1xf32>
        %squeeze3A_658 = vector.extract %slice3A_657[0] : f32 from vector<1xf32>
        %add3A_659 = arith.constant 9 : i32
        %add3A_660 = arith.addi %mul3A_469, %add3A_659 : i32
        %get3A_661 = arith.index_cast %select_n3A_451 : i32 to index
        %get3A_662 = arith.index_cast %add3A_660 : i32 to index
        %get3A_663 = arith.constant 0 : index
        %get3A_664 = tpu.vector_load %arg7[%get3A_661, %get3A_662, %get3A_663] {strides = array<i32>} : memref<16x128x32xf32, #tpu.memory_space<vmem>>, vector<1x1x16xf32>,
        %get3A_665 = vector.shape_cast %get3A_664 : vector<1x1x16xf32> to vector<16xf32>
        %mul3A_666 = vector.broadcast %squeeze3A_658 : f32 to vector<16xf32>
        %mul3A_667 = arith.mulf %mul3A_666, %get3A_665 : vector<16xf32>
        %add3A_668 = arith.addf %add3A_648, %mul3A_667 : vector<16xf32>
        %get3A_669 = arith.index_cast %select_n3A_451 : i32 to index
        %get3A_670 = arith.index_cast %add3A_660 : i32 to index
        %get3A_671 = arith.constant 16 : index
        %get3A_672 = tpu.vector_load %arg7[%get3A_669, %get3A_670, %get3A_671] {strides = array<i32>} : memref<16x128x32xf32, #tpu.memory_space<vmem>>, vector<1x1x16xf32>,
        %get3A_673 = vector.shape_cast %get3A_672 : vector<1x1x16xf32> to vector<16xf32>
        %mul3A_674 = vector.broadcast %squeeze3A_658 : f32 to vector<16xf32>
        %mul3A_675 = arith.mulf %mul3A_674, %get3A_673 : vector<16xf32>
        %add3A_676 = arith.addf %add3A_656, %mul3A_675 : vector<16xf32>
        %slice3A_677 = vector.extract_strided_slice %get3A_478 {offsets = [10], sizes = [1], strides = [1]} : vector<16xf32> to vector<1xf32>
        %squeeze3A_678 = vector.extract %slice3A_677[0] : f32 from vector<1xf32>
        %add3A_679 = arith.constant 10 : i32
        %add3A_680 = arith.addi %mul3A_469, %add3A_679 : i32
        %get3A_681 = arith.index_cast %select_n3A_451 : i32 to index
        %get3A_682 = arith.index_cast %add3A_680 : i32 to index
        %get3A_683 = arith.constant 0 : index
        %get3A_684 = tpu.vector_load %arg7[%get3A_681, %get3A_682, %get3A_683] {strides = array<i32>} : memref<16x128x32xf32, #tpu.memory_space<vmem>>, vector<1x1x16xf32>,
        %get3A_685 = vector.shape_cast %get3A_684 : vector<1x1x16xf32> to vector<16xf32>
        %mul3A_686 = vector.broadcast %squeeze3A_678 : f32 to vector<16xf32>
        %mul3A_687 = arith.mulf %mul3A_686, %get3A_685 : vector<16xf32>
        %add3A_688 = arith.addf %add3A_668, %mul3A_687 : vector<16xf32>
        %get3A_689 = arith.index_cast %select_n3A_451 : i32 to index
        %get3A_690 = arith.index_cast %add3A_680 : i32 to index
        %get3A_691 = arith.constant 16 : index
        %get3A_692 = tpu.vector_load %arg7[%get3A_689, %get3A_690, %get3A_691] {strides = array<i32>} : memref<16x128x32xf32, #tpu.memory_space<vmem>>, vector<1x1x16xf32>,
        %get3A_693 = vector.shape_cast %get3A_692 : vector<1x1x16xf32> to vector<16xf32>
        %mul3A_694 = vector.broadcast %squeeze3A_678 : f32 to vector<16xf32>
        %mul3A_695 = arith.mulf %mul3A_694, %get3A_693 : vector<16xf32>
        %add3A_696 = arith.addf %add3A_676, %mul3A_695 : vector<16xf32>
        %slice3A_697 = vector.extract_strided_slice %get3A_478 {offsets = [11], sizes = [1], strides = [1]} : vector<16xf32> to vector<1xf32>
        %squeeze3A_698 = vector.extract %slice3A_697[0] : f32 from vector<1xf32>
        %add3A_699 = arith.constant 11 : i32
        %add3A_700 = arith.addi %mul3A_469, %add3A_699 : i32
        %get3A_701 = arith.index_cast %select_n3A_451 : i32 to index
        %get3A_702 = arith.index_cast %add3A_700 : i32 to index
        %get3A_703 = arith.constant 0 : index
        %get3A_704 = tpu.vector_load %arg7[%get3A_701, %get3A_702, %get3A_703] {strides = array<i32>} : memref<16x128x32xf32, #tpu.memory_space<vmem>>, vector<1x1x16xf32>,
        %get3A_705 = vector.shape_cast %get3A_704 : vector<1x1x16xf32> to vector<16xf32>
        %mul3A_706 = vector.broadcast %squeeze3A_698 : f32 to vector<16xf32>
        %mul3A_707 = arith.mulf %mul3A_706, %get3A_705 : vector<16xf32>
        %add3A_708 = arith.addf %add3A_688, %mul3A_707 : vector<16xf32>
        %get3A_709 = arith.index_cast %select_n3A_451 : i32 to index
        %get3A_710 = arith.index_cast %add3A_700 : i32 to index
        %get3A_711 = arith.constant 16 : index
        %get3A_712 = tpu.vector_load %arg7[%get3A_709, %get3A_710, %get3A_711] {strides = array<i32>} : memref<16x128x32xf32, #tpu.memory_space<vmem>>, vector<1x1x16xf32>,
        %get3A_713 = vector.shape_cast %get3A_712 : vector<1x1x16xf32> to vector<16xf32>
        %mul3A_714 = vector.broadcast %squeeze3A_698 : f32 to vector<16xf32>
        %mul3A_715 = arith.mulf %mul3A_714, %get3A_713 : vector<16xf32>
        %add3A_716 = arith.addf %add3A_696, %mul3A_715 : vector<16xf32>
        %slice3A_717 = vector.extract_strided_slice %get3A_478 {offsets = [12], sizes = [1], strides = [1]} : vector<16xf32> to vector<1xf32>
        %squeeze3A_718 = vector.extract %slice3A_717[0] : f32 from vector<1xf32>
        %add3A_719 = arith.constant 12 : i32
        %add3A_720 = arith.addi %mul3A_469, %add3A_719 : i32
        %get3A_721 = arith.index_cast %select_n3A_451 : i32 to index
        %get3A_722 = arith.index_cast %add3A_720 : i32 to index
        %get3A_723 = arith.constant 0 : index
        %get3A_724 = tpu.vector_load %arg7[%get3A_721, %get3A_722, %get3A_723] {strides = array<i32>} : memref<16x128x32xf32, #tpu.memory_space<vmem>>, vector<1x1x16xf32>,
        %get3A_725 = vector.shape_cast %get3A_724 : vector<1x1x16xf32> to vector<16xf32>
        %mul3A_726 = vector.broadcast %squeeze3A_718 : f32 to vector<16xf32>
        %mul3A_727 = arith.mulf %mul3A_726, %get3A_725 : vector<16xf32>
        %add3A_728 = arith.addf %add3A_708, %mul3A_727 : vector<16xf32>
        %get3A_729 = arith.index_cast %select_n3A_451 : i32 to index
        %get3A_730 = arith.index_cast %add3A_720 : i32 to index
        %get3A_731 = arith.constant 16 : index
        %get3A_732 = tpu.vector_load %arg7[%get3A_729, %get3A_730, %get3A_731] {strides = array<i32>} : memref<16x128x32xf32, #tpu.memory_space<vmem>>, vector<1x1x16xf32>,
        %get3A_733 = vector.shape_cast %get3A_732 : vector<1x1x16xf32> to vector<16xf32>
        %mul3A_734 = vector.broadcast %squeeze3A_718 : f32 to vector<16xf32>
        %mul3A_735 = arith.mulf %mul3A_734, %get3A_733 : vector<16xf32>
        %add3A_736 = arith.addf %add3A_716, %mul3A_735 : vector<16xf32>
        %slice3A_737 = vector.extract_strided_slice %get3A_478 {offsets = [13], sizes = [1], strides = [1]} : vector<16xf32> to vector<1xf32>
        %squeeze3A_738 = vector.extract %slice3A_737[0] : f32 from vector<1xf32>
        %add3A_739 = arith.constant 13 : i32
        %add3A_740 = arith.addi %mul3A_469, %add3A_739 : i32
        %get3A_741 = arith.index_cast %select_n3A_451 : i32 to index
        %get3A_742 = arith.index_cast %add3A_740 : i32 to index
        %get3A_743 = arith.constant 0 : index
        %get3A_744 = tpu.vector_load %arg7[%get3A_741, %get3A_742, %get3A_743] {strides = array<i32>} : memref<16x128x32xf32, #tpu.memory_space<vmem>>, vector<1x1x16xf32>,
        %get3A_745 = vector.shape_cast %get3A_744 : vector<1x1x16xf32> to vector<16xf32>
        %mul3A_746 = vector.broadcast %squeeze3A_738 : f32 to vector<16xf32>
        %mul3A_747 = arith.mulf %mul3A_746, %get3A_745 : vector<16xf32>
        %add3A_748 = arith.addf %add3A_728, %mul3A_747 : vector<16xf32>
        %get3A_749 = arith.index_cast %select_n3A_451 : i32 to index
        %get3A_750 = arith.index_cast %add3A_740 : i32 to index
        %get3A_751 = arith.constant 16 : index
        %get3A_752 = tpu.vector_load %arg7[%get3A_749, %get3A_750, %get3A_751] {strides = array<i32>} : memref<16x128x32xf32, #tpu.memory_space<vmem>>, vector<1x1x16xf32>,
        %get3A_753 = vector.shape_cast %get3A_752 : vector<1x1x16xf32> to vector<16xf32>
        %mul3A_754 = vector.broadcast %squeeze3A_738 : f32 to vector<16xf32>
        %mul3A_755 = arith.mulf %mul3A_754, %get3A_753 : vector<16xf32>
        %add3A_756 = arith.addf %add3A_736, %mul3A_755 : vector<16xf32>
        %slice3A_757 = vector.extract_strided_slice %get3A_478 {offsets = [14], sizes = [1], strides = [1]} : vector<16xf32> to vector<1xf32>
        %squeeze3A_758 = vector.extract %slice3A_757[0] : f32 from vector<1xf32>
        %add3A_759 = arith.constant 14 : i32
        %add3A_760 = arith.addi %mul3A_469, %add3A_759 : i32
        %get3A_761 = arith.index_cast %select_n3A_451 : i32 to index
        %get3A_762 = arith.index_cast %add3A_760 : i32 to index
        %get3A_763 = arith.constant 0 : index
        %get3A_764 = tpu.vector_load %arg7[%get3A_761, %get3A_762, %get3A_763] {strides = array<i32>} : memref<16x128x32xf32, #tpu.memory_space<vmem>>, vector<1x1x16xf32>,
        %get3A_765 = vector.shape_cast %get3A_764 : vector<1x1x16xf32> to vector<16xf32>
        %mul3A_766 = vector.broadcast %squeeze3A_758 : f32 to vector<16xf32>
        %mul3A_767 = arith.mulf %mul3A_766, %get3A_765 : vector<16xf32>
        %add3A_768 = arith.addf %add3A_748, %mul3A_767 : vector<16xf32>
        %get3A_769 = arith.index_cast %select_n3A_451 : i32 to index
        %get3A_770 = arith.index_cast %add3A_760 : i32 to index
        %get3A_771 = arith.constant 16 : index
        %get3A_772 = tpu.vector_load %arg7[%get3A_769, %get3A_770, %get3A_771] {strides = array<i32>} : memref<16x128x32xf32, #tpu.memory_space<vmem>>, vector<1x1x16xf32>,
        %get3A_773 = vector.shape_cast %get3A_772 : vector<1x1x16xf32> to vector<16xf32>
        %mul3A_774 = vector.broadcast %squeeze3A_758 : f32 to vector<16xf32>
        %mul3A_775 = arith.mulf %mul3A_774, %get3A_773 : vector<16xf32>
        %add3A_776 = arith.addf %add3A_756, %mul3A_775 : vector<16xf32>
        %slice3A_777 = vector.extract_strided_slice %get3A_478 {offsets = [15], sizes = [1], strides = [1]} : vector<16xf32> to vector<1xf32>
        %squeeze3A_778 = vector.extract %slice3A_777[0] : f32 from vector<1xf32>
        %add3A_779 = arith.constant 15 : i32
        %add3A_780 = arith.addi %mul3A_469, %add3A_779 : i32
        %get3A_781 = arith.index_cast %select_n3A_451 : i32 to index
        %get3A_782 = arith.index_cast %add3A_780 : i32 to index
        %get3A_783 = arith.constant 0 : index
        %get3A_784 = tpu.vector_load %arg7[%get3A_781, %get3A_782, %get3A_783] {strides = array<i32>} : memref<16x128x32xf32, #tpu.memory_space<vmem>>, vector<1x1x16xf32>,
        %get3A_785 = vector.shape_cast %get3A_784 : vector<1x1x16xf32> to vector<16xf32>
        %mul3A_786 = vector.broadcast %squeeze3A_778 : f32 to vector<16xf32>
        %mul3A_787 = arith.mulf %mul3A_786, %get3A_785 : vector<16xf32>
        %add3A_788 = arith.addf %add3A_768, %mul3A_787 : vector<16xf32>
        %get3A_789 = arith.index_cast %select_n3A_451 : i32 to index
        %get3A_790 = arith.index_cast %add3A_780 : i32 to index
        %get3A_791 = arith.constant 16 : index
        %get3A_792 = tpu.vector_load %arg7[%get3A_789, %get3A_790, %get3A_791] {strides = array<i32>} : memref<16x128x32xf32, #tpu.memory_space<vmem>>, vector<1x1x16xf32>,
        %get3A_793 = vector.shape_cast %get3A_792 : vector<1x1x16xf32> to vector<16xf32>
        %mul3A_794 = vector.broadcast %squeeze3A_778 : f32 to vector<16xf32>
        %mul3A_795 = arith.mulf %mul3A_794, %get3A_793 : vector<16xf32>
        %add3A_796 = arith.addf %add3A_776, %mul3A_795 : vector<16xf32>
        %add3A_797 = arith.constant 16 : i32
        %add3A_798 = arith.addi %mul3A_471, %add3A_797 : i32
        %get3A_799 = arith.index_cast %add3A_798 : i32 to index
        %get3A_800 = tpu.vector_load %arg8[%get3A_799] {strides = array<i32>} : memref<2048xf32, #tpu.memory_space<vmem>>, vector<16xf32>,
        %get3A_801 = vector.shape_cast %get3A_800 : vector<16xf32> to vector<16xf32>
        %slice3A_802 = vector.extract_strided_slice %get3A_801 {offsets = [0], sizes = [1], strides = [1]} : vector<16xf32> to vector<1xf32>
        %squeeze3A_803 = vector.extract %slice3A_802[0] : f32 from vector<1xf32>
        %add3A_804 = arith.constant 16 : i32
        %add3A_805 = arith.addi %mul3A_469, %add3A_804 : i32
        %get3A_806 = arith.index_cast %select_n3A_451 : i32 to index
        %get3A_807 = arith.index_cast %add3A_805 : i32 to index
        %get3A_808 = arith.constant 0 : index
        %get3A_809 = tpu.vector_load %arg7[%get3A_806, %get3A_807, %get3A_808] {strides = array<i32>} : memref<16x128x32xf32, #tpu.memory_space<vmem>>, vector<1x1x16xf32>,
        %get3A_810 = vector.shape_cast %get3A_809 : vector<1x1x16xf32> to vector<16xf32>
        %mul3A_811 = vector.broadcast %squeeze3A_803 : f32 to vector<16xf32>
        %mul3A_812 = arith.mulf %mul3A_811, %get3A_810 : vector<16xf32>
        %add3A_813 = arith.addf %add3A_788, %mul3A_812 : vector<16xf32>
        %get3A_814 = arith.index_cast %select_n3A_451 : i32 to index
        %get3A_815 = arith.index_cast %add3A_805 : i32 to index
        %get3A_816 = arith.constant 16 : index
        %get3A_817 = tpu.vector_load %arg7[%get3A_814, %get3A_815, %get3A_816] {strides = array<i32>} : memref<16x128x32xf32, #tpu.memory_space<vmem>>, vector<1x1x16xf32>,
        %get3A_818 = vector.shape_cast %get3A_817 : vector<1x1x16xf32> to vector<16xf32>
        %mul3A_819 = vector.broadcast %squeeze3A_803 : f32 to vector<16xf32>
        %mul3A_820 = arith.mulf %mul3A_819, %get3A_818 : vector<16xf32>
        %add3A_821 = arith.addf %add3A_796, %mul3A_820 : vector<16xf32>
        %slice3A_822 = vector.extract_strided_slice %get3A_801 {offsets = [1], sizes = [1], strides = [1]} : vector<16xf32> to vector<1xf32>
        %squeeze3A_823 = vector.extract %slice3A_822[0] : f32 from vector<1xf32>
        %add3A_824 = arith.constant 17 : i32
        %add3A_825 = arith.addi %mul3A_469, %add3A_824 : i32
        %get3A_826 = arith.index_cast %select_n3A_451 : i32 to index
        %get3A_827 = arith.index_cast %add3A_825 : i32 to index
        %get3A_828 = arith.constant 0 : index
        %get3A_829 = tpu.vector_load %arg7[%get3A_826, %get3A_827, %get3A_828] {strides = array<i32>} : memref<16x128x32xf32, #tpu.memory_space<vmem>>, vector<1x1x16xf32>,
        %get3A_830 = vector.shape_cast %get3A_829 : vector<1x1x16xf32> to vector<16xf32>
        %mul3A_831 = vector.broadcast %squeeze3A_823 : f32 to vector<16xf32>
        %mul3A_832 = arith.mulf %mul3A_831, %get3A_830 : vector<16xf32>
        %add3A_833 = arith.addf %add3A_813, %mul3A_832 : vector<16xf32>
        %get3A_834 = arith.index_cast %select_n3A_451 : i32 to index
        %get3A_835 = arith.index_cast %add3A_825 : i32 to index
        %get3A_836 = arith.constant 16 : index
        %get3A_837 = tpu.vector_load %arg7[%get3A_834, %get3A_835, %get3A_836] {strides = array<i32>} : memref<16x128x32xf32, #tpu.memory_space<vmem>>, vector<1x1x16xf32>,
        %get3A_838 = vector.shape_cast %get3A_837 : vector<1x1x16xf32> to vector<16xf32>
        %mul3A_839 = vector.broadcast %squeeze3A_823 : f32 to vector<16xf32>
        %mul3A_840 = arith.mulf %mul3A_839, %get3A_838 : vector<16xf32>
        %add3A_841 = arith.addf %add3A_821, %mul3A_840 : vector<16xf32>
        %slice3A_842 = vector.extract_strided_slice %get3A_801 {offsets = [2], sizes = [1], strides = [1]} : vector<16xf32> to vector<1xf32>
        %squeeze3A_843 = vector.extract %slice3A_842[0] : f32 from vector<1xf32>
        %add3A_844 = arith.constant 18 : i32
        %add3A_845 = arith.addi %mul3A_469, %add3A_844 : i32
        %get3A_846 = arith.index_cast %select_n3A_451 : i32 to index
        %get3A_847 = arith.index_cast %add3A_845 : i32 to index
        %get3A_848 = arith.constant 0 : index
        %get3A_849 = tpu.vector_load %arg7[%get3A_846, %get3A_847, %get3A_848] {strides = array<i32>} : memref<16x128x32xf32, #tpu.memory_space<vmem>>, vector<1x1x16xf32>,
        %get3A_850 = vector.shape_cast %get3A_849 : vector<1x1x16xf32> to vector<16xf32>
        %mul3A_851 = vector.broadcast %squeeze3A_843 : f32 to vector<16xf32>
        %mul3A_852 = arith.mulf %mul3A_851, %get3A_850 : vector<16xf32>
        %add3A_853 = arith.addf %add3A_833, %mul3A_852 : vector<16xf32>
        %get3A_854 = arith.index_cast %select_n3A_451 : i32 to index
        %get3A_855 = arith.index_cast %add3A_845 : i32 to index
        %get3A_856 = arith.constant 16 : index
        %get3A_857 = tpu.vector_load %arg7[%get3A_854, %get3A_855, %get3A_856] {strides = array<i32>} : memref<16x128x32xf32, #tpu.memory_space<vmem>>, vector<1x1x16xf32>,
        %get3A_858 = vector.shape_cast %get3A_857 : vector<1x1x16xf32> to vector<16xf32>
        %mul3A_859 = vector.broadcast %squeeze3A_843 : f32 to vector<16xf32>
        %mul3A_860 = arith.mulf %mul3A_859, %get3A_858 : vector<16xf32>
        %add3A_861 = arith.addf %add3A_841, %mul3A_860 : vector<16xf32>
        %slice3A_862 = vector.extract_strided_slice %get3A_801 {offsets = [3], sizes = [1], strides = [1]} : vector<16xf32> to vector<1xf32>
        %squeeze3A_863 = vector.extract %slice3A_862[0] : f32 from vector<1xf32>
        %add3A_864 = arith.constant 19 : i32
        %add3A_865 = arith.addi %mul3A_469, %add3A_864 : i32
        %get3A_866 = arith.index_cast %select_n3A_451 : i32 to index
        %get3A_867 = arith.index_cast %add3A_865 : i32 to index
        %get3A_868 = arith.constant 0 : index
        %get3A_869 = tpu.vector_load %arg7[%get3A_866, %get3A_867, %get3A_868] {strides = array<i32>} : memref<16x128x32xf32, #tpu.memory_space<vmem>>, vector<1x1x16xf32>,
        %get3A_870 = vector.shape_cast %get3A_869 : vector<1x1x16xf32> to vector<16xf32>
        %mul3A_871 = vector.broadcast %squeeze3A_863 : f32 to vector<16xf32>
        %mul3A_872 = arith.mulf %mul3A_871, %get3A_870 : vector<16xf32>
        %add3A_873 = arith.addf %add3A_853, %mul3A_872 : vector<16xf32>
        %get3A_874 = arith.index_cast %select_n3A_451 : i32 to index
        %get3A_875 = arith.index_cast %add3A_865 : i32 to index
        %get3A_876 = arith.constant 16 : index
        %get3A_877 = tpu.vector_load %arg7[%get3A_874, %get3A_875, %get3A_876] {strides = array<i32>} : memref<16x128x32xf32, #tpu.memory_space<vmem>>, vector<1x1x16xf32>,
        %get3A_878 = vector.shape_cast %get3A_877 : vector<1x1x16xf32> to vector<16xf32>
        %mul3A_879 = vector.broadcast %squeeze3A_863 : f32 to vector<16xf32>
        %mul3A_880 = arith.mulf %mul3A_879, %get3A_878 : vector<16xf32>
        %add3A_881 = arith.addf %add3A_861, %mul3A_880 : vector<16xf32>
        %slice3A_882 = vector.extract_strided_slice %get3A_801 {offsets = [4], sizes = [1], strides = [1]} : vector<16xf32> to vector<1xf32>
        %squeeze3A_883 = vector.extract %slice3A_882[0] : f32 from vector<1xf32>
        %add3A_884 = arith.constant 20 : i32
        %add3A_885 = arith.addi %mul3A_469, %add3A_884 : i32
        %get3A_886 = arith.index_cast %select_n3A_451 : i32 to index
        %get3A_887 = arith.index_cast %add3A_885 : i32 to index
        %get3A_888 = arith.constant 0 : index
        %get3A_889 = tpu.vector_load %arg7[%get3A_886, %get3A_887, %get3A_888] {strides = array<i32>} : memref<16x128x32xf32, #tpu.memory_space<vmem>>, vector<1x1x16xf32>,
        %get3A_890 = vector.shape_cast %get3A_889 : vector<1x1x16xf32> to vector<16xf32>
        %mul3A_891 = vector.broadcast %squeeze3A_883 : f32 to vector<16xf32>
        %mul3A_892 = arith.mulf %mul3A_891, %get3A_890 : vector<16xf32>
        %add3A_893 = arith.addf %add3A_873, %mul3A_892 : vector<16xf32>
        %get3A_894 = arith.index_cast %select_n3A_451 : i32 to index
        %get3A_895 = arith.index_cast %add3A_885 : i32 to index
        %get3A_896 = arith.constant 16 : index
        %get3A_897 = tpu.vector_load %arg7[%get3A_894, %get3A_895, %get3A_896] {strides = array<i32>} : memref<16x128x32xf32, #tpu.memory_space<vmem>>, vector<1x1x16xf32>,
        %get3A_898 = vector.shape_cast %get3A_897 : vector<1x1x16xf32> to vector<16xf32>
        %mul3A_899 = vector.broadcast %squeeze3A_883 : f32 to vector<16xf32>
        %mul3A_900 = arith.mulf %mul3A_899, %get3A_898 : vector<16xf32>
        %add3A_901 = arith.addf %add3A_881, %mul3A_900 : vector<16xf32>
        %slice3A_902 = vector.extract_strided_slice %get3A_801 {offsets = [5], sizes = [1], strides = [1]} : vector<16xf32> to vector<1xf32>
        %squeeze3A_903 = vector.extract %slice3A_902[0] : f32 from vector<1xf32>
        %add3A_904 = arith.constant 21 : i32
        %add3A_905 = arith.addi %mul3A_469, %add3A_904 : i32
        %get3A_906 = arith.index_cast %select_n3A_451 : i32 to index
        %get3A_907 = arith.index_cast %add3A_905 : i32 to index
        %get3A_908 = arith.constant 0 : index
        %get3A_909 = tpu.vector_load %arg7[%get3A_906, %get3A_907, %get3A_908] {strides = array<i32>} : memref<16x128x32xf32, #tpu.memory_space<vmem>>, vector<1x1x16xf32>,
        %get3A_910 = vector.shape_cast %get3A_909 : vector<1x1x16xf32> to vector<16xf32>
        %mul3A_911 = vector.broadcast %squeeze3A_903 : f32 to vector<16xf32>
        %mul3A_912 = arith.mulf %mul3A_911, %get3A_910 : vector<16xf32>
        %add3A_913 = arith.addf %add3A_893, %mul3A_912 : vector<16xf32>
        %get3A_914 = arith.index_cast %select_n3A_451 : i32 to index
        %get3A_915 = arith.index_cast %add3A_905 : i32 to index
        %get3A_916 = arith.constant 16 : index
        %get3A_917 = tpu.vector_load %arg7[%get3A_914, %get3A_915, %get3A_916] {strides = array<i32>} : memref<16x128x32xf32, #tpu.memory_space<vmem>>, vector<1x1x16xf32>,
        %get3A_918 = vector.shape_cast %get3A_917 : vector<1x1x16xf32> to vector<16xf32>
        %mul3A_919 = vector.broadcast %squeeze3A_903 : f32 to vector<16xf32>
        %mul3A_920 = arith.mulf %mul3A_919, %get3A_918 : vector<16xf32>
        %add3A_921 = arith.addf %add3A_901, %mul3A_920 : vector<16xf32>
        %slice3A_922 = vector.extract_strided_slice %get3A_801 {offsets = [6], sizes = [1], strides = [1]} : vector<16xf32> to vector<1xf32>
        %squeeze3A_923 = vector.extract %slice3A_922[0] : f32 from vector<1xf32>
        %add3A_924 = arith.constant 22 : i32
        %add3A_925 = arith.addi %mul3A_469, %add3A_924 : i32
        %get3A_926 = arith.index_cast %select_n3A_451 : i32 to index
        %get3A_927 = arith.index_cast %add3A_925 : i32 to index
        %get3A_928 = arith.constant 0 : index
        %get3A_929 = tpu.vector_load %arg7[%get3A_926, %get3A_927, %get3A_928] {strides = array<i32>} : memref<16x128x32xf32, #tpu.memory_space<vmem>>, vector<1x1x16xf32>,
        %get3A_930 = vector.shape_cast %get3A_929 : vector<1x1x16xf32> to vector<16xf32>
        %mul3A_931 = vector.broadcast %squeeze3A_923 : f32 to vector<16xf32>
        %mul3A_932 = arith.mulf %mul3A_931, %get3A_930 : vector<16xf32>
        %add3A_933 = arith.addf %add3A_913, %mul3A_932 : vector<16xf32>
        %get3A_934 = arith.index_cast %select_n3A_451 : i32 to index
        %get3A_935 = arith.index_cast %add3A_925 : i32 to index
        %get3A_936 = arith.constant 16 : index
        %get3A_937 = tpu.vector_load %arg7[%get3A_934, %get3A_935, %get3A_936] {strides = array<i32>} : memref<16x128x32xf32, #tpu.memory_space<vmem>>, vector<1x1x16xf32>,
        %get3A_938 = vector.shape_cast %get3A_937 : vector<1x1x16xf32> to vector<16xf32>
        %mul3A_939 = vector.broadcast %squeeze3A_923 : f32 to vector<16xf32>
        %mul3A_940 = arith.mulf %mul3A_939, %get3A_938 : vector<16xf32>
        %add3A_941 = arith.addf %add3A_921, %mul3A_940 : vector<16xf32>
        %slice3A_942 = vector.extract_strided_slice %get3A_801 {offsets = [7], sizes = [1], strides = [1]} : vector<16xf32> to vector<1xf32>
        %squeeze3A_943 = vector.extract %slice3A_942[0] : f32 from vector<1xf32>
        %add3A_944 = arith.constant 23 : i32
        %add3A_945 = arith.addi %mul3A_469, %add3A_944 : i32
        %get3A_946 = arith.index_cast %select_n3A_451 : i32 to index
        %get3A_947 = arith.index_cast %add3A_945 : i32 to index
        %get3A_948 = arith.constant 0 : index
        %get3A_949 = tpu.vector_load %arg7[%get3A_946, %get3A_947, %get3A_948] {strides = array<i32>} : memref<16x128x32xf32, #tpu.memory_space<vmem>>, vector<1x1x16xf32>,
        %get3A_950 = vector.shape_cast %get3A_949 : vector<1x1x16xf32> to vector<16xf32>
        %mul3A_951 = vector.broadcast %squeeze3A_943 : f32 to vector<16xf32>
        %mul3A_952 = arith.mulf %mul3A_951, %get3A_950 : vector<16xf32>
        %add3A_953 = arith.addf %add3A_933, %mul3A_952 : vector<16xf32>
        %get3A_954 = arith.index_cast %select_n3A_451 : i32 to index
        %get3A_955 = arith.index_cast %add3A_945 : i32 to index
        %get3A_956 = arith.constant 16 : index
        %get3A_957 = tpu.vector_load %arg7[%get3A_954, %get3A_955, %get3A_956] {strides = array<i32>} : memref<16x128x32xf32, #tpu.memory_space<vmem>>, vector<1x1x16xf32>,
        %get3A_958 = vector.shape_cast %get3A_957 : vector<1x1x16xf32> to vector<16xf32>
        %mul3A_959 = vector.broadcast %squeeze3A_943 : f32 to vector<16xf32>
        %mul3A_960 = arith.mulf %mul3A_959, %get3A_958 : vector<16xf32>
        %add3A_961 = arith.addf %add3A_941, %mul3A_960 : vector<16xf32>
        %slice3A_962 = vector.extract_strided_slice %get3A_801 {offsets = [8], sizes = [1], strides = [1]} : vector<16xf32> to vector<1xf32>
        %squeeze3A_963 = vector.extract %slice3A_962[0] : f32 from vector<1xf32>
        %add3A_964 = arith.constant 24 : i32
        %add3A_965 = arith.addi %mul3A_469, %add3A_964 : i32
        %get3A_966 = arith.index_cast %select_n3A_451 : i32 to index
        %get3A_967 = arith.index_cast %add3A_965 : i32 to index
        %get3A_968 = arith.constant 0 : index
        %get3A_969 = tpu.vector_load %arg7[%get3A_966, %get3A_967, %get3A_968] {strides = array<i32>} : memref<16x128x32xf32, #tpu.memory_space<vmem>>, vector<1x1x16xf32>,
        %get3A_970 = vector.shape_cast %get3A_969 : vector<1x1x16xf32> to vector<16xf32>
        %mul3A_971 = vector.broadcast %squeeze3A_963 : f32 to vector<16xf32>
        %mul3A_972 = arith.mulf %mul3A_971, %get3A_970 : vector<16xf32>
        %add3A_973 = arith.addf %add3A_953, %mul3A_972 : vector<16xf32>
        %get3A_974 = arith.index_cast %select_n3A_451 : i32 to index
        %get3A_975 = arith.index_cast %add3A_965 : i32 to index
        %get3A_976 = arith.constant 16 : index
        %get3A_977 = tpu.vector_load %arg7[%get3A_974, %get3A_975, %get3A_976] {strides = array<i32>} : memref<16x128x32xf32, #tpu.memory_space<vmem>>, vector<1x1x16xf32>,
        %get3A_978 = vector.shape_cast %get3A_977 : vector<1x1x16xf32> to vector<16xf32>
        %mul3A_979 = vector.broadcast %squeeze3A_963 : f32 to vector<16xf32>
        %mul3A_980 = arith.mulf %mul3A_979, %get3A_978 : vector<16xf32>
        %add3A_981 = arith.addf %add3A_961, %mul3A_980 : vector<16xf32>
        %slice3A_982 = vector.extract_strided_slice %get3A_801 {offsets = [9], sizes = [1], strides = [1]} : vector<16xf32> to vector<1xf32>
        %squeeze3A_983 = vector.extract %slice3A_982[0] : f32 from vector<1xf32>
        %add3A_984 = arith.constant 25 : i32
        %add3A_985 = arith.addi %mul3A_469, %add3A_984 : i32
        %get3A_986 = arith.index_cast %select_n3A_451 : i32 to index
        %get3A_987 = arith.index_cast %add3A_985 : i32 to index
        %get3A_988 = arith.constant 0 : index
        %get3A_989 = tpu.vector_load %arg7[%get3A_986, %get3A_987, %get3A_988] {strides = array<i32>} : memref<16x128x32xf32, #tpu.memory_space<vmem>>, vector<1x1x16xf32>,
        %get3A_990 = vector.shape_cast %get3A_989 : vector<1x1x16xf32> to vector<16xf32>
        %mul3A_991 = vector.broadcast %squeeze3A_983 : f32 to vector<16xf32>
        %mul3A_992 = arith.mulf %mul3A_991, %get3A_990 : vector<16xf32>
        %add3A_993 = arith.addf %add3A_973, %mul3A_992 : vector<16xf32>
        %get3A_994 = arith.index_cast %select_n3A_451 : i32 to index
        %get3A_995 = arith.index_cast %add3A_985 : i32 to index
        %get3A_996 = arith.constant 16 : index
        %get3A_997 = tpu.vector_load %arg7[%get3A_994, %get3A_995, %get3A_996] {strides = array<i32>} : memref<16x128x32xf32, #tpu.memory_space<vmem>>, vector<1x1x16xf32>,
        %get3A_998 = vector.shape_cast %get3A_997 : vector<1x1x16xf32> to vector<16xf32>
        %mul3A_999 = vector.broadcast %squeeze3A_983 : f32 to vector<16xf32>
        %mul3A_1000 = arith.mulf %mul3A_999, %get3A_998 : vector<16xf32>
        %add3A_1001 = arith.addf %add3A_981, %mul3A_1000 : vector<16xf32>
        %slice3A_1002 = vector.extract_strided_slice %get3A_801 {offsets = [10], sizes = [1], strides = [1]} : vector<16xf32> to vector<1xf32>
        %squeeze3A_1003 = vector.extract %slice3A_1002[0] : f32 from vector<1xf32>
        %add3A_1004 = arith.constant 26 : i32
        %add3A_1005 = arith.addi %mul3A_469, %add3A_1004 : i32
        %get3A_1006 = arith.index_cast %select_n3A_451 : i32 to index
        %get3A_1007 = arith.index_cast %add3A_1005 : i32 to index
        %get3A_1008 = arith.constant 0 : index
        %get3A_1009 = tpu.vector_load %arg7[%get3A_1006, %get3A_1007, %get3A_1008] {strides = array<i32>} : memref<16x128x32xf32, #tpu.memory_space<vmem>>, vector<1x1x16xf32>,
        %get3A_1010 = vector.shape_cast %get3A_1009 : vector<1x1x16xf32> to vector<16xf32>
        %mul3A_1011 = vector.broadcast %squeeze3A_1003 : f32 to vector<16xf32>
        %mul3A_1012 = arith.mulf %mul3A_1011, %get3A_1010 : vector<16xf32>
        %add3A_1013 = arith.addf %add3A_993, %mul3A_1012 : vector<16xf32>
        %get3A_1014 = arith.index_cast %select_n3A_451 : i32 to index
        %get3A_1015 = arith.index_cast %add3A_1005 : i32 to index
        %get3A_1016 = arith.constant 16 : index
        %get3A_1017 = tpu.vector_load %arg7[%get3A_1014, %get3A_1015, %get3A_1016] {strides = array<i32>} : memref<16x128x32xf32, #tpu.memory_space<vmem>>, vector<1x1x16xf32>,
        %get3A_1018 = vector.shape_cast %get3A_1017 : vector<1x1x16xf32> to vector<16xf32>
        %mul3A_1019 = vector.broadcast %squeeze3A_1003 : f32 to vector<16xf32>
        %mul3A_1020 = arith.mulf %mul3A_1019, %get3A_1018 : vector<16xf32>
        %add3A_1021 = arith.addf %add3A_1001, %mul3A_1020 : vector<16xf32>
        %slice3A_1022 = vector.extract_strided_slice %get3A_801 {offsets = [11], sizes = [1], strides = [1]} : vector<16xf32> to vector<1xf32>
        %squeeze3A_1023 = vector.extract %slice3A_1022[0] : f32 from vector<1xf32>
        %add3A_1024 = arith.constant 27 : i32
        %add3A_1025 = arith.addi %mul3A_469, %add3A_1024 : i32
        %get3A_1026 = arith.index_cast %select_n3A_451 : i32 to index
        %get3A_1027 = arith.index_cast %add3A_1025 : i32 to index
        %get3A_1028 = arith.constant 0 : index
        %get3A_1029 = tpu.vector_load %arg7[%get3A_1026, %get3A_1027, %get3A_1028] {strides = array<i32>} : memref<16x128x32xf32, #tpu.memory_space<vmem>>, vector<1x1x16xf32>,
        %get3A_1030 = vector.shape_cast %get3A_1029 : vector<1x1x16xf32> to vector<16xf32>
        %mul3A_1031 = vector.broadcast %squeeze3A_1023 : f32 to vector<16xf32>
        %mul3A_1032 = arith.mulf %mul3A_1031, %get3A_1030 : vector<16xf32>
        %add3A_1033 = arith.addf %add3A_1013, %mul3A_1032 : vector<16xf32>
        %get3A_1034 = arith.index_cast %select_n3A_451 : i32 to index
        %get3A_1035 = arith.index_cast %add3A_1025 : i32 to index
        %get3A_1036 = arith.constant 16 : index
        %get3A_1037 = tpu.vector_load %arg7[%get3A_1034, %get3A_1035, %get3A_1036] {strides = array<i32>} : memref<16x128x32xf32, #tpu.memory_space<vmem>>, vector<1x1x16xf32>,
        %get3A_1038 = vector.shape_cast %get3A_1037 : vector<1x1x16xf32> to vector<16xf32>
        %mul3A_1039 = vector.broadcast %squeeze3A_1023 : f32 to vector<16xf32>
        %mul3A_1040 = arith.mulf %mul3A_1039, %get3A_1038 : vector<16xf32>
        %add3A_1041 = arith.addf %add3A_1021, %mul3A_1040 : vector<16xf32>
        %slice3A_1042 = vector.extract_strided_slice %get3A_801 {offsets = [12], sizes = [1], strides = [1]} : vector<16xf32> to vector<1xf32>
        %squeeze3A_1043 = vector.extract %slice3A_1042[0] : f32 from vector<1xf32>
        %add3A_1044 = arith.constant 28 : i32
        %add3A_1045 = arith.addi %mul3A_469, %add3A_1044 : i32
        %get3A_1046 = arith.index_cast %select_n3A_451 : i32 to index
        %get3A_1047 = arith.index_cast %add3A_1045 : i32 to index
        %get3A_1048 = arith.constant 0 : index
        %get3A_1049 = tpu.vector_load %arg7[%get3A_1046, %get3A_1047, %get3A_1048] {strides = array<i32>} : memref<16x128x32xf32, #tpu.memory_space<vmem>>, vector<1x1x16xf32>,
        %get3A_1050 = vector.shape_cast %get3A_1049 : vector<1x1x16xf32> to vector<16xf32>
        %mul3A_1051 = vector.broadcast %squeeze3A_1043 : f32 to vector<16xf32>
        %mul3A_1052 = arith.mulf %mul3A_1051, %get3A_1050 : vector<16xf32>
        %add3A_1053 = arith.addf %add3A_1033, %mul3A_1052 : vector<16xf32>
        %get3A_1054 = arith.index_cast %select_n3A_451 : i32 to index
        %get3A_1055 = arith.index_cast %add3A_1045 : i32 to index
        %get3A_1056 = arith.constant 16 : index
        %get3A_1057 = tpu.vector_load %arg7[%get3A_1054, %get3A_1055, %get3A_1056] {strides = array<i32>} : memref<16x128x32xf32, #tpu.memory_space<vmem>>, vector<1x1x16xf32>,
        %get3A_1058 = vector.shape_cast %get3A_1057 : vector<1x1x16xf32> to vector<16xf32>
        %mul3A_1059 = vector.broadcast %squeeze3A_1043 : f32 to vector<16xf32>
        %mul3A_1060 = arith.mulf %mul3A_1059, %get3A_1058 : vector<16xf32>
        %add3A_1061 = arith.addf %add3A_1041, %mul3A_1060 : vector<16xf32>
        %slice3A_1062 = vector.extract_strided_slice %get3A_801 {offsets = [13], sizes = [1], strides = [1]} : vector<16xf32> to vector<1xf32>
        %squeeze3A_1063 = vector.extract %slice3A_1062[0] : f32 from vector<1xf32>
        %add3A_1064 = arith.constant 29 : i32
        %add3A_1065 = arith.addi %mul3A_469, %add3A_1064 : i32
        %get3A_1066 = arith.index_cast %select_n3A_451 : i32 to index
        %get3A_1067 = arith.index_cast %add3A_1065 : i32 to index
        %get3A_1068 = arith.constant 0 : index
        %get3A_1069 = tpu.vector_load %arg7[%get3A_1066, %get3A_1067, %get3A_1068] {strides = array<i32>} : memref<16x128x32xf32, #tpu.memory_space<vmem>>, vector<1x1x16xf32>,
        %get3A_1070 = vector.shape_cast %get3A_1069 : vector<1x1x16xf32> to vector<16xf32>
        %mul3A_1071 = vector.broadcast %squeeze3A_1063 : f32 to vector<16xf32>
        %mul3A_1072 = arith.mulf %mul3A_1071, %get3A_1070 : vector<16xf32>
        %add3A_1073 = arith.addf %add3A_1053, %mul3A_1072 : vector<16xf32>
        %get3A_1074 = arith.index_cast %select_n3A_451 : i32 to index
        %get3A_1075 = arith.index_cast %add3A_1065 : i32 to index
        %get3A_1076 = arith.constant 16 : index
        %get3A_1077 = tpu.vector_load %arg7[%get3A_1074, %get3A_1075, %get3A_1076] {strides = array<i32>} : memref<16x128x32xf32, #tpu.memory_space<vmem>>, vector<1x1x16xf32>,
        %get3A_1078 = vector.shape_cast %get3A_1077 : vector<1x1x16xf32> to vector<16xf32>
        %mul3A_1079 = vector.broadcast %squeeze3A_1063 : f32 to vector<16xf32>
        %mul3A_1080 = arith.mulf %mul3A_1079, %get3A_1078 : vector<16xf32>
        %add3A_1081 = arith.addf %add3A_1061, %mul3A_1080 : vector<16xf32>
        %slice3A_1082 = vector.extract_strided_slice %get3A_801 {offsets = [14], sizes = [1], strides = [1]} : vector<16xf32> to vector<1xf32>
        %squeeze3A_1083 = vector.extract %slice3A_1082[0] : f32 from vector<1xf32>
        %add3A_1084 = arith.constant 30 : i32
        %add3A_1085 = arith.addi %mul3A_469, %add3A_1084 : i32
        %get3A_1086 = arith.index_cast %select_n3A_451 : i32 to index
        %get3A_1087 = arith.index_cast %add3A_1085 : i32 to index
        %get3A_1088 = arith.constant 0 : index
        %get3A_1089 = tpu.vector_load %arg7[%get3A_1086, %get3A_1087, %get3A_1088] {strides = array<i32>} : memref<16x128x32xf32, #tpu.memory_space<vmem>>, vector<1x1x16xf32>,
        %get3A_1090 = vector.shape_cast %get3A_1089 : vector<1x1x16xf32> to vector<16xf32>
        %mul3A_1091 = vector.broadcast %squeeze3A_1083 : f32 to vector<16xf32>
        %mul3A_1092 = arith.mulf %mul3A_1091, %get3A_1090 : vector<16xf32>
        %add3A_1093 = arith.addf %add3A_1073, %mul3A_1092 : vector<16xf32>
        %get3A_1094 = arith.index_cast %select_n3A_451 : i32 to index
        %get3A_1095 = arith.index_cast %add3A_1085 : i32 to index
        %get3A_1096 = arith.constant 16 : index
        %get3A_1097 = tpu.vector_load %arg7[%get3A_1094, %get3A_1095, %get3A_1096] {strides = array<i32>} : memref<16x128x32xf32, #tpu.memory_space<vmem>>, vector<1x1x16xf32>,
        %get3A_1098 = vector.shape_cast %get3A_1097 : vector<1x1x16xf32> to vector<16xf32>
        %mul3A_1099 = vector.broadcast %squeeze3A_1083 : f32 to vector<16xf32>
        %mul3A_1100 = arith.mulf %mul3A_1099, %get3A_1098 : vector<16xf32>
        %add3A_1101 = arith.addf %add3A_1081, %mul3A_1100 : vector<16xf32>
        %slice3A_1102 = vector.extract_strided_slice %get3A_801 {offsets = [15], sizes = [1], strides = [1]} : vector<16xf32> to vector<1xf32>
        %squeeze3A_1103 = vector.extract %slice3A_1102[0] : f32 from vector<1xf32>
        %add3A_1104 = arith.constant 31 : i32
        %add3A_1105 = arith.addi %mul3A_469, %add3A_1104 : i32
        %get3A_1106 = arith.index_cast %select_n3A_451 : i32 to index
        %get3A_1107 = arith.index_cast %add3A_1105 : i32 to index
        %get3A_1108 = arith.constant 0 : index
        %get3A_1109 = tpu.vector_load %arg7[%get3A_1106, %get3A_1107, %get3A_1108] {strides = array<i32>} : memref<16x128x32xf32, #tpu.memory_space<vmem>>, vector<1x1x16xf32>,
        %get3A_1110 = vector.shape_cast %get3A_1109 : vector<1x1x16xf32> to vector<16xf32>
        %mul3A_1111 = vector.broadcast %squeeze3A_1103 : f32 to vector<16xf32>
        %mul3A_1112 = arith.mulf %mul3A_1111, %get3A_1110 : vector<16xf32>
        %add3A_1113 = arith.addf %add3A_1093, %mul3A_1112 : vector<16xf32>
        %get3A_1114 = arith.index_cast %select_n3A_451 : i32 to index
        %get3A_1115 = arith.index_cast %add3A_1105 : i32 to index
        %get3A_1116 = arith.constant 16 : index
        %get3A_1117 = tpu.vector_load %arg7[%get3A_1114, %get3A_1115, %get3A_1116] {strides = array<i32>} : memref<16x128x32xf32, #tpu.memory_space<vmem>>, vector<1x1x16xf32>,
        %get3A_1118 = vector.shape_cast %get3A_1117 : vector<1x1x16xf32> to vector<16xf32>
        %mul3A_1119 = vector.broadcast %squeeze3A_1103 : f32 to vector<16xf32>
        %mul3A_1120 = arith.mulf %mul3A_1119, %get3A_1118 : vector<16xf32>
        %add3A_1121 = arith.addf %add3A_1101, %mul3A_1120 : vector<16xf32>
        %add3A_1122 = arith.constant 32 : i32
        %add3A_1123 = arith.addi %mul3A_471, %add3A_1122 : i32
        %get3A_1124 = arith.index_cast %add3A_1123 : i32 to index
        %get3A_1125 = tpu.vector_load %arg8[%get3A_1124] {strides = array<i32>} : memref<2048xf32, #tpu.memory_space<vmem>>, vector<16xf32>,
        %get3A_1126 = vector.shape_cast %get3A_1125 : vector<16xf32> to vector<16xf32>
        %slice3A_1127 = vector.extract_strided_slice %get3A_1126 {offsets = [0], sizes = [1], strides = [1]} : vector<16xf32> to vector<1xf32>
        %squeeze3A_1128 = vector.extract %slice3A_1127[0] : f32 from vector<1xf32>
        %add3A_1129 = arith.constant 32 : i32
        %add3A_1130 = arith.addi %mul3A_469, %add3A_1129 : i32
        %get3A_1131 = arith.index_cast %select_n3A_451 : i32 to index
        %get3A_1132 = arith.index_cast %add3A_1130 : i32 to index
        %get3A_1133 = arith.constant 0 : index
        %get3A_1134 = tpu.vector_load %arg7[%get3A_1131, %get3A_1132, %get3A_1133] {strides = array<i32>} : memref<16x128x32xf32, #tpu.memory_space<vmem>>, vector<1x1x16xf32>,
        %get3A_1135 = vector.shape_cast %get3A_1134 : vector<1x1x16xf32> to vector<16xf32>
        %mul3A_1136 = vector.broadcast %squeeze3A_1128 : f32 to vector<16xf32>
        %mul3A_1137 = arith.mulf %mul3A_1136, %get3A_1135 : vector<16xf32>
        %add3A_1138 = arith.addf %add3A_1113, %mul3A_1137 : vector<16xf32>
        %get3A_1139 = arith.index_cast %select_n3A_451 : i32 to index
        %get3A_1140 = arith.index_cast %add3A_1130 : i32 to index
        %get3A_1141 = arith.constant 16 : index
        %get3A_1142 = tpu.vector_load %arg7[%get3A_1139, %get3A_1140, %get3A_1141] {strides = array<i32>} : memref<16x128x32xf32, #tpu.memory_space<vmem>>, vector<1x1x16xf32>,
        %get3A_1143 = vector.shape_cast %get3A_1142 : vector<1x1x16xf32> to vector<16xf32>
        %mul3A_1144 = vector.broadcast %squeeze3A_1128 : f32 to vector<16xf32>
        %mul3A_1145 = arith.mulf %mul3A_1144, %get3A_1143 : vector<16xf32>
        %add3A_1146 = arith.addf %add3A_1121, %mul3A_1145 : vector<16xf32>
        %slice3A_1147 = vector.extract_strided_slice %get3A_1126 {offsets = [1], sizes = [1], strides = [1]} : vector<16xf32> to vector<1xf32>
        %squeeze3A_1148 = vector.extract %slice3A_1147[0] : f32 from vector<1xf32>
        %add3A_1149 = arith.constant 33 : i32
        %add3A_1150 = arith.addi %mul3A_469, %add3A_1149 : i32
        %get3A_1151 = arith.index_cast %select_n3A_451 : i32 to index
        %get3A_1152 = arith.index_cast %add3A_1150 : i32 to index
        %get3A_1153 = arith.constant 0 : index
        %get3A_1154 = tpu.vector_load %arg7[%get3A_1151, %get3A_1152, %get3A_1153] {strides = array<i32>} : memref<16x128x32xf32, #tpu.memory_space<vmem>>, vector<1x1x16xf32>,
        %get3A_1155 = vector.shape_cast %get3A_1154 : vector<1x1x16xf32> to vector<16xf32>
        %mul3A_1156 = vector.broadcast %squeeze3A_1148 : f32 to vector<16xf32>
        %mul3A_1157 = arith.mulf %mul3A_1156, %get3A_1155 : vector<16xf32>
        %add3A_1158 = arith.addf %add3A_1138, %mul3A_1157 : vector<16xf32>
        %get3A_1159 = arith.index_cast %select_n3A_451 : i32 to index
        %get3A_1160 = arith.index_cast %add3A_1150 : i32 to index
        %get3A_1161 = arith.constant 16 : index
        %get3A_1162 = tpu.vector_load %arg7[%get3A_1159, %get3A_1160, %get3A_1161] {strides = array<i32>} : memref<16x128x32xf32, #tpu.memory_space<vmem>>, vector<1x1x16xf32>,
        %get3A_1163 = vector.shape_cast %get3A_1162 : vector<1x1x16xf32> to vector<16xf32>
        %mul3A_1164 = vector.broadcast %squeeze3A_1148 : f32 to vector<16xf32>
        %mul3A_1165 = arith.mulf %mul3A_1164, %get3A_1163 : vector<16xf32>
        %add3A_1166 = arith.addf %add3A_1146, %mul3A_1165 : vector<16xf32>
        %slice3A_1167 = vector.extract_strided_slice %get3A_1126 {offsets = [2], sizes = [1], strides = [1]} : vector<16xf32> to vector<1xf32>
        %squeeze3A_1168 = vector.extract %slice3A_1167[0] : f32 from vector<1xf32>
        %add3A_1169 = arith.constant 34 : i32
        %add3A_1170 = arith.addi %mul3A_469, %add3A_1169 : i32
        %get3A_1171 = arith.index_cast %select_n3A_451 : i32 to index
        %get3A_1172 = arith.index_cast %add3A_1170 : i32 to index
        %get3A_1173 = arith.constant 0 : index
        %get3A_1174 = tpu.vector_load %arg7[%get3A_1171, %get3A_1172, %get3A_1173] {strides = array<i32>} : memref<16x128x32xf32, #tpu.memory_space<vmem>>, vector<1x1x16xf32>,
        %get3A_1175 = vector.shape_cast %get3A_1174 : vector<1x1x16xf32> to vector<16xf32>
        %mul3A_1176 = vector.broadcast %squeeze3A_1168 : f32 to vector<16xf32>
        %mul3A_1177 = arith.mulf %mul3A_1176, %get3A_1175 : vector<16xf32>
        %add3A_1178 = arith.addf %add3A_1158, %mul3A_1177 : vector<16xf32>
        %get3A_1179 = arith.index_cast %select_n3A_451 : i32 to index
        %get3A_1180 = arith.index_cast %add3A_1170 : i32 to index
        %get3A_1181 = arith.constant 16 : index
        %get3A_1182 = tpu.vector_load %arg7[%get3A_1179, %get3A_1180, %get3A_1181] {strides = array<i32>} : memref<16x128x32xf32, #tpu.memory_space<vmem>>, vector<1x1x16xf32>,
        %get3A_1183 = vector.shape_cast %get3A_1182 : vector<1x1x16xf32> to vector<16xf32>
        %mul3A_1184 = vector.broadcast %squeeze3A_1168 : f32 to vector<16xf32>
        %mul3A_1185 = arith.mulf %mul3A_1184, %get3A_1183 : vector<16xf32>
        %add3A_1186 = arith.addf %add3A_1166, %mul3A_1185 : vector<16xf32>
        %slice3A_1187 = vector.extract_strided_slice %get3A_1126 {offsets = [3], sizes = [1], strides = [1]} : vector<16xf32> to vector<1xf32>
        %squeeze3A_1188 = vector.extract %slice3A_1187[0] : f32 from vector<1xf32>
        %add3A_1189 = arith.constant 35 : i32
        %add3A_1190 = arith.addi %mul3A_469, %add3A_1189 : i32
        %get3A_1191 = arith.index_cast %select_n3A_451 : i32 to index
        %get3A_1192 = arith.index_cast %add3A_1190 : i32 to index
        %get3A_1193 = arith.constant 0 : index
        %get3A_1194 = tpu.vector_load %arg7[%get3A_1191, %get3A_1192, %get3A_1193] {strides = array<i32>} : memref<16x128x32xf32, #tpu.memory_space<vmem>>, vector<1x1x16xf32>,
        %get3A_1195 = vector.shape_cast %get3A_1194 : vector<1x1x16xf32> to vector<16xf32>
        %mul3A_1196 = vector.broadcast %squeeze3A_1188 : f32 to vector<16xf32>
        %mul3A_1197 = arith.mulf %mul3A_1196, %get3A_1195 : vector<16xf32>
        %add3A_1198 = arith.addf %add3A_1178, %mul3A_1197 : vector<16xf32>
        %get3A_1199 = arith.index_cast %select_n3A_451 : i32 to index
        %get3A_1200 = arith.index_cast %add3A_1190 : i32 to index
        %get3A_1201 = arith.constant 16 : index
        %get3A_1202 = tpu.vector_load %arg7[%get3A_1199, %get3A_1200, %get3A_1201] {strides = array<i32>} : memref<16x128x32xf32, #tpu.memory_space<vmem>>, vector<1x1x16xf32>,
        %get3A_1203 = vector.shape_cast %get3A_1202 : vector<1x1x16xf32> to vector<16xf32>
        %mul3A_1204 = vector.broadcast %squeeze3A_1188 : f32 to vector<16xf32>
        %mul3A_1205 = arith.mulf %mul3A_1204, %get3A_1203 : vector<16xf32>
        %add3A_1206 = arith.addf %add3A_1186, %mul3A_1205 : vector<16xf32>
        %slice3A_1207 = vector.extract_strided_slice %get3A_1126 {offsets = [4], sizes = [1], strides = [1]} : vector<16xf32> to vector<1xf32>
        %squeeze3A_1208 = vector.extract %slice3A_1207[0] : f32 from vector<1xf32>
        %add3A_1209 = arith.constant 36 : i32
        %add3A_1210 = arith.addi %mul3A_469, %add3A_1209 : i32
        %get3A_1211 = arith.index_cast %select_n3A_451 : i32 to index
        %get3A_1212 = arith.index_cast %add3A_1210 : i32 to index
        %get3A_1213 = arith.constant 0 : index
        %get3A_1214 = tpu.vector_load %arg7[%get3A_1211, %get3A_1212, %get3A_1213] {strides = array<i32>} : memref<16x128x32xf32, #tpu.memory_space<vmem>>, vector<1x1x16xf32>,
        %get3A_1215 = vector.shape_cast %get3A_1214 : vector<1x1x16xf32> to vector<16xf32>
        %mul3A_1216 = vector.broadcast %squeeze3A_1208 : f32 to vector<16xf32>
        %mul3A_1217 = arith.mulf %mul3A_1216, %get3A_1215 : vector<16xf32>
        %add3A_1218 = arith.addf %add3A_1198, %mul3A_1217 : vector<16xf32>
        %get3A_1219 = arith.index_cast %select_n3A_451 : i32 to index
        %get3A_1220 = arith.index_cast %add3A_1210 : i32 to index
        %get3A_1221 = arith.constant 16 : index
        %get3A_1222 = tpu.vector_load %arg7[%get3A_1219, %get3A_1220, %get3A_1221] {strides = array<i32>} : memref<16x128x32xf32, #tpu.memory_space<vmem>>, vector<1x1x16xf32>,
        %get3A_1223 = vector.shape_cast %get3A_1222 : vector<1x1x16xf32> to vector<16xf32>
        %mul3A_1224 = vector.broadcast %squeeze3A_1208 : f32 to vector<16xf32>
        %mul3A_1225 = arith.mulf %mul3A_1224, %get3A_1223 : vector<16xf32>
        %add3A_1226 = arith.addf %add3A_1206, %mul3A_1225 : vector<16xf32>
        %slice3A_1227 = vector.extract_strided_slice %get3A_1126 {offsets = [5], sizes = [1], strides = [1]} : vector<16xf32> to vector<1xf32>
        %squeeze3A_1228 = vector.extract %slice3A_1227[0] : f32 from vector<1xf32>
        %add3A_1229 = arith.constant 37 : i32
        %add3A_1230 = arith.addi %mul3A_469, %add3A_1229 : i32
        %get3A_1231 = arith.index_cast %select_n3A_451 : i32 to index
        %get3A_1232 = arith.index_cast %add3A_1230 : i32 to index
        %get3A_1233 = arith.constant 0 : index
        %get3A_1234 = tpu.vector_load %arg7[%get3A_1231, %get3A_1232, %get3A_1233] {strides = array<i32>} : memref<16x128x32xf32, #tpu.memory_space<vmem>>, vector<1x1x16xf32>,
        %get3A_1235 = vector.shape_cast %get3A_1234 : vector<1x1x16xf32> to vector<16xf32>
        %mul3A_1236 = vector.broadcast %squeeze3A_1228 : f32 to vector<16xf32>
        %mul3A_1237 = arith.mulf %mul3A_1236, %get3A_1235 : vector<16xf32>
        %add3A_1238 = arith.addf %add3A_1218, %mul3A_1237 : vector<16xf32>
        %get3A_1239 = arith.index_cast %select_n3A_451 : i32 to index
        %get3A_1240 = arith.index_cast %add3A_1230 : i32 to index
        %get3A_1241 = arith.constant 16 : index
        %get3A_1242 = tpu.vector_load %arg7[%get3A_1239, %get3A_1240, %get3A_1241] {strides = array<i32>} : memref<16x128x32xf32, #tpu.memory_space<vmem>>, vector<1x1x16xf32>,
        %get3A_1243 = vector.shape_cast %get3A_1242 : vector<1x1x16xf32> to vector<16xf32>
        %mul3A_1244 = vector.broadcast %squeeze3A_1228 : f32 to vector<16xf32>
        %mul3A_1245 = arith.mulf %mul3A_1244, %get3A_1243 : vector<16xf32>
        %add3A_1246 = arith.addf %add3A_1226, %mul3A_1245 : vector<16xf32>
        %slice3A_1247 = vector.extract_strided_slice %get3A_1126 {offsets = [6], sizes = [1], strides = [1]} : vector<16xf32> to vector<1xf32>
        %squeeze3A_1248 = vector.extract %slice3A_1247[0] : f32 from vector<1xf32>
        %add3A_1249 = arith.constant 38 : i32
        %add3A_1250 = arith.addi %mul3A_469, %add3A_1249 : i32
        %get3A_1251 = arith.index_cast %select_n3A_451 : i32 to index
        %get3A_1252 = arith.index_cast %add3A_1250 : i32 to index
        %get3A_1253 = arith.constant 0 : index
        %get3A_1254 = tpu.vector_load %arg7[%get3A_1251, %get3A_1252, %get3A_1253] {strides = array<i32>} : memref<16x128x32xf32, #tpu.memory_space<vmem>>, vector<1x1x16xf32>,
        %get3A_1255 = vector.shape_cast %get3A_1254 : vector<1x1x16xf32> to vector<16xf32>
        %mul3A_1256 = vector.broadcast %squeeze3A_1248 : f32 to vector<16xf32>
        %mul3A_1257 = arith.mulf %mul3A_1256, %get3A_1255 : vector<16xf32>
        %add3A_1258 = arith.addf %add3A_1238, %mul3A_1257 : vector<16xf32>
        %get3A_1259 = arith.index_cast %select_n3A_451 : i32 to index
        %get3A_1260 = arith.index_cast %add3A_1250 : i32 to index
        %get3A_1261 = arith.constant 16 : index
        %get3A_1262 = tpu.vector_load %arg7[%get3A_1259, %get3A_1260, %get3A_1261] {strides = array<i32>} : memref<16x128x32xf32, #tpu.memory_space<vmem>>, vector<1x1x16xf32>,
        %get3A_1263 = vector.shape_cast %get3A_1262 : vector<1x1x16xf32> to vector<16xf32>
        %mul3A_1264 = vector.broadcast %squeeze3A_1248 : f32 to vector<16xf32>
        %mul3A_1265 = arith.mulf %mul3A_1264, %get3A_1263 : vector<16xf32>
        %add3A_1266 = arith.addf %add3A_1246, %mul3A_1265 : vector<16xf32>
        %slice3A_1267 = vector.extract_strided_slice %get3A_1126 {offsets = [7], sizes = [1], strides = [1]} : vector<16xf32> to vector<1xf32>
        %squeeze3A_1268 = vector.extract %slice3A_1267[0] : f32 from vector<1xf32>
        %add3A_1269 = arith.constant 39 : i32
        %add3A_1270 = arith.addi %mul3A_469, %add3A_1269 : i32
        %get3A_1271 = arith.index_cast %select_n3A_451 : i32 to index
        %get3A_1272 = arith.index_cast %add3A_1270 : i32 to index
        %get3A_1273 = arith.constant 0 : index
        %get3A_1274 = tpu.vector_load %arg7[%get3A_1271, %get3A_1272, %get3A_1273] {strides = array<i32>} : memref<16x128x32xf32, #tpu.memory_space<vmem>>, vector<1x1x16xf32>,
        %get3A_1275 = vector.shape_cast %get3A_1274 : vector<1x1x16xf32> to vector<16xf32>
        %mul3A_1276 = vector.broadcast %squeeze3A_1268 : f32 to vector<16xf32>
        %mul3A_1277 = arith.mulf %mul3A_1276, %get3A_1275 : vector<16xf32>
        %add3A_1278 = arith.addf %add3A_1258, %mul3A_1277 : vector<16xf32>
        %get3A_1279 = arith.index_cast %select_n3A_451 : i32 to index
        %get3A_1280 = arith.index_cast %add3A_1270 : i32 to index
        %get3A_1281 = arith.constant 16 : index
        %get3A_1282 = tpu.vector_load %arg7[%get3A_1279, %get3A_1280, %get3A_1281] {strides = array<i32>} : memref<16x128x32xf32, #tpu.memory_space<vmem>>, vector<1x1x16xf32>,
        %get3A_1283 = vector.shape_cast %get3A_1282 : vector<1x1x16xf32> to vector<16xf32>
        %mul3A_1284 = vector.broadcast %squeeze3A_1268 : f32 to vector<16xf32>
        %mul3A_1285 = arith.mulf %mul3A_1284, %get3A_1283 : vector<16xf32>
        %add3A_1286 = arith.addf %add3A_1266, %mul3A_1285 : vector<16xf32>
        %slice3A_1287 = vector.extract_strided_slice %get3A_1126 {offsets = [8], sizes = [1], strides = [1]} : vector<16xf32> to vector<1xf32>
        %squeeze3A_1288 = vector.extract %slice3A_1287[0] : f32 from vector<1xf32>
        %add3A_1289 = arith.constant 40 : i32
        %add3A_1290 = arith.addi %mul3A_469, %add3A_1289 : i32
        %get3A_1291 = arith.index_cast %select_n3A_451 : i32 to index
        %get3A_1292 = arith.index_cast %add3A_1290 : i32 to index
        %get3A_1293 = arith.constant 0 : index
        %get3A_1294 = tpu.vector_load %arg7[%get3A_1291, %get3A_1292, %get3A_1293] {strides = array<i32>} : memref<16x128x32xf32, #tpu.memory_space<vmem>>, vector<1x1x16xf32>,
        %get3A_1295 = vector.shape_cast %get3A_1294 : vector<1x1x16xf32> to vector<16xf32>
        %mul3A_1296 = vector.broadcast %squeeze3A_1288 : f32 to vector<16xf32>
        %mul3A_1297 = arith.mulf %mul3A_1296, %get3A_1295 : vector<16xf32>
        %add3A_1298 = arith.addf %add3A_1278, %mul3A_1297 : vector<16xf32>
        %get3A_1299 = arith.index_cast %select_n3A_451 : i32 to index
        %get3A_1300 = arith.index_cast %add3A_1290 : i32 to index
        %get3A_1301 = arith.constant 16 : index
        %get3A_1302 = tpu.vector_load %arg7[%get3A_1299, %get3A_1300, %get3A_1301] {strides = array<i32>} : memref<16x128x32xf32, #tpu.memory_space<vmem>>, vector<1x1x16xf32>,
        %get3A_1303 = vector.shape_cast %get3A_1302 : vector<1x1x16xf32> to vector<16xf32>
        %mul3A_1304 = vector.broadcast %squeeze3A_1288 : f32 to vector<16xf32>
        %mul3A_1305 = arith.mulf %mul3A_1304, %get3A_1303 : vector<16xf32>
        %add3A_1306 = arith.addf %add3A_1286, %mul3A_1305 : vector<16xf32>
        %slice3A_1307 = vector.extract_strided_slice %get3A_1126 {offsets = [9], sizes = [1], strides = [1]} : vector<16xf32> to vector<1xf32>
        %squeeze3A_1308 = vector.extract %slice3A_1307[0] : f32 from vector<1xf32>
        %add3A_1309 = arith.constant 41 : i32
        %add3A_1310 = arith.addi %mul3A_469, %add3A_1309 : i32
        %get3A_1311 = arith.index_cast %select_n3A_451 : i32 to index
        %get3A_1312 = arith.index_cast %add3A_1310 : i32 to index
        %get3A_1313 = arith.constant 0 : index
        %get3A_1314 = tpu.vector_load %arg7[%get3A_1311, %get3A_1312, %get3A_1313] {strides = array<i32>} : memref<16x128x32xf32, #tpu.memory_space<vmem>>, vector<1x1x16xf32>,
        %get3A_1315 = vector.shape_cast %get3A_1314 : vector<1x1x16xf32> to vector<16xf32>
        %mul3A_1316 = vector.broadcast %squeeze3A_1308 : f32 to vector<16xf32>
        %mul3A_1317 = arith.mulf %mul3A_1316, %get3A_1315 : vector<16xf32>
        %add3A_1318 = arith.addf %add3A_1298, %mul3A_1317 : vector<16xf32>
        %get3A_1319 = arith.index_cast %select_n3A_451 : i32 to index
        %get3A_1320 = arith.index_cast %add3A_1310 : i32 to index
        %get3A_1321 = arith.constant 16 : index
        %get3A_1322 = tpu.vector_load %arg7[%get3A_1319, %get3A_1320, %get3A_1321] {strides = array<i32>} : memref<16x128x32xf32, #tpu.memory_space<vmem>>, vector<1x1x16xf32>,
        %get3A_1323 = vector.shape_cast %get3A_1322 : vector<1x1x16xf32> to vector<16xf32>
        %mul3A_1324 = vector.broadcast %squeeze3A_1308 : f32 to vector<16xf32>
        %mul3A_1325 = arith.mulf %mul3A_1324, %get3A_1323 : vector<16xf32>
        %add3A_1326 = arith.addf %add3A_1306, %mul3A_1325 : vector<16xf32>
        %slice3A_1327 = vector.extract_strided_slice %get3A_1126 {offsets = [10], sizes = [1], strides = [1]} : vector<16xf32> to vector<1xf32>
        %squeeze3A_1328 = vector.extract %slice3A_1327[0] : f32 from vector<1xf32>
        %add3A_1329 = arith.constant 42 : i32
        %add3A_1330 = arith.addi %mul3A_469, %add3A_1329 : i32
        %get3A_1331 = arith.index_cast %select_n3A_451 : i32 to index
        %get3A_1332 = arith.index_cast %add3A_1330 : i32 to index
        %get3A_1333 = arith.constant 0 : index
        %get3A_1334 = tpu.vector_load %arg7[%get3A_1331, %get3A_1332, %get3A_1333] {strides = array<i32>} : memref<16x128x32xf32, #tpu.memory_space<vmem>>, vector<1x1x16xf32>,
        %get3A_1335 = vector.shape_cast %get3A_1334 : vector<1x1x16xf32> to vector<16xf32>
        %mul3A_1336 = vector.broadcast %squeeze3A_1328 : f32 to vector<16xf32>
        %mul3A_1337 = arith.mulf %mul3A_1336, %get3A_1335 : vector<16xf32>
        %add3A_1338 = arith.addf %add3A_1318, %mul3A_1337 : vector<16xf32>
        %get3A_1339 = arith.index_cast %select_n3A_451 : i32 to index
        %get3A_1340 = arith.index_cast %add3A_1330 : i32 to index
        %get3A_1341 = arith.constant 16 : index
        %get3A_1342 = tpu.vector_load %arg7[%get3A_1339, %get3A_1340, %get3A_1341] {strides = array<i32>} : memref<16x128x32xf32, #tpu.memory_space<vmem>>, vector<1x1x16xf32>,
        %get3A_1343 = vector.shape_cast %get3A_1342 : vector<1x1x16xf32> to vector<16xf32>
        %mul3A_1344 = vector.broadcast %squeeze3A_1328 : f32 to vector<16xf32>
        %mul3A_1345 = arith.mulf %mul3A_1344, %get3A_1343 : vector<16xf32>
        %add3A_1346 = arith.addf %add3A_1326, %mul3A_1345 : vector<16xf32>
        %slice3A_1347 = vector.extract_strided_slice %get3A_1126 {offsets = [11], sizes = [1], strides = [1]} : vector<16xf32> to vector<1xf32>
        %squeeze3A_1348 = vector.extract %slice3A_1347[0] : f32 from vector<1xf32>
        %add3A_1349 = arith.constant 43 : i32
        %add3A_1350 = arith.addi %mul3A_469, %add3A_1349 : i32
        %get3A_1351 = arith.index_cast %select_n3A_451 : i32 to index
        %get3A_1352 = arith.index_cast %add3A_1350 : i32 to index
        %get3A_1353 = arith.constant 0 : index
        %get3A_1354 = tpu.vector_load %arg7[%get3A_1351, %get3A_1352, %get3A_1353] {strides = array<i32>} : memref<16x128x32xf32, #tpu.memory_space<vmem>>, vector<1x1x16xf32>,
        %get3A_1355 = vector.shape_cast %get3A_1354 : vector<1x1x16xf32> to vector<16xf32>
        %mul3A_1356 = vector.broadcast %squeeze3A_1348 : f32 to vector<16xf32>
        %mul3A_1357 = arith.mulf %mul3A_1356, %get3A_1355 : vector<16xf32>
        %add3A_1358 = arith.addf %add3A_1338, %mul3A_1357 : vector<16xf32>
        %get3A_1359 = arith.index_cast %select_n3A_451 : i32 to index
        %get3A_1360 = arith.index_cast %add3A_1350 : i32 to index
        %get3A_1361 = arith.constant 16 : index
        %get3A_1362 = tpu.vector_load %arg7[%get3A_1359, %get3A_1360, %get3A_1361] {strides = array<i32>} : memref<16x128x32xf32, #tpu.memory_space<vmem>>, vector<1x1x16xf32>,
        %get3A_1363 = vector.shape_cast %get3A_1362 : vector<1x1x16xf32> to vector<16xf32>
        %mul3A_1364 = vector.broadcast %squeeze3A_1348 : f32 to vector<16xf32>
        %mul3A_1365 = arith.mulf %mul3A_1364, %get3A_1363 : vector<16xf32>
        %add3A_1366 = arith.addf %add3A_1346, %mul3A_1365 : vector<16xf32>
        %slice3A_1367 = vector.extract_strided_slice %get3A_1126 {offsets = [12], sizes = [1], strides = [1]} : vector<16xf32> to vector<1xf32>
        %squeeze3A_1368 = vector.extract %slice3A_1367[0] : f32 from vector<1xf32>
        %add3A_1369 = arith.constant 44 : i32
        %add3A_1370 = arith.addi %mul3A_469, %add3A_1369 : i32
        %get3A_1371 = arith.index_cast %select_n3A_451 : i32 to index
        %get3A_1372 = arith.index_cast %add3A_1370 : i32 to index
        %get3A_1373 = arith.constant 0 : index
        %get3A_1374 = tpu.vector_load %arg7[%get3A_1371, %get3A_1372, %get3A_1373] {strides = array<i32>} : memref<16x128x32xf32, #tpu.memory_space<vmem>>, vector<1x1x16xf32>,
        %get3A_1375 = vector.shape_cast %get3A_1374 : vector<1x1x16xf32> to vector<16xf32>
        %mul3A_1376 = vector.broadcast %squeeze3A_1368 : f32 to vector<16xf32>
        %mul3A_1377 = arith.mulf %mul3A_1376, %get3A_1375 : vector<16xf32>
        %add3A_1378 = arith.addf %add3A_1358, %mul3A_1377 : vector<16xf32>
        %get3A_1379 = arith.index_cast %select_n3A_451 : i32 to index
        %get3A_1380 = arith.index_cast %add3A_1370 : i32 to index
        %get3A_1381 = arith.constant 16 : index
        %get3A_1382 = tpu.vector_load %arg7[%get3A_1379, %get3A_1380, %get3A_1381] {strides = array<i32>} : memref<16x128x32xf32, #tpu.memory_space<vmem>>, vector<1x1x16xf32>,
        %get3A_1383 = vector.shape_cast %get3A_1382 : vector<1x1x16xf32> to vector<16xf32>
        %mul3A_1384 = vector.broadcast %squeeze3A_1368 : f32 to vector<16xf32>
        %mul3A_1385 = arith.mulf %mul3A_1384, %get3A_1383 : vector<16xf32>
        %add3A_1386 = arith.addf %add3A_1366, %mul3A_1385 : vector<16xf32>
        %slice3A_1387 = vector.extract_strided_slice %get3A_1126 {offsets = [13], sizes = [1], strides = [1]} : vector<16xf32> to vector<1xf32>
        %squeeze3A_1388 = vector.extract %slice3A_1387[0] : f32 from vector<1xf32>
        %add3A_1389 = arith.constant 45 : i32
        %add3A_1390 = arith.addi %mul3A_469, %add3A_1389 : i32
        %get3A_1391 = arith.index_cast %select_n3A_451 : i32 to index
        %get3A_1392 = arith.index_cast %add3A_1390 : i32 to index
        %get3A_1393 = arith.constant 0 : index
        %get3A_1394 = tpu.vector_load %arg7[%get3A_1391, %get3A_1392, %get3A_1393] {strides = array<i32>} : memref<16x128x32xf32, #tpu.memory_space<vmem>>, vector<1x1x16xf32>,
        %get3A_1395 = vector.shape_cast %get3A_1394 : vector<1x1x16xf32> to vector<16xf32>
        %mul3A_1396 = vector.broadcast %squeeze3A_1388 : f32 to vector<16xf32>
        %mul3A_1397 = arith.mulf %mul3A_1396, %get3A_1395 : vector<16xf32>
        %add3A_1398 = arith.addf %add3A_1378, %mul3A_1397 : vector<16xf32>
        %get3A_1399 = arith.index_cast %select_n3A_451 : i32 to index
        %get3A_1400 = arith.index_cast %add3A_1390 : i32 to index
        %get3A_1401 = arith.constant 16 : index
        %get3A_1402 = tpu.vector_load %arg7[%get3A_1399, %get3A_1400, %get3A_1401] {strides = array<i32>} : memref<16x128x32xf32, #tpu.memory_space<vmem>>, vector<1x1x16xf32>,
        %get3A_1403 = vector.shape_cast %get3A_1402 : vector<1x1x16xf32> to vector<16xf32>
        %mul3A_1404 = vector.broadcast %squeeze3A_1388 : f32 to vector<16xf32>
        %mul3A_1405 = arith.mulf %mul3A_1404, %get3A_1403 : vector<16xf32>
        %add3A_1406 = arith.addf %add3A_1386, %mul3A_1405 : vector<16xf32>
        %slice3A_1407 = vector.extract_strided_slice %get3A_1126 {offsets = [14], sizes = [1], strides = [1]} : vector<16xf32> to vector<1xf32>
        %squeeze3A_1408 = vector.extract %slice3A_1407[0] : f32 from vector<1xf32>
        %add3A_1409 = arith.constant 46 : i32
        %add3A_1410 = arith.addi %mul3A_469, %add3A_1409 : i32
        %get3A_1411 = arith.index_cast %select_n3A_451 : i32 to index
        %get3A_1412 = arith.index_cast %add3A_1410 : i32 to index
        %get3A_1413 = arith.constant 0 : index
        %get3A_1414 = tpu.vector_load %arg7[%get3A_1411, %get3A_1412, %get3A_1413] {strides = array<i32>} : memref<16x128x32xf32, #tpu.memory_space<vmem>>, vector<1x1x16xf32>,
        %get3A_1415 = vector.shape_cast %get3A_1414 : vector<1x1x16xf32> to vector<16xf32>
        %mul3A_1416 = vector.broadcast %squeeze3A_1408 : f32 to vector<16xf32>
        %mul3A_1417 = arith.mulf %mul3A_1416, %get3A_1415 : vector<16xf32>
        %add3A_1418 = arith.addf %add3A_1398, %mul3A_1417 : vector<16xf32>
        %get3A_1419 = arith.index_cast %select_n3A_451 : i32 to index
        %get3A_1420 = arith.index_cast %add3A_1410 : i32 to index
        %get3A_1421 = arith.constant 16 : index
        %get3A_1422 = tpu.vector_load %arg7[%get3A_1419, %get3A_1420, %get3A_1421] {strides = array<i32>} : memref<16x128x32xf32, #tpu.memory_space<vmem>>, vector<1x1x16xf32>,
        %get3A_1423 = vector.shape_cast %get3A_1422 : vector<1x1x16xf32> to vector<16xf32>
        %mul3A_1424 = vector.broadcast %squeeze3A_1408 : f32 to vector<16xf32>
        %mul3A_1425 = arith.mulf %mul3A_1424, %get3A_1423 : vector<16xf32>
        %add3A_1426 = arith.addf %add3A_1406, %mul3A_1425 : vector<16xf32>
        %slice3A_1427 = vector.extract_strided_slice %get3A_1126 {offsets = [15], sizes = [1], strides = [1]} : vector<16xf32> to vector<1xf32>
        %squeeze3A_1428 = vector.extract %slice3A_1427[0] : f32 from vector<1xf32>
        %add3A_1429 = arith.constant 47 : i32
        %add3A_1430 = arith.addi %mul3A_469, %add3A_1429 : i32
        %get3A_1431 = arith.index_cast %select_n3A_451 : i32 to index
        %get3A_1432 = arith.index_cast %add3A_1430 : i32 to index
        %get3A_1433 = arith.constant 0 : index
        %get3A_1434 = tpu.vector_load %arg7[%get3A_1431, %get3A_1432, %get3A_1433] {strides = array<i32>} : memref<16x128x32xf32, #tpu.memory_space<vmem>>, vector<1x1x16xf32>,
        %get3A_1435 = vector.shape_cast %get3A_1434 : vector<1x1x16xf32> to vector<16xf32>
        %mul3A_1436 = vector.broadcast %squeeze3A_1428 : f32 to vector<16xf32>
        %mul3A_1437 = arith.mulf %mul3A_1436, %get3A_1435 : vector<16xf32>
        %add3A_1438 = arith.addf %add3A_1418, %mul3A_1437 : vector<16xf32>
        %get3A_1439 = arith.index_cast %select_n3A_451 : i32 to index
        %get3A_1440 = arith.index_cast %add3A_1430 : i32 to index
        %get3A_1441 = arith.constant 16 : index
        %get3A_1442 = tpu.vector_load %arg7[%get3A_1439, %get3A_1440, %get3A_1441] {strides = array<i32>} : memref<16x128x32xf32, #tpu.memory_space<vmem>>, vector<1x1x16xf32>,
        %get3A_1443 = vector.shape_cast %get3A_1442 : vector<1x1x16xf32> to vector<16xf32>
        %mul3A_1444 = vector.broadcast %squeeze3A_1428 : f32 to vector<16xf32>
        %mul3A_1445 = arith.mulf %mul3A_1444, %get3A_1443 : vector<16xf32>
        %add3A_1446 = arith.addf %add3A_1426, %mul3A_1445 : vector<16xf32>
        %add3A_1447 = arith.constant 48 : i32
        %add3A_1448 = arith.addi %mul3A_471, %add3A_1447 : i32
        %get3A_1449 = arith.index_cast %add3A_1448 : i32 to index
        %get3A_1450 = tpu.vector_load %arg8[%get3A_1449] {strides = array<i32>} : memref<2048xf32, #tpu.memory_space<vmem>>, vector<16xf32>,
        %get3A_1451 = vector.shape_cast %get3A_1450 : vector<16xf32> to vector<16xf32>
        %slice3A_1452 = vector.extract_strided_slice %get3A_1451 {offsets = [0], sizes = [1], strides = [1]} : vector<16xf32> to vector<1xf32>
        %squeeze3A_1453 = vector.extract %slice3A_1452[0] : f32 from vector<1xf32>
        %add3A_1454 = arith.constant 48 : i32
        %add3A_1455 = arith.addi %mul3A_469, %add3A_1454 : i32
        %get3A_1456 = arith.index_cast %select_n3A_451 : i32 to index
        %get3A_1457 = arith.index_cast %add3A_1455 : i32 to index
        %get3A_1458 = arith.constant 0 : index
        %get3A_1459 = tpu.vector_load %arg7[%get3A_1456, %get3A_1457, %get3A_1458] {strides = array<i32>} : memref<16x128x32xf32, #tpu.memory_space<vmem>>, vector<1x1x16xf32>,
        %get3A_1460 = vector.shape_cast %get3A_1459 : vector<1x1x16xf32> to vector<16xf32>
        %mul3A_1461 = vector.broadcast %squeeze3A_1453 : f32 to vector<16xf32>
        %mul3A_1462 = arith.mulf %mul3A_1461, %get3A_1460 : vector<16xf32>
        %add3A_1463 = arith.addf %add3A_1438, %mul3A_1462 : vector<16xf32>
        %get3A_1464 = arith.index_cast %select_n3A_451 : i32 to index
        %get3A_1465 = arith.index_cast %add3A_1455 : i32 to index
        %get3A_1466 = arith.constant 16 : index
        %get3A_1467 = tpu.vector_load %arg7[%get3A_1464, %get3A_1465, %get3A_1466] {strides = array<i32>} : memref<16x128x32xf32, #tpu.memory_space<vmem>>, vector<1x1x16xf32>,
        %get3A_1468 = vector.shape_cast %get3A_1467 : vector<1x1x16xf32> to vector<16xf32>
        %mul3A_1469 = vector.broadcast %squeeze3A_1453 : f32 to vector<16xf32>
        %mul3A_1470 = arith.mulf %mul3A_1469, %get3A_1468 : vector<16xf32>
        %add3A_1471 = arith.addf %add3A_1446, %mul3A_1470 : vector<16xf32>
        %slice3A_1472 = vector.extract_strided_slice %get3A_1451 {offsets = [1], sizes = [1], strides = [1]} : vector<16xf32> to vector<1xf32>
        %squeeze3A_1473 = vector.extract %slice3A_1472[0] : f32 from vector<1xf32>
        %add3A_1474 = arith.constant 49 : i32
        %add3A_1475 = arith.addi %mul3A_469, %add3A_1474 : i32
        %get3A_1476 = arith.index_cast %select_n3A_451 : i32 to index
        %get3A_1477 = arith.index_cast %add3A_1475 : i32 to index
        %get3A_1478 = arith.constant 0 : index
        %get3A_1479 = tpu.vector_load %arg7[%get3A_1476, %get3A_1477, %get3A_1478] {strides = array<i32>} : memref<16x128x32xf32, #tpu.memory_space<vmem>>, vector<1x1x16xf32>,
        %get3A_1480 = vector.shape_cast %get3A_1479 : vector<1x1x16xf32> to vector<16xf32>
        %mul3A_1481 = vector.broadcast %squeeze3A_1473 : f32 to vector<16xf32>
        %mul3A_1482 = arith.mulf %mul3A_1481, %get3A_1480 : vector<16xf32>
        %add3A_1483 = arith.addf %add3A_1463, %mul3A_1482 : vector<16xf32>
        %get3A_1484 = arith.index_cast %select_n3A_451 : i32 to index
        %get3A_1485 = arith.index_cast %add3A_1475 : i32 to index
        %get3A_1486 = arith.constant 16 : index
        %get3A_1487 = tpu.vector_load %arg7[%get3A_1484, %get3A_1485, %get3A_1486] {strides = array<i32>} : memref<16x128x32xf32, #tpu.memory_space<vmem>>, vector<1x1x16xf32>,
        %get3A_1488 = vector.shape_cast %get3A_1487 : vector<1x1x16xf32> to vector<16xf32>
        %mul3A_1489 = vector.broadcast %squeeze3A_1473 : f32 to vector<16xf32>
        %mul3A_1490 = arith.mulf %mul3A_1489, %get3A_1488 : vector<16xf32>
        %add3A_1491 = arith.addf %add3A_1471, %mul3A_1490 : vector<16xf32>
        %slice3A_1492 = vector.extract_strided_slice %get3A_1451 {offsets = [2], sizes = [1], strides = [1]} : vector<16xf32> to vector<1xf32>
        %squeeze3A_1493 = vector.extract %slice3A_1492[0] : f32 from vector<1xf32>
        %add3A_1494 = arith.constant 50 : i32
        %add3A_1495 = arith.addi %mul3A_469, %add3A_1494 : i32
        %get3A_1496 = arith.index_cast %select_n3A_451 : i32 to index
        %get3A_1497 = arith.index_cast %add3A_1495 : i32 to index
        %get3A_1498 = arith.constant 0 : index
        %get3A_1499 = tpu.vector_load %arg7[%get3A_1496, %get3A_1497, %get3A_1498] {strides = array<i32>} : memref<16x128x32xf32, #tpu.memory_space<vmem>>, vector<1x1x16xf32>,
        %get3A_1500 = vector.shape_cast %get3A_1499 : vector<1x1x16xf32> to vector<16xf32>
        %mul3A_1501 = vector.broadcast %squeeze3A_1493 : f32 to vector<16xf32>
        %mul3A_1502 = arith.mulf %mul3A_1501, %get3A_1500 : vector<16xf32>
        %add3A_1503 = arith.addf %add3A_1483, %mul3A_1502 : vector<16xf32>
        %get3A_1504 = arith.index_cast %select_n3A_451 : i32 to index
        %get3A_1505 = arith.index_cast %add3A_1495 : i32 to index
        %get3A_1506 = arith.constant 16 : index
        %get3A_1507 = tpu.vector_load %arg7[%get3A_1504, %get3A_1505, %get3A_1506] {strides = array<i32>} : memref<16x128x32xf32, #tpu.memory_space<vmem>>, vector<1x1x16xf32>,
        %get3A_1508 = vector.shape_cast %get3A_1507 : vector<1x1x16xf32> to vector<16xf32>
        %mul3A_1509 = vector.broadcast %squeeze3A_1493 : f32 to vector<16xf32>
        %mul3A_1510 = arith.mulf %mul3A_1509, %get3A_1508 : vector<16xf32>
        %add3A_1511 = arith.addf %add3A_1491, %mul3A_1510 : vector<16xf32>
        %slice3A_1512 = vector.extract_strided_slice %get3A_1451 {offsets = [3], sizes = [1], strides = [1]} : vector<16xf32> to vector<1xf32>
        %squeeze3A_1513 = vector.extract %slice3A_1512[0] : f32 from vector<1xf32>
        %add3A_1514 = arith.constant 51 : i32
        %add3A_1515 = arith.addi %mul3A_469, %add3A_1514 : i32
        %get3A_1516 = arith.index_cast %select_n3A_451 : i32 to index
        %get3A_1517 = arith.index_cast %add3A_1515 : i32 to index
        %get3A_1518 = arith.constant 0 : index
        %get3A_1519 = tpu.vector_load %arg7[%get3A_1516, %get3A_1517, %get3A_1518] {strides = array<i32>} : memref<16x128x32xf32, #tpu.memory_space<vmem>>, vector<1x1x16xf32>,
        %get3A_1520 = vector.shape_cast %get3A_1519 : vector<1x1x16xf32> to vector<16xf32>
        %mul3A_1521 = vector.broadcast %squeeze3A_1513 : f32 to vector<16xf32>
        %mul3A_1522 = arith.mulf %mul3A_1521, %get3A_1520 : vector<16xf32>
        %add3A_1523 = arith.addf %add3A_1503, %mul3A_1522 : vector<16xf32>
        %get3A_1524 = arith.index_cast %select_n3A_451 : i32 to index
        %get3A_1525 = arith.index_cast %add3A_1515 : i32 to index
        %get3A_1526 = arith.constant 16 : index
        %get3A_1527 = tpu.vector_load %arg7[%get3A_1524, %get3A_1525, %get3A_1526] {strides = array<i32>} : memref<16x128x32xf32, #tpu.memory_space<vmem>>, vector<1x1x16xf32>,
        %get3A_1528 = vector.shape_cast %get3A_1527 : vector<1x1x16xf32> to vector<16xf32>
        %mul3A_1529 = vector.broadcast %squeeze3A_1513 : f32 to vector<16xf32>
        %mul3A_1530 = arith.mulf %mul3A_1529, %get3A_1528 : vector<16xf32>
        %add3A_1531 = arith.addf %add3A_1511, %mul3A_1530 : vector<16xf32>
        %slice3A_1532 = vector.extract_strided_slice %get3A_1451 {offsets = [4], sizes = [1], strides = [1]} : vector<16xf32> to vector<1xf32>
        %squeeze3A_1533 = vector.extract %slice3A_1532[0] : f32 from vector<1xf32>
        %add3A_1534 = arith.constant 52 : i32
        %add3A_1535 = arith.addi %mul3A_469, %add3A_1534 : i32
        %get3A_1536 = arith.index_cast %select_n3A_451 : i32 to index
        %get3A_1537 = arith.index_cast %add3A_1535 : i32 to index
        %get3A_1538 = arith.constant 0 : index
        %get3A_1539 = tpu.vector_load %arg7[%get3A_1536, %get3A_1537, %get3A_1538] {strides = array<i32>} : memref<16x128x32xf32, #tpu.memory_space<vmem>>, vector<1x1x16xf32>,
        %get3A_1540 = vector.shape_cast %get3A_1539 : vector<1x1x16xf32> to vector<16xf32>
        %mul3A_1541 = vector.broadcast %squeeze3A_1533 : f32 to vector<16xf32>
        %mul3A_1542 = arith.mulf %mul3A_1541, %get3A_1540 : vector<16xf32>
        %add3A_1543 = arith.addf %add3A_1523, %mul3A_1542 : vector<16xf32>
        %get3A_1544 = arith.index_cast %select_n3A_451 : i32 to index
        %get3A_1545 = arith.index_cast %add3A_1535 : i32 to index
        %get3A_1546 = arith.constant 16 : index
        %get3A_1547 = tpu.vector_load %arg7[%get3A_1544, %get3A_1545, %get3A_1546] {strides = array<i32>} : memref<16x128x32xf32, #tpu.memory_space<vmem>>, vector<1x1x16xf32>,
        %get3A_1548 = vector.shape_cast %get3A_1547 : vector<1x1x16xf32> to vector<16xf32>
        %mul3A_1549 = vector.broadcast %squeeze3A_1533 : f32 to vector<16xf32>
        %mul3A_1550 = arith.mulf %mul3A_1549, %get3A_1548 : vector<16xf32>
        %add3A_1551 = arith.addf %add3A_1531, %mul3A_1550 : vector<16xf32>
        %slice3A_1552 = vector.extract_strided_slice %get3A_1451 {offsets = [5], sizes = [1], strides = [1]} : vector<16xf32> to vector<1xf32>
        %squeeze3A_1553 = vector.extract %slice3A_1552[0] : f32 from vector<1xf32>
        %add3A_1554 = arith.constant 53 : i32
        %add3A_1555 = arith.addi %mul3A_469, %add3A_1554 : i32
        %get3A_1556 = arith.index_cast %select_n3A_451 : i32 to index
        %get3A_1557 = arith.index_cast %add3A_1555 : i32 to index
        %get3A_1558 = arith.constant 0 : index
        %get3A_1559 = tpu.vector_load %arg7[%get3A_1556, %get3A_1557, %get3A_1558] {strides = array<i32>} : memref<16x128x32xf32, #tpu.memory_space<vmem>>, vector<1x1x16xf32>,
        %get3A_1560 = vector.shape_cast %get3A_1559 : vector<1x1x16xf32> to vector<16xf32>
        %mul3A_1561 = vector.broadcast %squeeze3A_1553 : f32 to vector<16xf32>
        %mul3A_1562 = arith.mulf %mul3A_1561, %get3A_1560 : vector<16xf32>
        %add3A_1563 = arith.addf %add3A_1543, %mul3A_1562 : vector<16xf32>
        %get3A_1564 = arith.index_cast %select_n3A_451 : i32 to index
        %get3A_1565 = arith.index_cast %add3A_1555 : i32 to index
        %get3A_1566 = arith.constant 16 : index
        %get3A_1567 = tpu.vector_load %arg7[%get3A_1564, %get3A_1565, %get3A_1566] {strides = array<i32>} : memref<16x128x32xf32, #tpu.memory_space<vmem>>, vector<1x1x16xf32>,
        %get3A_1568 = vector.shape_cast %get3A_1567 : vector<1x1x16xf32> to vector<16xf32>
        %mul3A_1569 = vector.broadcast %squeeze3A_1553 : f32 to vector<16xf32>
        %mul3A_1570 = arith.mulf %mul3A_1569, %get3A_1568 : vector<16xf32>
        %add3A_1571 = arith.addf %add3A_1551, %mul3A_1570 : vector<16xf32>
        %slice3A_1572 = vector.extract_strided_slice %get3A_1451 {offsets = [6], sizes = [1], strides = [1]} : vector<16xf32> to vector<1xf32>
        %squeeze3A_1573 = vector.extract %slice3A_1572[0] : f32 from vector<1xf32>
        %add3A_1574 = arith.constant 54 : i32
        %add3A_1575 = arith.addi %mul3A_469, %add3A_1574 : i32
        %get3A_1576 = arith.index_cast %select_n3A_451 : i32 to index
        %get3A_1577 = arith.index_cast %add3A_1575 : i32 to index
        %get3A_1578 = arith.constant 0 : index
        %get3A_1579 = tpu.vector_load %arg7[%get3A_1576, %get3A_1577, %get3A_1578] {strides = array<i32>} : memref<16x128x32xf32, #tpu.memory_space<vmem>>, vector<1x1x16xf32>,
        %get3A_1580 = vector.shape_cast %get3A_1579 : vector<1x1x16xf32> to vector<16xf32>
        %mul3A_1581 = vector.broadcast %squeeze3A_1573 : f32 to vector<16xf32>
        %mul3A_1582 = arith.mulf %mul3A_1581, %get3A_1580 : vector<16xf32>
        %add3A_1583 = arith.addf %add3A_1563, %mul3A_1582 : vector<16xf32>
        %get3A_1584 = arith.index_cast %select_n3A_451 : i32 to index
        %get3A_1585 = arith.index_cast %add3A_1575 : i32 to index
        %get3A_1586 = arith.constant 16 : index
        %get3A_1587 = tpu.vector_load %arg7[%get3A_1584, %get3A_1585, %get3A_1586] {strides = array<i32>} : memref<16x128x32xf32, #tpu.memory_space<vmem>>, vector<1x1x16xf32>,
        %get3A_1588 = vector.shape_cast %get3A_1587 : vector<1x1x16xf32> to vector<16xf32>
        %mul3A_1589 = vector.broadcast %squeeze3A_1573 : f32 to vector<16xf32>
        %mul3A_1590 = arith.mulf %mul3A_1589, %get3A_1588 : vector<16xf32>
        %add3A_1591 = arith.addf %add3A_1571, %mul3A_1590 : vector<16xf32>
        %slice3A_1592 = vector.extract_strided_slice %get3A_1451 {offsets = [7], sizes = [1], strides = [1]} : vector<16xf32> to vector<1xf32>
        %squeeze3A_1593 = vector.extract %slice3A_1592[0] : f32 from vector<1xf32>
        %add3A_1594 = arith.constant 55 : i32
        %add3A_1595 = arith.addi %mul3A_469, %add3A_1594 : i32
        %get3A_1596 = arith.index_cast %select_n3A_451 : i32 to index
        %get3A_1597 = arith.index_cast %add3A_1595 : i32 to index
        %get3A_1598 = arith.constant 0 : index
        %get3A_1599 = tpu.vector_load %arg7[%get3A_1596, %get3A_1597, %get3A_1598] {strides = array<i32>} : memref<16x128x32xf32, #tpu.memory_space<vmem>>, vector<1x1x16xf32>,
        %get3A_1600 = vector.shape_cast %get3A_1599 : vector<1x1x16xf32> to vector<16xf32>
        %mul3A_1601 = vector.broadcast %squeeze3A_1593 : f32 to vector<16xf32>
        %mul3A_1602 = arith.mulf %mul3A_1601, %get3A_1600 : vector<16xf32>
        %add3A_1603 = arith.addf %add3A_1583, %mul3A_1602 : vector<16xf32>
        %get3A_1604 = arith.index_cast %select_n3A_451 : i32 to index
        %get3A_1605 = arith.index_cast %add3A_1595 : i32 to index
        %get3A_1606 = arith.constant 16 : index
        %get3A_1607 = tpu.vector_load %arg7[%get3A_1604, %get3A_1605, %get3A_1606] {strides = array<i32>} : memref<16x128x32xf32, #tpu.memory_space<vmem>>, vector<1x1x16xf32>,
        %get3A_1608 = vector.shape_cast %get3A_1607 : vector<1x1x16xf32> to vector<16xf32>
        %mul3A_1609 = vector.broadcast %squeeze3A_1593 : f32 to vector<16xf32>
        %mul3A_1610 = arith.mulf %mul3A_1609, %get3A_1608 : vector<16xf32>
        %add3A_1611 = arith.addf %add3A_1591, %mul3A_1610 : vector<16xf32>
        %slice3A_1612 = vector.extract_strided_slice %get3A_1451 {offsets = [8], sizes = [1], strides = [1]} : vector<16xf32> to vector<1xf32>
        %squeeze3A_1613 = vector.extract %slice3A_1612[0] : f32 from vector<1xf32>
        %add3A_1614 = arith.constant 56 : i32
        %add3A_1615 = arith.addi %mul3A_469, %add3A_1614 : i32
        %get3A_1616 = arith.index_cast %select_n3A_451 : i32 to index
        %get3A_1617 = arith.index_cast %add3A_1615 : i32 to index
        %get3A_1618 = arith.constant 0 : index
        %get3A_1619 = tpu.vector_load %arg7[%get3A_1616, %get3A_1617, %get3A_1618] {strides = array<i32>} : memref<16x128x32xf32, #tpu.memory_space<vmem>>, vector<1x1x16xf32>,
        %get3A_1620 = vector.shape_cast %get3A_1619 : vector<1x1x16xf32> to vector<16xf32>
        %mul3A_1621 = vector.broadcast %squeeze3A_1613 : f32 to vector<16xf32>
        %mul3A_1622 = arith.mulf %mul3A_1621, %get3A_1620 : vector<16xf32>
        %add3A_1623 = arith.addf %add3A_1603, %mul3A_1622 : vector<16xf32>
        %get3A_1624 = arith.index_cast %select_n3A_451 : i32 to index
        %get3A_1625 = arith.index_cast %add3A_1615 : i32 to index
        %get3A_1626 = arith.constant 16 : index
        %get3A_1627 = tpu.vector_load %arg7[%get3A_1624, %get3A_1625, %get3A_1626] {strides = array<i32>} : memref<16x128x32xf32, #tpu.memory_space<vmem>>, vector<1x1x16xf32>,
        %get3A_1628 = vector.shape_cast %get3A_1627 : vector<1x1x16xf32> to vector<16xf32>
        %mul3A_1629 = vector.broadcast %squeeze3A_1613 : f32 to vector<16xf32>
        %mul3A_1630 = arith.mulf %mul3A_1629, %get3A_1628 : vector<16xf32>
        %add3A_1631 = arith.addf %add3A_1611, %mul3A_1630 : vector<16xf32>
        %slice3A_1632 = vector.extract_strided_slice %get3A_1451 {offsets = [9], sizes = [1], strides = [1]} : vector<16xf32> to vector<1xf32>
        %squeeze3A_1633 = vector.extract %slice3A_1632[0] : f32 from vector<1xf32>
        %add3A_1634 = arith.constant 57 : i32
        %add3A_1635 = arith.addi %mul3A_469, %add3A_1634 : i32
        %get3A_1636 = arith.index_cast %select_n3A_451 : i32 to index
        %get3A_1637 = arith.index_cast %add3A_1635 : i32 to index
        %get3A_1638 = arith.constant 0 : index
        %get3A_1639 = tpu.vector_load %arg7[%get3A_1636, %get3A_1637, %get3A_1638] {strides = array<i32>} : memref<16x128x32xf32, #tpu.memory_space<vmem>>, vector<1x1x16xf32>,
        %get3A_1640 = vector.shape_cast %get3A_1639 : vector<1x1x16xf32> to vector<16xf32>
        %mul3A_1641 = vector.broadcast %squeeze3A_1633 : f32 to vector<16xf32>
        %mul3A_1642 = arith.mulf %mul3A_1641, %get3A_1640 : vector<16xf32>
        %add3A_1643 = arith.addf %add3A_1623, %mul3A_1642 : vector<16xf32>
        %get3A_1644 = arith.index_cast %select_n3A_451 : i32 to index
        %get3A_1645 = arith.index_cast %add3A_1635 : i32 to index
        %get3A_1646 = arith.constant 16 : index
        %get3A_1647 = tpu.vector_load %arg7[%get3A_1644, %get3A_1645, %get3A_1646] {strides = array<i32>} : memref<16x128x32xf32, #tpu.memory_space<vmem>>, vector<1x1x16xf32>,
        %get3A_1648 = vector.shape_cast %get3A_1647 : vector<1x1x16xf32> to vector<16xf32>
        %mul3A_1649 = vector.broadcast %squeeze3A_1633 : f32 to vector<16xf32>
        %mul3A_1650 = arith.mulf %mul3A_1649, %get3A_1648 : vector<16xf32>
        %add3A_1651 = arith.addf %add3A_1631, %mul3A_1650 : vector<16xf32>
        %slice3A_1652 = vector.extract_strided_slice %get3A_1451 {offsets = [10], sizes = [1], strides = [1]} : vector<16xf32> to vector<1xf32>
        %squeeze3A_1653 = vector.extract %slice3A_1652[0] : f32 from vector<1xf32>
        %add3A_1654 = arith.constant 58 : i32
        %add3A_1655 = arith.addi %mul3A_469, %add3A_1654 : i32
        %get3A_1656 = arith.index_cast %select_n3A_451 : i32 to index
        %get3A_1657 = arith.index_cast %add3A_1655 : i32 to index
        %get3A_1658 = arith.constant 0 : index
        %get3A_1659 = tpu.vector_load %arg7[%get3A_1656, %get3A_1657, %get3A_1658] {strides = array<i32>} : memref<16x128x32xf32, #tpu.memory_space<vmem>>, vector<1x1x16xf32>,
        %get3A_1660 = vector.shape_cast %get3A_1659 : vector<1x1x16xf32> to vector<16xf32>
        %mul3A_1661 = vector.broadcast %squeeze3A_1653 : f32 to vector<16xf32>
        %mul3A_1662 = arith.mulf %mul3A_1661, %get3A_1660 : vector<16xf32>
        %add3A_1663 = arith.addf %add3A_1643, %mul3A_1662 : vector<16xf32>
        %get3A_1664 = arith.index_cast %select_n3A_451 : i32 to index
        %get3A_1665 = arith.index_cast %add3A_1655 : i32 to index
        %get3A_1666 = arith.constant 16 : index
        %get3A_1667 = tpu.vector_load %arg7[%get3A_1664, %get3A_1665, %get3A_1666] {strides = array<i32>} : memref<16x128x32xf32, #tpu.memory_space<vmem>>, vector<1x1x16xf32>,
        %get3A_1668 = vector.shape_cast %get3A_1667 : vector<1x1x16xf32> to vector<16xf32>
        %mul3A_1669 = vector.broadcast %squeeze3A_1653 : f32 to vector<16xf32>
        %mul3A_1670 = arith.mulf %mul3A_1669, %get3A_1668 : vector<16xf32>
        %add3A_1671 = arith.addf %add3A_1651, %mul3A_1670 : vector<16xf32>
        %slice3A_1672 = vector.extract_strided_slice %get3A_1451 {offsets = [11], sizes = [1], strides = [1]} : vector<16xf32> to vector<1xf32>
        %squeeze3A_1673 = vector.extract %slice3A_1672[0] : f32 from vector<1xf32>
        %add3A_1674 = arith.constant 59 : i32
        %add3A_1675 = arith.addi %mul3A_469, %add3A_1674 : i32
        %get3A_1676 = arith.index_cast %select_n3A_451 : i32 to index
        %get3A_1677 = arith.index_cast %add3A_1675 : i32 to index
        %get3A_1678 = arith.constant 0 : index
        %get3A_1679 = tpu.vector_load %arg7[%get3A_1676, %get3A_1677, %get3A_1678] {strides = array<i32>} : memref<16x128x32xf32, #tpu.memory_space<vmem>>, vector<1x1x16xf32>,
        %get3A_1680 = vector.shape_cast %get3A_1679 : vector<1x1x16xf32> to vector<16xf32>
        %mul3A_1681 = vector.broadcast %squeeze3A_1673 : f32 to vector<16xf32>
        %mul3A_1682 = arith.mulf %mul3A_1681, %get3A_1680 : vector<16xf32>
        %add3A_1683 = arith.addf %add3A_1663, %mul3A_1682 : vector<16xf32>
        %get3A_1684 = arith.index_cast %select_n3A_451 : i32 to index
        %get3A_1685 = arith.index_cast %add3A_1675 : i32 to index
        %get3A_1686 = arith.constant 16 : index
        %get3A_1687 = tpu.vector_load %arg7[%get3A_1684, %get3A_1685, %get3A_1686] {strides = array<i32>} : memref<16x128x32xf32, #tpu.memory_space<vmem>>, vector<1x1x16xf32>,
        %get3A_1688 = vector.shape_cast %get3A_1687 : vector<1x1x16xf32> to vector<16xf32>
        %mul3A_1689 = vector.broadcast %squeeze3A_1673 : f32 to vector<16xf32>
        %mul3A_1690 = arith.mulf %mul3A_1689, %get3A_1688 : vector<16xf32>
        %add3A_1691 = arith.addf %add3A_1671, %mul3A_1690 : vector<16xf32>
        %slice3A_1692 = vector.extract_strided_slice %get3A_1451 {offsets = [12], sizes = [1], strides = [1]} : vector<16xf32> to vector<1xf32>
        %squeeze3A_1693 = vector.extract %slice3A_1692[0] : f32 from vector<1xf32>
        %add3A_1694 = arith.constant 60 : i32
        %add3A_1695 = arith.addi %mul3A_469, %add3A_1694 : i32
        %get3A_1696 = arith.index_cast %select_n3A_451 : i32 to index
        %get3A_1697 = arith.index_cast %add3A_1695 : i32 to index
        %get3A_1698 = arith.constant 0 : index
        %get3A_1699 = tpu.vector_load %arg7[%get3A_1696, %get3A_1697, %get3A_1698] {strides = array<i32>} : memref<16x128x32xf32, #tpu.memory_space<vmem>>, vector<1x1x16xf32>,
        %get3A_1700 = vector.shape_cast %get3A_1699 : vector<1x1x16xf32> to vector<16xf32>
        %mul3A_1701 = vector.broadcast %squeeze3A_1693 : f32 to vector<16xf32>
        %mul3A_1702 = arith.mulf %mul3A_1701, %get3A_1700 : vector<16xf32>
        %add3A_1703 = arith.addf %add3A_1683, %mul3A_1702 : vector<16xf32>
        %get3A_1704 = arith.index_cast %select_n3A_451 : i32 to index
        %get3A_1705 = arith.index_cast %add3A_1695 : i32 to index
        %get3A_1706 = arith.constant 16 : index
        %get3A_1707 = tpu.vector_load %arg7[%get3A_1704, %get3A_1705, %get3A_1706] {strides = array<i32>} : memref<16x128x32xf32, #tpu.memory_space<vmem>>, vector<1x1x16xf32>,
        %get3A_1708 = vector.shape_cast %get3A_1707 : vector<1x1x16xf32> to vector<16xf32>
        %mul3A_1709 = vector.broadcast %squeeze3A_1693 : f32 to vector<16xf32>
        %mul3A_1710 = arith.mulf %mul3A_1709, %get3A_1708 : vector<16xf32>
        %add3A_1711 = arith.addf %add3A_1691, %mul3A_1710 : vector<16xf32>
        %slice3A_1712 = vector.extract_strided_slice %get3A_1451 {offsets = [13], sizes = [1], strides = [1]} : vector<16xf32> to vector<1xf32>
        %squeeze3A_1713 = vector.extract %slice3A_1712[0] : f32 from vector<1xf32>
        %add3A_1714 = arith.constant 61 : i32
        %add3A_1715 = arith.addi %mul3A_469, %add3A_1714 : i32
        %get3A_1716 = arith.index_cast %select_n3A_451 : i32 to index
        %get3A_1717 = arith.index_cast %add3A_1715 : i32 to index
        %get3A_1718 = arith.constant 0 : index
        %get3A_1719 = tpu.vector_load %arg7[%get3A_1716, %get3A_1717, %get3A_1718] {strides = array<i32>} : memref<16x128x32xf32, #tpu.memory_space<vmem>>, vector<1x1x16xf32>,
        %get3A_1720 = vector.shape_cast %get3A_1719 : vector<1x1x16xf32> to vector<16xf32>
        %mul3A_1721 = vector.broadcast %squeeze3A_1713 : f32 to vector<16xf32>
        %mul3A_1722 = arith.mulf %mul3A_1721, %get3A_1720 : vector<16xf32>
        %add3A_1723 = arith.addf %add3A_1703, %mul3A_1722 : vector<16xf32>
        %get3A_1724 = arith.index_cast %select_n3A_451 : i32 to index
        %get3A_1725 = arith.index_cast %add3A_1715 : i32 to index
        %get3A_1726 = arith.constant 16 : index
        %get3A_1727 = tpu.vector_load %arg7[%get3A_1724, %get3A_1725, %get3A_1726] {strides = array<i32>} : memref<16x128x32xf32, #tpu.memory_space<vmem>>, vector<1x1x16xf32>,
        %get3A_1728 = vector.shape_cast %get3A_1727 : vector<1x1x16xf32> to vector<16xf32>
        %mul3A_1729 = vector.broadcast %squeeze3A_1713 : f32 to vector<16xf32>
        %mul3A_1730 = arith.mulf %mul3A_1729, %get3A_1728 : vector<16xf32>
        %add3A_1731 = arith.addf %add3A_1711, %mul3A_1730 : vector<16xf32>
        %slice3A_1732 = vector.extract_strided_slice %get3A_1451 {offsets = [14], sizes = [1], strides = [1]} : vector<16xf32> to vector<1xf32>
        %squeeze3A_1733 = vector.extract %slice3A_1732[0] : f32 from vector<1xf32>
        %add3A_1734 = arith.constant 62 : i32
        %add3A_1735 = arith.addi %mul3A_469, %add3A_1734 : i32
        %get3A_1736 = arith.index_cast %select_n3A_451 : i32 to index
        %get3A_1737 = arith.index_cast %add3A_1735 : i32 to index
        %get3A_1738 = arith.constant 0 : index
        %get3A_1739 = tpu.vector_load %arg7[%get3A_1736, %get3A_1737, %get3A_1738] {strides = array<i32>} : memref<16x128x32xf32, #tpu.memory_space<vmem>>, vector<1x1x16xf32>,
        %get3A_1740 = vector.shape_cast %get3A_1739 : vector<1x1x16xf32> to vector<16xf32>
        %mul3A_1741 = vector.broadcast %squeeze3A_1733 : f32 to vector<16xf32>
        %mul3A_1742 = arith.mulf %mul3A_1741, %get3A_1740 : vector<16xf32>
        %add3A_1743 = arith.addf %add3A_1723, %mul3A_1742 : vector<16xf32>
        %get3A_1744 = arith.index_cast %select_n3A_451 : i32 to index
        %get3A_1745 = arith.index_cast %add3A_1735 : i32 to index
        %get3A_1746 = arith.constant 16 : index
        %get3A_1747 = tpu.vector_load %arg7[%get3A_1744, %get3A_1745, %get3A_1746] {strides = array<i32>} : memref<16x128x32xf32, #tpu.memory_space<vmem>>, vector<1x1x16xf32>,
        %get3A_1748 = vector.shape_cast %get3A_1747 : vector<1x1x16xf32> to vector<16xf32>
        %mul3A_1749 = vector.broadcast %squeeze3A_1733 : f32 to vector<16xf32>
        %mul3A_1750 = arith.mulf %mul3A_1749, %get3A_1748 : vector<16xf32>
        %add3A_1751 = arith.addf %add3A_1731, %mul3A_1750 : vector<16xf32>
        %slice3A_1752 = vector.extract_strided_slice %get3A_1451 {offsets = [15], sizes = [1], strides = [1]} : vector<16xf32> to vector<1xf32>
        %squeeze3A_1753 = vector.extract %slice3A_1752[0] : f32 from vector<1xf32>
        %add3A_1754 = arith.constant 63 : i32
        %add3A_1755 = arith.addi %mul3A_469, %add3A_1754 : i32
        %get3A_1756 = arith.index_cast %select_n3A_451 : i32 to index
        %get3A_1757 = arith.index_cast %add3A_1755 : i32 to index
        %get3A_1758 = arith.constant 0 : index
        %get3A_1759 = tpu.vector_load %arg7[%get3A_1756, %get3A_1757, %get3A_1758] {strides = array<i32>} : memref<16x128x32xf32, #tpu.memory_space<vmem>>, vector<1x1x16xf32>,
        %get3A_1760 = vector.shape_cast %get3A_1759 : vector<1x1x16xf32> to vector<16xf32>
        %mul3A_1761 = vector.broadcast %squeeze3A_1753 : f32 to vector<16xf32>
        %mul3A_1762 = arith.mulf %mul3A_1761, %get3A_1760 : vector<16xf32>
        %add3A_1763 = arith.addf %add3A_1743, %mul3A_1762 : vector<16xf32>
        %get3A_1764 = arith.index_cast %select_n3A_451 : i32 to index
        %get3A_1765 = arith.index_cast %add3A_1755 : i32 to index
        %get3A_1766 = arith.constant 16 : index
        %get3A_1767 = tpu.vector_load %arg7[%get3A_1764, %get3A_1765, %get3A_1766] {strides = array<i32>} : memref<16x128x32xf32, #tpu.memory_space<vmem>>, vector<1x1x16xf32>,
        %get3A_1768 = vector.shape_cast %get3A_1767 : vector<1x1x16xf32> to vector<16xf32>
        %mul3A_1769 = vector.broadcast %squeeze3A_1753 : f32 to vector<16xf32>
        %mul3A_1770 = arith.mulf %mul3A_1769, %get3A_1768 : vector<16xf32>
        %add3A_1771 = arith.addf %add3A_1751, %mul3A_1770 : vector<16xf32>
        %swap3A = arith.index_cast %scan3A_427 : i32 to index
        %swap3A_1772 = arith.constant 0 : index
        %swap3A_1773 = tpu.vector_load %arg9[%swap3A, %swap3A_1772] {strides = array<i32>} : memref<32x32xf32, #tpu.memory_space<vmem>>, vector<1x16xf32>,
        %swap3A_1774 = vector.shape_cast %swap3A_1773 : vector<1x16xf32> to vector<16xf32>
        %swap3A_1775 = vector.shape_cast %add3A_1763 : vector<16xf32> to vector<1x16xf32>
        tpu.vector_store %arg9[%swap3A, %swap3A_1772], %swap3A_1775 {strides = array<i32>} : memref<32x32xf32, #tpu.memory_space<vmem>>, vector<1x16xf32>,
        %swap3A_1776 = arith.index_cast %scan3A_427 : i32 to index
        %swap3A_1777 = arith.constant 16 : index
        %swap3A_1778 = tpu.vector_load %arg9[%swap3A_1776, %swap3A_1777] {strides = array<i32>} : memref<32x32xf32, #tpu.memory_space<vmem>>, vector<1x16xf32>,
        %swap3A_1779 = vector.shape_cast %swap3A_1778 : vector<1x16xf32> to vector<16xf32>
        %swap3A_1780 = vector.shape_cast %add3A_1771 : vector<16xf32> to vector<1x16xf32>
        tpu.vector_store %arg9[%swap3A_1776, %swap3A_1777], %swap3A_1780 {strides = array<i32>} : memref<32x32xf32, #tpu.memory_space<vmem>>, vector<1x16xf32>,
      }
      %scan3A_424 = arith.constant 32 : i32
      %mul3A_425 = arith.constant 32 : i32
      %mul3A_426 = arith.muli %scan3A_36, %mul3A_425 : i32
      "tpu.region"() ({
        %run_scoped3A = tpu.sem_alloc : memref<!tpu.dma_semaphore, #tpu.memory_space<semaphore_mem>>
        %dma_start3A_427 = arith.constant 0 : i32
        %dma_start3A_428 = tpu.memref_slice %arg5[%select_n3A, %mul3A_426, %select_n3A_30, %dma_start3A_427] : memref<4x1024x8x32xf32, #tpu.memory_space<hbm>> -> memref<1x32x1x32xf32, #tpu.memory_space<hbm>>
        %dma_start3A_429 = tpu.memref_squeeze %dma_start3A_428 : memref<1x32x1x32xf32, #tpu.memory_space<hbm>> -> memref<32x32xf32, #tpu.memory_space<hbm>>
        %dma_start3A_430 = arith.constant 0 : i32
        %dma_start3A_431 = tpu.memref_slice %arg5[%select_n3A, %mul3A_426, %select_n3A_30, %dma_start3A_430] : memref<4x1024x8x32xf32, #tpu.memory_space<hbm>> -> memref<1x32x1x32xf32, #tpu.memory_space<hbm>>
        %dma_start3A_432 = tpu.memref_squeeze %dma_start3A_431 : memref<1x32x1x32xf32, #tpu.memory_space<hbm>> -> memref<32x32xf32, #tpu.memory_space<hbm>>
        tpu.enqueue_dma source(%arg9 : memref<32x32xf32, #tpu.memory_space<vmem>>) target(%dma_start3A_432 : memref<32x32xf32, #tpu.memory_space<hbm>>) target_semaphore(%run_scoped3A : memref<!tpu.dma_semaphore, #tpu.memory_space<semaphore_mem>>)
        %dma_wait3A_433 = arith.constant 0 : i32
        %dma_wait3A_434 = tpu.memref_slice %arg5[%select_n3A, %mul3A_426, %select_n3A_30, %dma_wait3A_433] : memref<4x1024x8x32xf32, #tpu.memory_space<hbm>> -> memref<1x32x1x32xf32, #tpu.memory_space<hbm>>
        %dma_wait3A_435 = tpu.memref_squeeze %dma_wait3A_434 : memref<1x32x1x32xf32, #tpu.memory_space<hbm>> -> memref<32x32xf32, #tpu.memory_space<hbm>>
        %dma_wait3A_436 = arith.constant 0 : i32
        %dma_wait3A_437 = tpu.memref_slice %arg5[%select_n3A, %mul3A_426, %select_n3A_30, %dma_wait3A_436] : memref<4x1024x8x32xf32, #tpu.memory_space<hbm>> -> memref<1x32x1x32xf32, #tpu.memory_space<hbm>>
        %dma_wait3A_438 = tpu.memref_squeeze %dma_wait3A_437 : memref<1x32x1x32xf32, #tpu.memory_space<hbm>> -> memref<32x32xf32, #tpu.memory_space<hbm>>
        tpu.wait_dma2 semaphore(%run_scoped3A : memref<!tpu.dma_semaphore, #tpu.memory_space<semaphore_mem>>) src(%arg9 : memref<32x32xf32, #tpu.memory_space<vmem>>) dst(%dma_wait3A_438 : memref<32x32xf32, #tpu.memory_space<hbm>>)
        tpu.yield
      }) : () -> ()
    }
    %scan3A_35 = arith.constant 32 : i32
    return
  }
}

module attributes {stable_mosaic.version = 14 : i64} {
  func.func @_addr_body(%arg0: i32, %arg1: i32, %arg2: memref<1x1024x256xf32, #tpu.memory_space<vmem>>, %arg3: memref<1x1024x16xf32, #tpu.memory_space<vmem>>, %arg4: memref<1x1024x16xf32, #tpu.memory_space<vmem>>, %arg5: memref<1x256x48xf32, #tpu.memory_space<vmem>>, %arg6: memref<1x1x48xf32, #tpu.memory_space<vmem>>, %arg7: memref<1x16xf32, #tpu.memory_space<vmem>>, %arg8: memref<1x16xf32, #tpu.memory_space<vmem>>, %arg9: memref<1x16xi32, #tpu.memory_space<vmem>>, %arg10: memref<1x16xi32, #tpu.memory_space<vmem>>, %arg11: memref<1x16xi32, #tpu.memory_space<vmem>>, %arg12: memref<1x1x1024x64xi32, #tpu.memory_space<vmem>>, %arg13: memref<1x1x1024x64xf32, #tpu.memory_space<vmem>>) attributes {dimension_semantics = [#tpu.dimension_semantics<arbitrary>, #tpu.dimension_semantics<arbitrary>], iteration_bounds = array<i64: 4, 8>, scalar_prefetch = 0 : i64, scratch_operands = 0 : i64, tpu.core_type = #tpu.core_type<tc>, window_params = [{transform_indices = @transform_0, window_bounds = array<i64: 1, 1024, 256>}, {transform_indices = @transform_1, window_bounds = array<i64: 1, 1024, 16>}, {transform_indices = @transform_2, window_bounds = array<i64: 1, 1024, 16>}, {transform_indices = @transform_3, window_bounds = array<i64: 1, 256, 48>}, {transform_indices = @transform_4, window_bounds = array<i64: 1, 1, 48>}, {pipeline_mode = #tpu.pipeline_mode<synchronous>, transform_indices = @transform_5, window_bounds = array<i64: 1, 16>}, {pipeline_mode = #tpu.pipeline_mode<synchronous>, transform_indices = @transform_6, window_bounds = array<i64: 1, 16>}, {pipeline_mode = #tpu.pipeline_mode<synchronous>, transform_indices = @transform_7, window_bounds = array<i64: 1, 16>}, {pipeline_mode = #tpu.pipeline_mode<synchronous>, transform_indices = @transform_8, window_bounds = array<i64: 1, 16>}, {pipeline_mode = #tpu.pipeline_mode<synchronous>, transform_indices = @transform_9, window_bounds = array<i64: 1, 16>}, {transform_indices = @transform_10, window_bounds = array<i64: 1, 1, 1024, 64>}, {transform_indices = @transform_11, window_bounds = array<i64: 1, 1, 1024, 64>}]} {
    %get3A = arith.constant 0 : index
    %get3A_0 = arith.constant 0 : index
    %get3A_1 = arith.constant 0 : index
    %get3A_2 = vector.load %arg2[%get3A, %get3A_0, %get3A_1] : memref<1x1024x256xf32, #tpu.memory_space<vmem>>, vector<1x1024x256xf32>
    %get3A_3 = vector.shape_cast %get3A_2 : vector<1x1024x256xf32> to vector<1024x256xf32>
    %get3A_4 = arith.constant 0 : index
    %get3A_5 = arith.constant 0 : index
    %get3A_6 = arith.constant 0 : index
    %get3A_7 = vector.load %arg5[%get3A_4, %get3A_5, %get3A_6] : memref<1x256x48xf32, #tpu.memory_space<vmem>>, vector<1x256x48xf32>
    %get3A_8 = vector.shape_cast %get3A_7 : vector<1x256x48xf32> to vector<256x48xf32>
    %dot_general3A = arith.constant dense<0.000000e+00> : vector<1024x48xf32>
    %dot_general3A_9 = tpu.matmul %get3A_3, %get3A_8, %dot_general3A {dimension_numbers = #tpu.dot_dimension_numbers<[1], [0], [0], [1], [0, 0, 1, 1], [], []>, precision = #tpu.contract_precision<fp32>, transpose_lhs_hint = false} : vector<1024x256xf32>, vector<256x48xf32>, vector<1024x48xf32> -> vector<1024x48xf32>
    %get3A_10 = arith.constant 0 : index
    %get3A_11 = arith.constant 0 : index
    %get3A_12 = arith.constant 0 : index
    %get3A_13 = vector.load %arg6[%get3A_10, %get3A_11, %get3A_12] : memref<1x1x48xf32, #tpu.memory_space<vmem>>, vector<1x1x48xf32>
    %get3A_14 = vector.shape_cast %get3A_13 : vector<1x1x48xf32> to vector<1x48xf32>
    %add3A = vector.broadcast %get3A_14 : vector<1x48xf32> to vector<1024x48xf32>
    %add3A_15 = arith.addf %dot_general3A_9, %add3A : vector<1024x48xf32>
    %slice3A = vector.extract_strided_slice %add3A_15 {offsets = [0, 0], sizes = [1024, 16], strides = [1, 1]} : vector<1024x48xf32> to vector<1024x16xf32>
    %slice3A_16 = vector.extract_strided_slice %add3A_15 {offsets = [0, 16], sizes = [1024, 16], strides = [1, 1]} : vector<1024x48xf32> to vector<1024x16xf32>
    %slice3A_17 = vector.extract_strided_slice %add3A_15 {offsets = [0, 32], sizes = [1024, 16], strides = [1, 1]} : vector<1024x48xf32> to vector<1024x16xf32>
    %get3A_18 = arith.constant 0 : index
    %get3A_19 = arith.constant 0 : index
    %get3A_20 = arith.constant 0 : index
    %get3A_21 = vector.load %arg3[%get3A_18, %get3A_19, %get3A_20] : memref<1x1024x16xf32, #tpu.memory_space<vmem>>, vector<1x1024x16xf32>
    %get3A_22 = vector.shape_cast %get3A_21 : vector<1x1024x16xf32> to vector<1024x16xf32>
    %get3A_23 = arith.constant 0 : index
    %get3A_24 = arith.constant 0 : index
    %get3A_25 = arith.constant 0 : index
    %get3A_26 = vector.load %arg4[%get3A_23, %get3A_24, %get3A_25] : memref<1x1024x16xf32, #tpu.memory_space<vmem>>, vector<1x1024x16xf32>
    %get3A_27 = vector.shape_cast %get3A_26 : vector<1x1024x16xf32> to vector<1024x16xf32>
    %get3A_28 = arith.constant 0 : index
    %get3A_29 = arith.constant 0 : index
    %get3A_30 = vector.load %arg7[%get3A_28, %get3A_29] : memref<1x16xf32, #tpu.memory_space<vmem>>, vector<1x16xf32>
    %get3A_31 = arith.constant 0 : index
    %get3A_32 = arith.constant 0 : index
    %get3A_33 = vector.load %arg8[%get3A_31, %get3A_32] : memref<1x16xf32, #tpu.memory_space<vmem>>, vector<1x16xf32>
    %mul3A = vector.broadcast %get3A_30 : vector<1x16xf32> to vector<1024x16xf32>
    %mul3A_34 = arith.mulf %get3A_22, %mul3A : vector<1024x16xf32>
    %add3A_35 = arith.addf %mul3A_34, %slice3A : vector<1024x16xf32>
    %sub3A = arith.constant 5.000000e-01 : f32
    %sub3A_36 = vector.broadcast %sub3A : f32 to vector<1024x16xf32>
    %sub3A_37 = arith.subf %add3A_35, %sub3A_36 : vector<1024x16xf32>
    %mul3A_38 = vector.broadcast %get3A_33 : vector<1x16xf32> to vector<1024x16xf32>
    %mul3A_39 = arith.mulf %get3A_27, %mul3A_38 : vector<1024x16xf32>
    %add3A_40 = arith.addf %mul3A_39, %slice3A_16 : vector<1024x16xf32>
    %sub3A_41 = arith.constant 5.000000e-01 : f32
    %sub3A_42 = vector.broadcast %sub3A_41 : f32 to vector<1024x16xf32>
    %sub3A_43 = arith.subf %add3A_40, %sub3A_42 : vector<1024x16xf32>
    %floor3A = math.floor %sub3A_37 : vector<1024x16xf32>
    %floor3A_44 = math.floor %sub3A_43 : vector<1024x16xf32>
    %sub3A_45 = arith.subf %sub3A_37, %floor3A : vector<1024x16xf32>
    %sub3A_46 = arith.subf %sub3A_43, %floor3A_44 : vector<1024x16xf32>
    %convert_element_type3A = arith.fptosi %floor3A : vector<1024x16xf32> to vector<1024x16xi32>
    %convert_element_type3A_47 = arith.fptosi %floor3A_44 : vector<1024x16xf32> to vector<1024x16xi32>
    %add3A_48 = arith.constant 1 : i32
    %add3A_49 = vector.broadcast %add3A_48 : i32 to vector<1024x16xi32>
    %add3A_50 = arith.addi %convert_element_type3A, %add3A_49 : vector<1024x16xi32>
    %add3A_51 = arith.constant 1 : i32
    %add3A_52 = vector.broadcast %add3A_51 : i32 to vector<1024x16xi32>
    %add3A_53 = arith.addi %convert_element_type3A_47, %add3A_52 : vector<1024x16xi32>
    %get3A_54 = arith.constant 0 : index
    %get3A_55 = arith.constant 0 : index
    %get3A_56 = vector.load %arg9[%get3A_54, %get3A_55] : memref<1x16xi32, #tpu.memory_space<vmem>>, vector<1x16xi32>
    %get3A_57 = arith.constant 0 : index
    %get3A_58 = arith.constant 0 : index
    %get3A_59 = vector.load %arg10[%get3A_57, %get3A_58] : memref<1x16xi32, #tpu.memory_space<vmem>>, vector<1x16xi32>
    %broadcast_in_dim3A = arith.constant 0 : i32
    %broadcast_in_dim3A_60 = vector.broadcast %broadcast_in_dim3A : i32 to vector<1024x16xi32>
    %ge3A = arith.constant 0 : i32
    %ge3A_61 = vector.broadcast %ge3A : i32 to vector<1024x16xi32>
    %ge3A_62 = arith.cmpi sge, %convert_element_type3A, %ge3A_61 : vector<1024x16xi32>
    %sub3A_63 = arith.constant 1 : i32
    %sub3A_64 = vector.broadcast %sub3A_63 : i32 to vector<1x16xi32>
    %sub3A_65 = arith.subi %get3A_56, %sub3A_64 : vector<1x16xi32>
    %le3A = vector.broadcast %sub3A_65 : vector<1x16xi32> to vector<1024x16xi32>
    %le3A_66 = arith.cmpi sle, %convert_element_type3A, %le3A : vector<1024x16xi32>
    %and3A = arith.andi %ge3A_62, %le3A_66 : vector<1024x16xi1>
    %ge3A_67 = arith.constant 0 : i32
    %ge3A_68 = vector.broadcast %ge3A_67 : i32 to vector<1024x16xi32>
    %ge3A_69 = arith.cmpi sge, %add3A_50, %ge3A_68 : vector<1024x16xi32>
    %sub3A_70 = arith.constant 1 : i32
    %sub3A_71 = vector.broadcast %sub3A_70 : i32 to vector<1x16xi32>
    %sub3A_72 = arith.subi %get3A_56, %sub3A_71 : vector<1x16xi32>
    %le3A_73 = vector.broadcast %sub3A_72 : vector<1x16xi32> to vector<1024x16xi32>
    %le3A_74 = arith.cmpi sle, %add3A_50, %le3A_73 : vector<1024x16xi32>
    %and3A_75 = arith.andi %ge3A_69, %le3A_74 : vector<1024x16xi1>
    %ge3A_76 = arith.constant 0 : i32
    %ge3A_77 = vector.broadcast %ge3A_76 : i32 to vector<1024x16xi32>
    %ge3A_78 = arith.cmpi sge, %convert_element_type3A_47, %ge3A_77 : vector<1024x16xi32>
    %sub3A_79 = arith.constant 1 : i32
    %sub3A_80 = vector.broadcast %sub3A_79 : i32 to vector<1x16xi32>
    %sub3A_81 = arith.subi %get3A_59, %sub3A_80 : vector<1x16xi32>
    %le3A_82 = vector.broadcast %sub3A_81 : vector<1x16xi32> to vector<1024x16xi32>
    %le3A_83 = arith.cmpi sle, %convert_element_type3A_47, %le3A_82 : vector<1024x16xi32>
    %and3A_84 = arith.andi %ge3A_78, %le3A_83 : vector<1024x16xi1>
    %ge3A_85 = arith.constant 0 : i32
    %ge3A_86 = vector.broadcast %ge3A_85 : i32 to vector<1024x16xi32>
    %ge3A_87 = arith.cmpi sge, %add3A_53, %ge3A_86 : vector<1024x16xi32>
    %sub3A_88 = arith.constant 1 : i32
    %sub3A_89 = vector.broadcast %sub3A_88 : i32 to vector<1x16xi32>
    %sub3A_90 = arith.subi %get3A_59, %sub3A_89 : vector<1x16xi32>
    %le3A_91 = vector.broadcast %sub3A_90 : vector<1x16xi32> to vector<1024x16xi32>
    %le3A_92 = arith.cmpi sle, %add3A_53, %le3A_91 : vector<1024x16xi32>
    %and3A_93 = arith.andi %ge3A_87, %le3A_92 : vector<1024x16xi1>
    %sub3A_94 = arith.constant 1 : i32
    %sub3A_95 = vector.broadcast %sub3A_94 : i32 to vector<1x16xi32>
    %sub3A_96 = arith.subi %get3A_56, %sub3A_95 : vector<1x16xi32>
    %max3A = arith.maxsi %broadcast_in_dim3A_60, %convert_element_type3A : vector<1024x16xi32>
    %min3A = vector.broadcast %sub3A_96 : vector<1x16xi32> to vector<1024x16xi32>
    %min3A_97 = arith.minsi %min3A, %max3A : vector<1024x16xi32>
    %sub3A_98 = arith.constant 1 : i32
    %sub3A_99 = vector.broadcast %sub3A_98 : i32 to vector<1x16xi32>
    %sub3A_100 = arith.subi %get3A_56, %sub3A_99 : vector<1x16xi32>
    %max3A_101 = arith.maxsi %broadcast_in_dim3A_60, %add3A_50 : vector<1024x16xi32>
    %min3A_102 = vector.broadcast %sub3A_100 : vector<1x16xi32> to vector<1024x16xi32>
    %min3A_103 = arith.minsi %min3A_102, %max3A_101 : vector<1024x16xi32>
    %sub3A_104 = arith.constant 1 : i32
    %sub3A_105 = vector.broadcast %sub3A_104 : i32 to vector<1x16xi32>
    %sub3A_106 = arith.subi %get3A_59, %sub3A_105 : vector<1x16xi32>
    %max3A_107 = arith.maxsi %broadcast_in_dim3A_60, %convert_element_type3A_47 : vector<1024x16xi32>
    %min3A_108 = vector.broadcast %sub3A_106 : vector<1x16xi32> to vector<1024x16xi32>
    %min3A_109 = arith.minsi %min3A_108, %max3A_107 : vector<1024x16xi32>
    %sub3A_110 = arith.constant 1 : i32
    %sub3A_111 = vector.broadcast %sub3A_110 : i32 to vector<1x16xi32>
    %sub3A_112 = arith.subi %get3A_59, %sub3A_111 : vector<1x16xi32>
    %max3A_113 = arith.maxsi %broadcast_in_dim3A_60, %add3A_53 : vector<1024x16xi32>
    %min3A_114 = vector.broadcast %sub3A_112 : vector<1x16xi32> to vector<1024x16xi32>
    %min3A_115 = arith.minsi %min3A_114, %max3A_113 : vector<1024x16xi32>
    %get3A_116 = arith.constant 0 : index
    %get3A_117 = arith.constant 0 : index
    %get3A_118 = vector.load %arg11[%get3A_116, %get3A_117] : memref<1x16xi32, #tpu.memory_space<vmem>>, vector<1x16xi32>
    %mul3A_119 = arith.constant 5440 : i32
    %mul3A_120 = arith.muli %arg0, %mul3A_119 : i32
    %add3A_121 = vector.broadcast %mul3A_120 : i32 to vector<1x16xi32>
    %add3A_122 = arith.addi %get3A_118, %add3A_121 : vector<1x16xi32>
    %mul3A_123 = vector.broadcast %get3A_56 : vector<1x16xi32> to vector<1024x16xi32>
    %mul3A_124 = arith.muli %min3A_109, %mul3A_123 : vector<1024x16xi32>
    %add3A_125 = arith.addi %mul3A_124, %min3A_97 : vector<1024x16xi32>
    %add3A_126 = vector.broadcast %add3A_122 : vector<1x16xi32> to vector<1024x16xi32>
    %add3A_127 = arith.addi %add3A_125, %add3A_126 : vector<1024x16xi32>
    %mul3A_128 = arith.constant 8 : i32
    %mul3A_129 = vector.broadcast %mul3A_128 : i32 to vector<1024x16xi32>
    %mul3A_130 = arith.muli %add3A_127, %mul3A_129 : vector<1024x16xi32>
    %add3A_131 = vector.broadcast %arg1 : i32 to vector<1024x16xi32>
    %add3A_132 = arith.addi %mul3A_130, %add3A_131 : vector<1024x16xi32>
    %mul3A_133 = vector.broadcast %get3A_56 : vector<1x16xi32> to vector<1024x16xi32>
    %mul3A_134 = arith.muli %min3A_115, %mul3A_133 : vector<1024x16xi32>
    %add3A_135 = arith.addi %mul3A_134, %min3A_97 : vector<1024x16xi32>
    %add3A_136 = vector.broadcast %add3A_122 : vector<1x16xi32> to vector<1024x16xi32>
    %add3A_137 = arith.addi %add3A_135, %add3A_136 : vector<1024x16xi32>
    %mul3A_138 = arith.constant 8 : i32
    %mul3A_139 = vector.broadcast %mul3A_138 : i32 to vector<1024x16xi32>
    %mul3A_140 = arith.muli %add3A_137, %mul3A_139 : vector<1024x16xi32>
    %add3A_141 = vector.broadcast %arg1 : i32 to vector<1024x16xi32>
    %add3A_142 = arith.addi %mul3A_140, %add3A_141 : vector<1024x16xi32>
    %mul3A_143 = vector.broadcast %get3A_56 : vector<1x16xi32> to vector<1024x16xi32>
    %mul3A_144 = arith.muli %min3A_109, %mul3A_143 : vector<1024x16xi32>
    %add3A_145 = arith.addi %mul3A_144, %min3A_103 : vector<1024x16xi32>
    %add3A_146 = vector.broadcast %add3A_122 : vector<1x16xi32> to vector<1024x16xi32>
    %add3A_147 = arith.addi %add3A_145, %add3A_146 : vector<1024x16xi32>
    %mul3A_148 = arith.constant 8 : i32
    %mul3A_149 = vector.broadcast %mul3A_148 : i32 to vector<1024x16xi32>
    %mul3A_150 = arith.muli %add3A_147, %mul3A_149 : vector<1024x16xi32>
    %add3A_151 = vector.broadcast %arg1 : i32 to vector<1024x16xi32>
    %add3A_152 = arith.addi %mul3A_150, %add3A_151 : vector<1024x16xi32>
    %mul3A_153 = vector.broadcast %get3A_56 : vector<1x16xi32> to vector<1024x16xi32>
    %mul3A_154 = arith.muli %min3A_115, %mul3A_153 : vector<1024x16xi32>
    %add3A_155 = arith.addi %mul3A_154, %min3A_103 : vector<1024x16xi32>
    %add3A_156 = vector.broadcast %add3A_122 : vector<1x16xi32> to vector<1024x16xi32>
    %add3A_157 = arith.addi %add3A_155, %add3A_156 : vector<1024x16xi32>
    %mul3A_158 = arith.constant 8 : i32
    %mul3A_159 = vector.broadcast %mul3A_158 : i32 to vector<1024x16xi32>
    %mul3A_160 = arith.muli %add3A_157, %mul3A_159 : vector<1024x16xi32>
    %add3A_161 = vector.broadcast %arg1 : i32 to vector<1024x16xi32>
    %add3A_162 = arith.addi %mul3A_160, %add3A_161 : vector<1024x16xi32>
    %reduce_max3A = arith.constant dense<0xFF800000> : vector<1024xf32>
    %reduce_max3A_163 = vector.multi_reduction <maximumf>, %slice3A_17, %reduce_max3A [1] : vector<1024x16xf32> to vector<1024xf32>
    %broadcast_in_dim3A_164 = vector.shape_cast %reduce_max3A_163 : vector<1024xf32> to vector<1024x1xf32>
    %sub3A_165 = vector.broadcast %broadcast_in_dim3A_164 : vector<1024x1xf32> to vector<1024x16xf32>
    %sub3A_166 = arith.subf %slice3A_17, %sub3A_165 : vector<1024x16xf32>
    %exp3A = math.exp %sub3A_166 : vector<1024x16xf32>
    %reduce_sum3A = arith.constant dense<0.000000e+00> : vector<1024xf32>
    %reduce_sum3A_167 = vector.multi_reduction <add>, %exp3A, %reduce_sum3A [1] : vector<1024x16xf32> to vector<1024xf32>
    %broadcast_in_dim3A_168 = vector.shape_cast %reduce_sum3A_167 : vector<1024xf32> to vector<1024x1xf32>
    %div3A = vector.broadcast %broadcast_in_dim3A_168 : vector<1024x1xf32> to vector<1024x16xf32>
    %div3A_169 = arith.divf %exp3A, %div3A : vector<1024x16xf32>
    %sub3A_170 = arith.constant 1.000000e+00 : f32
    %sub3A_171 = vector.broadcast %sub3A_170 : f32 to vector<1024x16xf32>
    %sub3A_172 = arith.subf %sub3A_171, %sub3A_45 : vector<1024x16xf32>
    %sub3A_173 = arith.constant 1.000000e+00 : f32
    %sub3A_174 = vector.broadcast %sub3A_173 : f32 to vector<1024x16xf32>
    %sub3A_175 = arith.subf %sub3A_174, %sub3A_46 : vector<1024x16xf32>
    %broadcast_in_dim3A_176 = arith.constant 0.000000e+00 : f32
    %broadcast_in_dim3A_177 = vector.broadcast %broadcast_in_dim3A_176 : f32 to vector<1024x16xf32>
    %and3A_178 = arith.andi %and3A, %and3A_84 : vector<1024x16xi1>
    %mul3A_179 = arith.mulf %sub3A_172, %sub3A_175 : vector<1024x16xf32>
    %select_n3A = arith.select %and3A_178, %mul3A_179, %broadcast_in_dim3A_177 : vector<1024x16xi1>, vector<1024x16xf32>
    %mul3A_180 = arith.mulf %select_n3A, %div3A_169 : vector<1024x16xf32>
    %and3A_181 = arith.andi %and3A, %and3A_93 : vector<1024x16xi1>
    %mul3A_182 = arith.mulf %sub3A_172, %sub3A_46 : vector<1024x16xf32>
    %select_n3A_183 = arith.select %and3A_181, %mul3A_182, %broadcast_in_dim3A_177 : vector<1024x16xi1>, vector<1024x16xf32>
    %mul3A_184 = arith.mulf %select_n3A_183, %div3A_169 : vector<1024x16xf32>
    %and3A_185 = arith.andi %and3A_75, %and3A_84 : vector<1024x16xi1>
    %mul3A_186 = arith.mulf %sub3A_45, %sub3A_175 : vector<1024x16xf32>
    %select_n3A_187 = arith.select %and3A_185, %mul3A_186, %broadcast_in_dim3A_177 : vector<1024x16xi1>, vector<1024x16xf32>
    %mul3A_188 = arith.mulf %select_n3A_187, %div3A_169 : vector<1024x16xf32>
    %and3A_189 = arith.andi %and3A_75, %and3A_93 : vector<1024x16xi1>
    %mul3A_190 = arith.mulf %sub3A_45, %sub3A_46 : vector<1024x16xf32>
    %select_n3A_191 = arith.select %and3A_189, %mul3A_190, %broadcast_in_dim3A_177 : vector<1024x16xi1>, vector<1024x16xf32>
    %mul3A_192 = arith.mulf %select_n3A_191, %div3A_169 : vector<1024x16xf32>
    %concatenate3A = tpu.concatenate %add3A_132, %add3A_142, %add3A_152, %add3A_162 in 1 : vector<1024x16xi32>, vector<1024x16xi32>, vector<1024x16xi32>, vector<1024x16xi32> -> vector<1024x64xi32>
    %swap3A = arith.constant 0 : index
    %swap3A_193 = arith.constant 0 : index
    %swap3A_194 = arith.constant 0 : index
    %swap3A_195 = arith.constant 0 : index
    %swap3A_196 = vector.load %arg12[%swap3A, %swap3A_193, %swap3A_194, %swap3A_195] : memref<1x1x1024x64xi32, #tpu.memory_space<vmem>>, vector<1x1x1024x64xi32>
    %swap3A_197 = vector.shape_cast %swap3A_196 : vector<1x1x1024x64xi32> to vector<1024x64xi32>
    %swap3A_198 = vector.shape_cast %concatenate3A : vector<1024x64xi32> to vector<1x1x1024x64xi32>
    tpu.vector_store %arg12[%swap3A, %swap3A_193, %swap3A_194, %swap3A_195], %swap3A_198 {strides = array<i32>} : memref<1x1x1024x64xi32, #tpu.memory_space<vmem>>, vector<1x1x1024x64xi32>,
    %concatenate3A_199 = tpu.concatenate %mul3A_180, %mul3A_184, %mul3A_188, %mul3A_192 in 1 : vector<1024x16xf32>, vector<1024x16xf32>, vector<1024x16xf32>, vector<1024x16xf32> -> vector<1024x64xf32>
    %swap3A_200 = arith.constant 0 : index
    %swap3A_201 = arith.constant 0 : index
    %swap3A_202 = arith.constant 0 : index
    %swap3A_203 = arith.constant 0 : index
    %swap3A_204 = vector.load %arg13[%swap3A_200, %swap3A_201, %swap3A_202, %swap3A_203] : memref<1x1x1024x64xf32, #tpu.memory_space<vmem>>, vector<1x1x1024x64xf32>
    %swap3A_205 = vector.shape_cast %swap3A_204 : vector<1x1x1024x64xf32> to vector<1024x64xf32>
    %swap3A_206 = vector.shape_cast %concatenate3A_199 : vector<1024x64xf32> to vector<1x1x1024x64xf32>
    tpu.vector_store %arg13[%swap3A_200, %swap3A_201, %swap3A_202, %swap3A_203], %swap3A_206 {strides = array<i32>} : memref<1x1x1024x64xf32, #tpu.memory_space<vmem>>, vector<1x1x1024x64xf32>,
    return
  }
  func.func @transform_0(%arg0: i32, %arg1: i32) -> (i32, i32, i32) {
    %c0_i32 = arith.constant 0 : i32
    %c0_i32_0 = arith.constant 0 : i32
    %c0_i32_1 = arith.constant 0 : i32
    return %arg0, %c0_i32, %c0_i32_0 : i32, i32, i32
  }
  func.func @transform_1(%arg0: i32, %arg1: i32) -> (i32, i32, i32) {
    %c0_i32 = arith.constant 0 : i32
    %c0_i32_0 = arith.constant 0 : i32
    %c0_i32_1 = arith.constant 0 : i32
    return %arg0, %c0_i32, %c0_i32_0 : i32, i32, i32
  }
  func.func @transform_2(%arg0: i32, %arg1: i32) -> (i32, i32, i32) {
    %c0_i32 = arith.constant 0 : i32
    %c0_i32_0 = arith.constant 0 : i32
    %c0_i32_1 = arith.constant 0 : i32
    return %arg0, %c0_i32, %c0_i32_0 : i32, i32, i32
  }
  func.func @transform_3(%arg0: i32, %arg1: i32) -> (i32, i32, i32) {
    %c0_i32 = arith.constant 0 : i32
    %c0_i32_0 = arith.constant 0 : i32
    %c0_i32_1 = arith.constant 0 : i32
    return %arg1, %c0_i32, %c0_i32_0 : i32, i32, i32
  }
  func.func @transform_4(%arg0: i32, %arg1: i32) -> (i32, i32, i32) {
    %c0_i32 = arith.constant 0 : i32
    %c0_i32_0 = arith.constant 0 : i32
    %c0_i32_1 = arith.constant 0 : i32
    return %arg1, %c0_i32, %c0_i32_0 : i32, i32, i32
  }
  func.func @transform_5(%arg0: i32, %arg1: i32) -> (i32, i32) {
    %c0_i32 = arith.constant 0 : i32
    %c0_i32_0 = arith.constant 0 : i32
    %c0_i32_1 = arith.constant 0 : i32
    return %c0_i32, %c0_i32_0 : i32, i32
  }
  func.func @transform_6(%arg0: i32, %arg1: i32) -> (i32, i32) {
    %c0_i32 = arith.constant 0 : i32
    %c0_i32_0 = arith.constant 0 : i32
    %c0_i32_1 = arith.constant 0 : i32
    return %c0_i32, %c0_i32_0 : i32, i32
  }
  func.func @transform_7(%arg0: i32, %arg1: i32) -> (i32, i32) {
    %c0_i32 = arith.constant 0 : i32
    %c0_i32_0 = arith.constant 0 : i32
    %c0_i32_1 = arith.constant 0 : i32
    return %c0_i32, %c0_i32_0 : i32, i32
  }
  func.func @transform_8(%arg0: i32, %arg1: i32) -> (i32, i32) {
    %c0_i32 = arith.constant 0 : i32
    %c0_i32_0 = arith.constant 0 : i32
    %c0_i32_1 = arith.constant 0 : i32
    return %c0_i32, %c0_i32_0 : i32, i32
  }
  func.func @transform_9(%arg0: i32, %arg1: i32) -> (i32, i32) {
    %c0_i32 = arith.constant 0 : i32
    %c0_i32_0 = arith.constant 0 : i32
    %c0_i32_1 = arith.constant 0 : i32
    return %c0_i32, %c0_i32_0 : i32, i32
  }
  func.func @transform_10(%arg0: i32, %arg1: i32) -> (i32, i32, i32, i32) {
    %c0_i32 = arith.constant 0 : i32
    %c0_i32_0 = arith.constant 0 : i32
    %c0_i32_1 = arith.constant 0 : i32
    return %arg0, %arg1, %c0_i32, %c0_i32_0 : i32, i32, i32, i32
  }
  func.func @transform_11(%arg0: i32, %arg1: i32) -> (i32, i32, i32, i32) {
    %c0_i32 = arith.constant 0 : i32
    %c0_i32_0 = arith.constant 0 : i32
    %c0_i32_1 = arith.constant 0 : i32
    return %arg0, %arg1, %c0_i32, %c0_i32_0 : i32, i32, i32, i32
  }
}

module attributes {stable_mosaic.version = 14 : i64} {
  func.func @_vproj_body(%arg0: i32, %arg1: memref<1x5440x256xf32, #tpu.memory_space<vmem>>, %arg2: memref<256x256xf32, #tpu.memory_space<vmem>>, %arg3: memref<1x256xf32, #tpu.memory_space<vmem>>, %arg4: memref<1x5440x1xf32, #tpu.memory_space<vmem>>, %arg5: memref<1x5440x256xf32, #tpu.memory_space<vmem>>) attributes {dimension_semantics = [#tpu.dimension_semantics<arbitrary>], iteration_bounds = array<i64: 4>, scalar_prefetch = 0 : i64, scratch_operands = 0 : i64, tpu.core_type = #tpu.core_type<tc>, window_params = [{transform_indices = @transform_0, window_bounds = array<i64: 1, 5440, 256>}, {pipeline_mode = #tpu.pipeline_mode<synchronous>, transform_indices = @transform_1, window_bounds = array<i64: 256, 256>}, {pipeline_mode = #tpu.pipeline_mode<synchronous>, transform_indices = @transform_2, window_bounds = array<i64: 1, 256>}, {transform_indices = @transform_3, window_bounds = array<i64: 1, 5440, 1>}, {transform_indices = @transform_4, window_bounds = array<i64: 1, 5440, 256>}]} {
    %get3A = arith.constant 0 : index
    %get3A_0 = arith.constant 0 : index
    %get3A_1 = arith.constant 0 : index
    %get3A_2 = vector.load %arg1[%get3A, %get3A_0, %get3A_1] : memref<1x5440x256xf32, #tpu.memory_space<vmem>>, vector<1x5440x256xf32>
    %get3A_3 = vector.shape_cast %get3A_2 : vector<1x5440x256xf32> to vector<5440x256xf32>
    %get3A_4 = arith.constant 0 : index
    %get3A_5 = arith.constant 0 : index
    %get3A_6 = vector.load %arg2[%get3A_4, %get3A_5] : memref<256x256xf32, #tpu.memory_space<vmem>>, vector<256x256xf32>
    %dot_general3A = arith.constant dense<0.000000e+00> : vector<5440x256xf32>
    %dot_general3A_7 = tpu.matmul %get3A_3, %get3A_6, %dot_general3A {dimension_numbers = #tpu.dot_dimension_numbers<[1], [0], [0], [1], [0, 0, 1, 1], [], []>, transpose_lhs_hint = false} : vector<5440x256xf32>, vector<256x256xf32>, vector<5440x256xf32> -> vector<5440x256xf32>
    %get3A_8 = arith.constant 0 : index
    %get3A_9 = arith.constant 0 : index
    %get3A_10 = vector.load %arg3[%get3A_8, %get3A_9] : memref<1x256xf32, #tpu.memory_space<vmem>>, vector<1x256xf32>
    %add3A = vector.broadcast %get3A_10 : vector<1x256xf32> to vector<5440x256xf32>
    %add3A_11 = arith.addf %dot_general3A_7, %add3A : vector<5440x256xf32>
    %get3A_12 = arith.constant 0 : index
    %get3A_13 = arith.constant 0 : index
    %get3A_14 = arith.constant 0 : index
    %get3A_15 = vector.load %arg4[%get3A_12, %get3A_13, %get3A_14] : memref<1x5440x1xf32, #tpu.memory_space<vmem>>, vector<1x5440x1xf32>
    %get3A_16 = vector.shape_cast %get3A_15 : vector<1x5440x1xf32> to vector<5440x1xf32>
    %mul3A = vector.broadcast %get3A_16 : vector<5440x1xf32> to vector<5440x256xf32>
    %mul3A_17 = arith.mulf %add3A_11, %mul3A : vector<5440x256xf32>
    %swap3A = arith.constant 0 : index
    %swap3A_18 = arith.constant 0 : index
    %swap3A_19 = arith.constant 0 : index
    %swap3A_20 = vector.load %arg5[%swap3A, %swap3A_18, %swap3A_19] : memref<1x5440x256xf32, #tpu.memory_space<vmem>>, vector<1x5440x256xf32>
    %swap3A_21 = vector.shape_cast %swap3A_20 : vector<1x5440x256xf32> to vector<5440x256xf32>
    %swap3A_22 = vector.shape_cast %mul3A_17 : vector<5440x256xf32> to vector<1x5440x256xf32>
    tpu.vector_store %arg5[%swap3A, %swap3A_18, %swap3A_19], %swap3A_22 {strides = array<i32>} : memref<1x5440x256xf32, #tpu.memory_space<vmem>>, vector<1x5440x256xf32>,
    return
  }
  func.func @transform_0(%arg0: i32) -> (i32, i32, i32) {
    %c0_i32 = arith.constant 0 : i32
    %c0_i32_0 = arith.constant 0 : i32
    %c0_i32_1 = arith.constant 0 : i32
    return %arg0, %c0_i32, %c0_i32_0 : i32, i32, i32
  }
  func.func @transform_1(%arg0: i32) -> (i32, i32) {
    %c0_i32 = arith.constant 0 : i32
    %c0_i32_0 = arith.constant 0 : i32
    %c0_i32_1 = arith.constant 0 : i32
    return %c0_i32, %c0_i32_0 : i32, i32
  }
  func.func @transform_2(%arg0: i32) -> (i32, i32) {
    %c0_i32 = arith.constant 0 : i32
    %c0_i32_0 = arith.constant 0 : i32
    %c0_i32_1 = arith.constant 0 : i32
    return %c0_i32, %c0_i32_0 : i32, i32
  }
  func.func @transform_3(%arg0: i32) -> (i32, i32, i32) {
    %c0_i32 = arith.constant 0 : i32
    %c0_i32_0 = arith.constant 0 : i32
    %c0_i32_1 = arith.constant 0 : i32
    return %arg0, %c0_i32, %c0_i32_0 : i32, i32, i32
  }
  func.func @transform_4(%arg0: i32) -> (i32, i32, i32) {
    %c0_i32 = arith.constant 0 : i32
    %c0_i32_0 = arith.constant 0 : i32
    %c0_i32_1 = arith.constant 0 : i32
    return %arg0, %c0_i32, %c0_i32_0 : i32, i32, i32
  }
}

module attributes {stable_mosaic.version = 14 : i64} {
  func.func @_oproj_body(%arg0: i32, %arg1: memref<1x1024x256xf32, #tpu.memory_space<vmem>>, %arg2: memref<256x256xf32, #tpu.memory_space<vmem>>, %arg3: memref<1x256xf32, #tpu.memory_space<vmem>>, %arg4: memref<1x1024x256xf32, #tpu.memory_space<vmem>>) attributes {dimension_semantics = [#tpu.dimension_semantics<arbitrary>], iteration_bounds = array<i64: 4>, scalar_prefetch = 0 : i64, scratch_operands = 0 : i64, tpu.core_type = #tpu.core_type<tc>, window_params = [{transform_indices = @transform_0, window_bounds = array<i64: 1, 1024, 256>}, {pipeline_mode = #tpu.pipeline_mode<synchronous>, transform_indices = @transform_1, window_bounds = array<i64: 256, 256>}, {pipeline_mode = #tpu.pipeline_mode<synchronous>, transform_indices = @transform_2, window_bounds = array<i64: 1, 256>}, {transform_indices = @transform_3, window_bounds = array<i64: 1, 1024, 256>}]} {
    %get3A = arith.constant 0 : index
    %get3A_0 = arith.constant 0 : index
    %get3A_1 = arith.constant 0 : index
    %get3A_2 = vector.load %arg1[%get3A, %get3A_0, %get3A_1] : memref<1x1024x256xf32, #tpu.memory_space<vmem>>, vector<1x1024x256xf32>
    %get3A_3 = vector.shape_cast %get3A_2 : vector<1x1024x256xf32> to vector<1024x256xf32>
    %get3A_4 = arith.constant 0 : index
    %get3A_5 = arith.constant 0 : index
    %get3A_6 = vector.load %arg2[%get3A_4, %get3A_5] : memref<256x256xf32, #tpu.memory_space<vmem>>, vector<256x256xf32>
    %dot_general3A = arith.constant dense<0.000000e+00> : vector<1024x256xf32>
    %dot_general3A_7 = tpu.matmul %get3A_3, %get3A_6, %dot_general3A {dimension_numbers = #tpu.dot_dimension_numbers<[1], [0], [0], [1], [0, 0, 1, 1], [], []>, transpose_lhs_hint = false} : vector<1024x256xf32>, vector<256x256xf32>, vector<1024x256xf32> -> vector<1024x256xf32>
    %get3A_8 = arith.constant 0 : index
    %get3A_9 = arith.constant 0 : index
    %get3A_10 = vector.load %arg3[%get3A_8, %get3A_9] : memref<1x256xf32, #tpu.memory_space<vmem>>, vector<1x256xf32>
    %add3A = vector.broadcast %get3A_10 : vector<1x256xf32> to vector<1024x256xf32>
    %add3A_11 = arith.addf %dot_general3A_7, %add3A : vector<1024x256xf32>
    %swap3A = arith.constant 0 : index
    %swap3A_12 = arith.constant 0 : index
    %swap3A_13 = arith.constant 0 : index
    %swap3A_14 = vector.load %arg4[%swap3A, %swap3A_12, %swap3A_13] : memref<1x1024x256xf32, #tpu.memory_space<vmem>>, vector<1x1024x256xf32>
    %swap3A_15 = vector.shape_cast %swap3A_14 : vector<1x1024x256xf32> to vector<1024x256xf32>
    %swap3A_16 = vector.shape_cast %add3A_11 : vector<1024x256xf32> to vector<1x1024x256xf32>
    tpu.vector_store %arg4[%swap3A, %swap3A_12, %swap3A_13], %swap3A_16 {strides = array<i32>} : memref<1x1024x256xf32, #tpu.memory_space<vmem>>, vector<1x1024x256xf32>,
    return
  }
  func.func @transform_0(%arg0: i32) -> (i32, i32, i32) {
    %c0_i32 = arith.constant 0 : i32
    %c0_i32_0 = arith.constant 0 : i32
    %c0_i32_1 = arith.constant 0 : i32
    return %arg0, %c0_i32, %c0_i32_0 : i32, i32, i32
  }
  func.func @transform_1(%arg0: i32) -> (i32, i32) {
    %c0_i32 = arith.constant 0 : i32
    %c0_i32_0 = arith.constant 0 : i32
    %c0_i32_1 = arith.constant 0 : i32
    return %c0_i32, %c0_i32_0 : i32, i32
  }
  func.func @transform_2(%arg0: i32) -> (i32, i32) {
    %c0_i32 = arith.constant 0 : i32
    %c0_i32_0 = arith.constant 0 : i32
    %c0_i32_1 = arith.constant 0 : i32
    return %c0_i32, %c0_i32_0 : i32, i32
  }
  func.func @transform_3(%arg0: i32) -> (i32, i32, i32) {
    %c0_i32 = arith.constant 0 : i32
    %c0_i32_0 = arith.constant 0 : i32
    %c0_i32_1 = arith.constant 0 : i32
    return %arg0, %c0_i32, %c0_i32_0 : i32, i32, i32
  }
}

</mosaic_0001>

<sc_bundles>
// kernel: kernel.6.cloned.1.call-start
scs
__scs_entry_jumppad:
0x0: {  	(pc) =	sbr.rel $0x88, $3  }
0x1: {  	(tag) =	ssettag $0x0;
	lr =	simm.s32 $0x1  }
0x2: {  	[smem:$0x3F95] =	sst lr;
	_ =	strace $0xD0000000  }
0x3: {  	_ = 	snop  }
0x4: {  	_ = 	snop  }
0x5: {  	_ = 	snop  }
0x6: {  	_ = 	snop  }
0x7: {  	_ = 	snop  }
__scs_overlays_trampoline_lowered:
0x8: {  	[smem:$0x3FA4] =	sst s0  }
0x9: {  	[smem:$0x3FA5] =	sst s1  }
0xa: {  	[smem:$0x3FA6] =	sst s2  }
0xb: {  	[smem:$0x3FA7] =	sst s3  }
0xc: {  	[smem:$0x3FA8] =	sst s4  }
0xd: {  	[smem:$0x3FA9] =	sst s5  }
0xe: {  	[smem:$0x3FAA] =	sst s6  }
0xf: {  	[smem:$0x3FAB] =	sst s7  }
0x10: {  	[smem:$0x3FAC] =	sst s8  }
0x11: {  	[smem:$0x3FAD] =	sst s9;
	s0 =	simm.s32 @!p0 $0x0  }
0x12: {  	s1 =	sld [smem:$0x3F93];
	s0 =	simm.s32 @p0 $0x1  }
0x13: {  	[smem:$0x3FAE] =	sst s0;
	s0 =	simm.s32 @!p1 $0x0  }
0x14: {  	s2 =	sld [smem:$0x3F92];
	s0 =	simm.s32 @p1 $0x1  }
0x15: {  	[smem:$0x3FAF] =	sst s0;
	s0 =	simm.s32 @!p2 $0x0  }
0x16: {  	s3 =	sld [smem:$0x3FDB];
	s0 =	simm.s32 @p2 $0x1  }
0x17: {  	s4 =	simm.s32 $0x1BF5;
	[smem:$0x3FB1] =	sst s0  }
0x18: {  	s0 =	sld [smem:$0x3F94];
	_ =	swait.ge [sflag:s4], $0x0  }
0x19: {  	s7 =	sld [smem:$0x3F95]  }
0x1a: {  	s8 =	sadd.s32 $0xFFFFE003, lr  }
0x1b: {  	s9 =	sadd.s32 $0xFFFFFEF7, lr;
	s5 =	simm.s32 $0xFFFFFFFF;
	p2 =	slt.u32 s8, $0xFFFFF086  }
0x1c: {  	p1 =	slt.u32 s9, $0xF7A;
	s5 =	simm.s32 @!p2 $0x0  }
0x1d: {  	s5 =	simm.s32 @p1 $0x1;
	p0 =	seq.s32 s7, s2  }
0x1e: {  	s7 =	smul.u32 @!p0 $0xF7A, s2;
	p2 =	seq.s32 @!p0 s5, $0x0  }
0x1f: {  	s9 =	smul.u32 $0xF7A, s1;
	s8 =	simm.s32 @!p0 $0x1BF5;
	p2 =	por !p2, p0  }
0x20: {  	[sflag:s8] =	ssyncset.s32 @!p0 $0xFFFFF086;
	s6 =	sadd.s32 @!p0 s3, s7;
	s7 =	simm.s32 @!p0 $0x108  }
0x21: {  	s3 =	sadd.s32 s3, s9;
	s6 =	sadd.s32 @!p0 $0x88, s6;
	s7 =	simm.s32 @p2 $0x1082  }
0x22: {  	[simem:s7], [sflag:s8] =	dma.local @!p0 [hbm:s6], $0xF7A  }
0x23: {  	s9 =	sor.u32 $0xD0000000, s2;
	s6 =	simm.s32 $0x108;
	_ =	swait.ge @!p0 [sflag:s8], $0x0  }
0x24: {  	s3 =	sadd.s32 $0x88, s3;
	s6 =	simm.s32 @!p1 $0x1082;
	[sflag:s4] =	ssyncset.s32 $0xFFFFF086  }
0x25: {  	[simem:s6], [sflag:s4] =	dma.local [hbm:s3], $0xF7A  }
0x26: {  	[smem:$0x3F95] =	sst s1;
	(tag) =	ssettag s2;
	_ =	strace s9  }
0x27: {  	s1 =	sld [smem:$0x3FA5]  }
0x28: {  	s2 =	sld [smem:$0x3FA6]  }
0x29: {  	s4 =	sld [smem:$0x3FA8]  }
0x2a: {  	p0 =	seq.s32 s5, $0x0;
	s5 =	sld [smem:$0x3FA9]  }
0x2b: {  	s6 =	sld [smem:$0x3FAA]  }
0x2c: {  	s7 =	sld [smem:$0x3FAB]  }
0x2d: {  	s3 =	simm.s32 $0x108;
	s8 =	sld [smem:$0x3FAC]  }
0x2e: {  	s3 =	simm.s32 @!p0 $0x1082;
	s9 =	sld [smem:$0x3FAD]  }
0x2f: {  	lr =	sadd.s32 s0, s3;
	s0 =	sld [smem:$0x3FA4]  }
0x30: {  	s3 =	sld [smem:$0x3FA7]  }
0x31: {  	[smem:$0x3FB0] =	sst s10  }
0x32: {  	s10 =	sld [smem:$0x3FAE];
	_ =	sdelay $0x3  }
0x33: {  	p0 =	seq.s32 s10, $0x1;
	s10 =	sld [smem:$0x3FB0];
	_ =	sdelay $0x3  }
0x34: {  	[smem:$0x3FB0] =	sst s10  }
0x35: {  	s10 =	sld [smem:$0x3FAF];
	_ =	sdelay $0x3  }
0x36: {  	p1 =	seq.s32 s10, $0x1;
	s10 =	sld [smem:$0x3FB0];
	_ =	sdelay $0x3  }
0x37: {  	[smem:$0x3FB0] =	sst s10  }
0x38: {  	s10 =	sld [smem:$0x3FB1]  }
0x39: {  	_ = 	snop;
	(pc) =	sbr.ind lr, $3  }
0x3a: {  	_ = 	snop  }
0x3b: {  	_ = 	snop  }
0x3c: {  	p2 =	seq.s32 s10, $0x1;
	s10 =	sld [smem:$0x3FB0]  }
0x3d: {  	_ =	shalt  }
0x3e: {  	_ =	shalt  }
0x3f: {  	_ =	shalt  }
0x40: {  	_ =	shalt  }
0x41: {  	_ =	shalt  }
0x42: {  	_ =	shalt  }
0x43: {  	_ =	shalt  }
0x44: {  	_ =	shalt  }
0x45: {  	_ =	shalt  }
0x46: {  	_ =	shalt  }
0x47: {  	_ =	shalt  }
0x48: {  	_ =	shalt  }
0x49: {  	_ =	shalt  }
0x4a: {  	_ =	shalt  }
0x4b: {  	_ =	shalt  }
0x4c: {  	_ =	shalt  }
0x4d: {  	_ =	shalt  }
0x4e: {  	_ =	shalt  }
0x4f: {  	_ =	shalt  }
0x50: {  	_ =	shalt  }
0x51: {  	_ =	shalt  }
0x52: {  	_ =	shalt  }
0x53: {  	_ =	shalt  }
0x54: {  	_ =	shalt  }
0x55: {  	_ =	shalt  }
0x56: {  	_ =	shalt  }
0x57: {  	_ =	shalt  }
0x58: {  	_ =	shalt  }
0x59: {  	_ =	shalt  }
0x5a: {  	_ =	shalt  }
0x5b: {  	_ =	shalt  }
0x5c: {  	_ =	shalt  }
0x5d: {  	_ =	shalt  }
0x5e: {  	_ =	shalt  }
0x5f: {  	_ =	shalt  }
0x60: {  	_ =	shalt  }
0x61: {  	_ =	shalt  }
0x62: {  	_ =	shalt  }
0x63: {  	_ =	shalt  }
0x64: {  	_ =	shalt  }
0x65: {  	_ =	shalt  }
0x66: {  	_ =	shalt  }
0x67: {  	_ =	shalt  }
0x68: {  	_ =	shalt  }
0x69: {  	_ =	shalt  }
0x6a: {  	_ =	shalt  }
0x6b: {  	_ =	shalt  }
0x6c: {  	_ =	shalt  }
0x6d: {  	_ =	shalt  }
0x6e: {  	_ =	shalt  }
0x6f: {  	_ =	shalt  }
0x70: {  	_ =	shalt  }
0x71: {  	_ =	shalt  }
0x72: {  	_ =	shalt  }
0x73: {  	_ =	shalt  }
0x74: {  	_ =	shalt  }
0x75: {  	_ =	shalt  }
0x76: {  	_ =	shalt  }
0x77: {  	_ =	shalt  }
0x78: {  	_ =	shalt  }
0x79: {  	_ =	shalt  }
0x7a: {  	_ =	shalt  }
0x7b: {  	_ =	shalt  }
0x7c: {  	_ =	shalt  }
0x7d: {  	_ =	shalt  }
0x7e: {  	_ =	shalt  }
0x7f: {  	_ =	shalt  }
0x80: {  	_ =	shalt  }
0x81: {  	_ =	shalt  }
0x82: {  	_ =	shalt  }
0x83: {  	_ =	shalt  }
0x84: {  	_ =	shalt  }
0x85: {  	_ =	shalt  }
0x86: {  	_ =	shalt  }
0x87: {  	_ =	shalt  }
.Lfunc_end0:
.L_simem_size_0:
called_computation_lowered:
.L_overlay_start_0:
0x88: {  	s2 =	sld [smem:$0x3FD9]  }
0x89: {  	s3 =	sld [smem:$0x3FFE];
	_ =	sdelay $0x1  }
0x8a: {  	s1 =	srdreg.scid  }
0x8b: {  	s0 =	sand.u32 $0x1, s1  }
0x8c: {  	s17 =	sshll.u32 s0, $0xA;
	s2 =	sadd.s32 s3, s2  }
0x8d: {  	s2 =	sadd.s32 s2, s17  }
0x8e: {  	[smem:$0x3FBC] =	sst s2  }
0x8f: {  	_ = 	snop  }
0x90: {  	s2 =	sld [smem:$0x3FD0];
	(tm) =	ssettm $0x1  }
0x91: {  	s18 =	sld [smem:$0x3FFB];
	_ =	sdelay $0x3  }
0x92: {  	_ =	strace s18  }
0x93: {  	s3 =	sld [smem:$0x3FFC];
	_ =	sdelay $0x3  }
0x94: {  	_ =	strace s3  }
0x95: {  	s3 =	sld [smem:$0x3FFD];
	_ =	sdelay $0x3  }
0x96: {  	_ =	strace s3  }
0x97: {  	_ =	strace $0x8FFFFFFF  }
0x98: {  	s19 =	sld [smem:$0x3FDB];
	_ =	sdelay $0x1  }
0x99: {  	s4 =	simm.s32 $_scs_section_size  }
0x9a: {  	s5 =	simm.s32 $_size__tile_overlayer_lowered;
	s6 =	simm.s32 $_tile_overlayer_lowered  }
0x9b: {  	s22 =	simm.s32 $0x1BFF;
	s21 =	sshll.u32 s6, $0x1;
	s3 =	sadd.s32 s4, s19  }
0x9c: {  	s7 =	simm.s32 $0x0;
	s20 =	sshll.u32 s5, $0x1;
	s5 =	sadd.s32 s21, s3  }
0x9d: {  	[timem:s7], [sflag:s22] =	dma.local [hbm:s5], s20  }
0x9e: {  	_ =	swait.ge [sflag:s22], s20  }
0x9f: {  	s4 =	ssub.s32 $0x0, s20;
	[sflag:s22] =	ssyncset.done $0x0  }
0xa0: {  	[sflag:s22] =	ssyncadd.s32 s4;
	_ =	sdelay $0x1  }
0xa1: {  	s23 =	simm.s32 $0x1B8B  }
0xa2: {  	_ =	swait.ge [sflag:s23], $0x1  }
0xa3: {  	[sflag:s23] =	ssyncset.done $0x0  }
0xa4: {  	s25 =	simm.s32 $0x1B8E;
	s24 =	sld [smem:$0x3FFE];
	[sflag:s23] =	ssyncadd.s32 $0xFFFFFFFF  }
0xa5: {  	s26 =	simm.s32 $execute0_lowered;
	[smem:$0x3FD2] =	sst s25  }
0xa6: {  	s5 =	sshll.u32 s26, $0x1;
	_ =	strace $0x80000046;
	[dreg:$0x1] =	wrdreg $0xFFFFFFFF  }
0xa7: {  	s28 =	simm.s32 $_size_execute0_lowered;
	s3 =	sadd.s32 s3, s5;
	[dreg:$0x0] =	wrdreg $0x0  }
0xa8: {  	s5 =	sshll.u32 s28, $0x1;
	[dreg:$0x2] =	wrdreg s3  }
0xa9: {  	[dreg:$0x3] =	wrdreg s5  }
0xaa: {  	[dreg:$0x4] =	wrdreg $0xC0  }
0xab: {  	_ =	task [dreg:s7], $0x5FFFF  }
0xac: {  	[dreg:$0x1] =	wrdreg $0xFFFFFFFF  }
0xad: {  	[dreg:$0x0] =	wrdreg $0x60  }
0xae: {  	[dreg:$0x2] =	wrdreg s24  }
0xaf: {  	[dreg:$0x3] =	wrdreg s2  }
0xb0: {  	[dreg:$0x4] =	wrdreg $0x9  }
0xb1: {  	_ =	task.clear_ibuf [dreg:s7], $0x5FFFF;
	_ =	strace $0x90000046  }
0xb2: {  	s29 =	simm.s32 $0x9;
	_ =	strace $0x80000048  }
0xb3: {  	_ =	swait.ge [sflag:s29], $0x1  }
0xb4: {  	[sflag:s29] =	ssyncadd.s32 $0xFFFFFFFF  }
0xb5: {  	_ =	strace $0x90000048  }
0xb6: {  	_ =	sfence  }
0xb7: {  	s30 =	sld [smem:$0x0];
	_ =	sdelay $0x2  }
0xb8: {  	s31 =	sshll.u32 s1, $0xD;
	s1 =	sshrl.u32 s1, $0x2  }
0xb9: {  	s3 =	sand.u32 $0x4000, s31;
	s1 =	sadd.s32 s1, s30  }
0xba: {  	s0 =	sor.u32 s3, s0;
	s1 =	sshll.u32 s1, $0x11  }
0xbb: {  	s0 =	sor.u32 s1, s0  }
0xbc: {  	s0 =	sadd.s32 $0x8F2B, s0  }
0xbd: {  	[sflag:s0] =	ssyncadd.remote.s32 $0x1  }
0xbe: {  	_ =	sfence.sel $0xFFFF  }
0xbf: {  	[dreg:$0x0] =	wrdreg $0xFFFFFFFF;
	(pc) =	sbr.abs _section_cstart, $3  }
0xc0: {  	[dreg:$0x1] =	wrdreg $0xFFFFFFFF  }
0xc1: {  	_ =	task.clear_ibuf [dreg:s7], $0x2FFFF;
	_ =	strace $0x9FFFFFFF  }
0xc2: {  	(tm) =	ssettm $0x7FFFFFFF  }
0xc3: {  	_ =	shalt  }
tec
execute0_lowered:
.L_overlay_start_1:
0x0: {  	(tag) =	ssettag $0x1  }
0x1: {  	s0 =	rddreg [dreg:$0x0]  }
0x2: {  	s1 =	rddreg [dreg:$0x1]  }
0x3: {  	s22 =	simm.s32 $0x0;
	s2 =	srdreg.scid;
	s7 =	stileid.u32  }
0x4: {  	s11 =	simm.s32 $0x80;
	s14 =	simm.s32 $0x100;
	s30 =	simm.s32 $0x9800  }
0x5: {  	s31 =	simm.s32 $0x500;
	s10 =	simm.s32 $0xC800;
	s12 =	simm.s32 $0x680  }
0x6: {  	s13 =	simm.s32 $0xD800;
	s15 =	simm.s32 $0x700;
	s16 =	simm.s32 $0xE800  }
0x7: {  	s17 =	simm.s32 $0x780;
	s18 =	simm.s32 $0xF800;
	s19 =	simm.s32 $0x1  }
0x8: {  	s20 =	simm.s32 $0x20;
	s21 =	simm.s32 $0x11000;
	[smem:$0x7FF] =	sst s22  }
0x9: {  	s3 =	sadd.s32 $0x142800, s0;
	s4 =	sadd.s32 $0x2800, s0;
	s5 =	sadd.s32 $0x102800, s0  }
0xa: {  	s23 =	sand.u32 $0x1, s2;
	s24 =	sshll.u32 s7, $0x1;
	s25 =	sshll.u32 s7, $0xD  }
0xb: {  	_ =	strace $0x80000047;
	s6 =	ssub.s32 $0x2, s23;
	s0 =	sor.u32 s23, s24  }
0xc: {  	s2 =	sand.u32 $0x18000, s25;
	s26 =	sshrl.u32 s6, $0x1;
	s8 =	sshll.u32 s0, $0x2  }
0xd: {  	s1 =	sadd.s32 s1, s2;
	s2 =	simm.s32 $0x580;
	s9 =	ssub.s32 s6, s26  }
0xe: {  	s28 =	sand.u32 $0x1C, s8;
	s6 =	sshll.u32 s0, $0xD;
	s0 =	simm.s32 $0xA800  }
0xf: {  	s8 =	simm.s32 $0xB800;
	s7 =	sadd.s32 s28, s1;
	s29 =	smax.u32 s9, $0x1  }
0x10: {  	s9 =	simm.s32 $0x2;
	s1 =	simm.s32 $0x600;
	[dreg:$0x4] =	wrdreg s29  }
.LBB2_1:
0x11: {  	[dreg:$0x3] =	wrdreg s22;
	s22 =	simm.s32 $0x0  }
.LBB2_2:
0x12: {  	s23 =	sshll.u32 s22, $0x8  }
0x13: {  	s24 =	sadd.s32 s6, s23  }
0x14: {  	s23 =	simm.s32 $0x0;
	s25 =	sadd.s32 s4, s24  }
0x15: {  	[tilespmem:s23], [sflag:$0x2] =	stream.linear.gather [hbm4b:s25+s23], $0x800, $0x38;
	[tilespmem:$0x11400] =	vst v63  }
0x16: {  	_ =	swait.ge [sflag:s9], $0x800  }
0x17: {  	[sflag:s9] =	ssyncset.done $0x0  }
0x18: {  	s28 =	simm.s32 $0x10800;
	s24 =	sadd.s32 s5, s24;
	[sflag:s9] =	ssyncadd.s32 $0xFFFFF800  }
0x19: {  	[tilespmem:s28], [sflag:$0x2] =	stream.linear.gather [hbm4b:s24+s23], $0x800, $0x38;
	[tilespmem:$0x11400] =	vst v63  }
0x1a: {  	_ =	swait.ge [sflag:s9], $0x800  }
0x1b: {  	[sflag:s9] =	ssyncset.done $0x0  }
0x1c: {  	s29 =	simm.s32 $0x800;
	[sflag:s9] =	ssyncadd.s32 $0xFFFFF800  }
0x1d: {  	[tilespmem:s29], [sflag:$0x1] =	stream.indirect.gather [hbm4b:s3+s11], $0x20, s23, s11, $0xb8;
	[tilespmem:$0x11400] =	vst v63  }
0x1e: {  	s25 =	simm.s32 $0x1800  }
0x1f: {  	[tilespmem:s25], [sflag:$0x1] =	stream.indirect.gather [hbm4b:s3+s11], $0x20, s11, s11, $0xb8;
	[tilespmem:$0x11400] =	vst v63  }
0x20: {  	s26 =	simm.s32 $0x2800  }
0x21: {  	[tilespmem:s26], [sflag:$0x1] =	stream.indirect.gather [hbm4b:s3+s11], $0x20, s14, s11, $0xb8;
	[tilespmem:$0x11400] =	vst v63  }
0x22: {  	s28 =	simm.s32 $0x180;
	s29 =	simm.s32 $0x3800  }
0x23: {  	[tilespmem:s29], [sflag:$0x1] =	stream.indirect.gather [hbm4b:s3+s11], $0x20, s28, s11, $0xb8;
	[tilespmem:$0x11400] =	vst v63  }
0x24: {  	s25 =	simm.s32 $0x200;
	s26 =	simm.s32 $0x4800  }
0x25: {  	[tilespmem:s26], [sflag:$0x1] =	stream.indirect.gather [hbm4b:s3+s11], $0x20, s25, s11, $0xb8;
	[tilespmem:$0x11400] =	vst v63  }
0x26: {  	s28 =	simm.s32 $0x280;
	s29 =	simm.s32 $0x5800  }
0x27: {  	[tilespmem:s29], [sflag:$0x1] =	stream.indirect.gather [hbm4b:s3+s11], $0x20, s28, s11, $0xb8;
	[tilespmem:$0x11400] =	vst v63  }
0x28: {  	s25 =	simm.s32 $0x300;
	s26 =	simm.s32 $0x6800  }
0x29: {  	[tilespmem:s26], [sflag:$0x1] =	stream.indirect.gather [hbm4b:s3+s11], $0x20, s25, s11, $0xb8;
	[tilespmem:$0x11400] =	vst v63  }
0x2a: {  	s28 =	simm.s32 $0x380;
	s29 =	simm.s32 $0x7800  }
0x2b: {  	[tilespmem:s29], [sflag:$0x1] =	stream.indirect.gather [hbm4b:s3+s11], $0x20, s28, s11, $0xb8;
	[tilespmem:$0x11400] =	vst v63  }
0x2c: {  	s25 =	simm.s32 $0x400;
	s26 =	simm.s32 $0x8800  }
0x2d: {  	[tilespmem:s26], [sflag:$0x1] =	stream.indirect.gather [hbm4b:s3+s11], $0x20, s25, s11, $0xb8;
	[tilespmem:$0x11400] =	vst v63  }
0x2e: {  	s28 =	simm.s32 $0x480  }
0x2f: {  	[tilespmem:s30], [sflag:$0x1] =	stream.indirect.gather [hbm4b:s3+s11], $0x20, s28, s11, $0xb8;
	[tilespmem:$0x11400] =	vst v63  }
0x30: {  	_ = 	snop  }
0x31: {  	[tilespmem:s0], [sflag:$0x1] =	stream.indirect.gather [hbm4b:s3+s11], $0x20, s31, s11, $0xb8;
	[tilespmem:$0x11400] =	vst v63  }
0x32: {  	_ = 	snop  }
0x33: {  	[tilespmem:s8], [sflag:$0x1] =	stream.indirect.gather [hbm4b:s3+s11], $0x20, s2, s11, $0xb8;
	[tilespmem:$0x11400] =	vst v63  }
0x34: {  	_ = 	snop  }
0x35: {  	[tilespmem:s10], [sflag:$0x1] =	stream.indirect.gather [hbm4b:s3+s11], $0x20, s1, s11, $0xb8;
	[tilespmem:$0x11400] =	vst v63  }
0x36: {  	_ = 	snop  }
0x37: {  	[tilespmem:s13], [sflag:$0x1] =	stream.indirect.gather [hbm4b:s3+s11], $0x20, s12, s11, $0xb8;
	[tilespmem:$0x11400] =	vst v63  }
0x38: {  	_ = 	snop  }
0x39: {  	[tilespmem:s16], [sflag:$0x1] =	stream.indirect.gather [hbm4b:s3+s11], $0x20, s15, s11, $0xb8;
	[tilespmem:$0x11400] =	vst v63  }
0x3a: {  	_ = 	snop  }
0x3b: {  	[tilespmem:s18], [sflag:$0x1] =	stream.indirect.gather [hbm4b:s3+s11], $0x20, s17, s11, $0xb8;
	[tilespmem:$0x11400] =	vst v63  }
0x3c: {  	_ =	swait.ge [sflag:s19], $0x1000  }
0x3d: {  	[sflag:s19] =	ssyncset.done $0x0  }
0x3e: {  	[sflag:s19] =	ssyncadd.s32 $0xFFFFF000  }
0x3f: {  	_ =	swait.ge [sflag:s19], $0x1000  }
0x40: {  	[sflag:s19] =	ssyncset.done $0x0  }
0x41: {  	[sflag:s19] =	ssyncadd.s32 $0xFFFFF000  }
0x42: {  	_ =	swait.ge [sflag:s19], $0x1000  }
0x43: {  	[sflag:s19] =	ssyncset.done $0x0  }
0x44: {  	[sflag:s19] =	ssyncadd.s32 $0xFFFFF000  }
0x45: {  	_ =	swait.ge [sflag:s19], $0x1000  }
0x46: {  	[sflag:s19] =	ssyncset.done $0x0  }
0x47: {  	[sflag:s19] =	ssyncadd.s32 $0xFFFFF000  }
0x48: {  	_ =	swait.ge [sflag:s19], $0x1000  }
0x49: {  	[sflag:s19] =	ssyncset.done $0x0  }
0x4a: {  	[sflag:s19] =	ssyncadd.s32 $0xFFFFF000  }
0x4b: {  	_ =	swait.ge [sflag:s19], $0x1000  }
0x4c: {  	[sflag:s19] =	ssyncset.done $0x0  }
0x4d: {  	[sflag:s19] =	ssyncadd.s32 $0xFFFFF000  }
0x4e: {  	_ =	swait.ge [sflag:s19], $0x1000  }
0x4f: {  	[sflag:s19] =	ssyncset.done $0x0  }
0x50: {  	[sflag:s19] =	ssyncadd.s32 $0xFFFFF000  }
0x51: {  	_ =	swait.ge [sflag:s19], $0x1000  }
0x52: {  	[sflag:s19] =	ssyncset.done $0x0  }
0x53: {  	[sflag:s19] =	ssyncadd.s32 $0xFFFFF000  }
0x54: {  	_ =	swait.ge [sflag:s19], $0x1000  }
0x55: {  	[sflag:s19] =	ssyncset.done $0x0  }
0x56: {  	[sflag:s19] =	ssyncadd.s32 $0xFFFFF000  }
0x57: {  	_ =	swait.ge [sflag:s19], $0x1000  }
0x58: {  	[sflag:s19] =	ssyncset.done $0x0  }
0x59: {  	[sflag:s19] =	ssyncadd.s32 $0xFFFFF000  }
0x5a: {  	_ =	swait.ge [sflag:s19], $0x1000  }
0x5b: {  	[sflag:s19] =	ssyncset.done $0x0  }
0x5c: {  	[sflag:s19] =	ssyncadd.s32 $0xFFFFF000  }
0x5d: {  	_ =	swait.ge [sflag:s19], $0x1000  }
0x5e: {  	[sflag:s19] =	ssyncset.done $0x0  }
0x5f: {  	[sflag:s19] =	ssyncadd.s32 $0xFFFFF000  }
0x60: {  	_ =	swait.ge [sflag:s19], $0x1000  }
0x61: {  	[sflag:s19] =	ssyncset.done $0x0  }
0x62: {  	[sflag:s19] =	ssyncadd.s32 $0xFFFFF000  }
0x63: {  	_ =	swait.ge [sflag:s19], $0x1000  }
0x64: {  	[sflag:s19] =	ssyncset.done $0x0  }
0x65: {  	[sflag:s19] =	ssyncadd.s32 $0xFFFFF000  }
0x66: {  	_ =	swait.ge [sflag:s19], $0x1000  }
0x67: {  	[sflag:s19] =	ssyncset.done $0x0  }
0x68: {  	[sflag:s19] =	ssyncadd.s32 $0xFFFFF000  }
0x69: {  	_ =	swait.ge [sflag:s19], $0x1000  }
0x6a: {  	[sflag:s19] =	ssyncset.done $0x0  }
0x6b: {  	s29 =	simm.s32 $0x10820;
	[sflag:s19] =	ssyncadd.s32 $0xFFFFF000  }
0x6c: {  	v0 =	vld [tilespmem:s29+$0x10]  }
0x6d: {  	v1 =	vld [tilespmem:s29+$0x0]  }
0x6e: {  	s23 =	sand.u32 $0xF800, s23;
	v3 =	vld [tilespmem:s29+$0xFFFFFFE0]  }
0x6f: {  	v4 =	vld [tilespmem:s23+$0x800]  }
0x70: {  	v5 =	vld [tilespmem:s23+$0x830]  }
0x71: {  	v6 =	vld [tilespmem:s23+$0x810]  }
0x72: {  	v7 =	vld [tilespmem:s23+$0x820]  }
0x73: {  	v2 =	vld [tilespmem:s29+$0xFFFFFFF0];
	v8 =	vbroadcast v3, $0x0  }
0x74: {  	v9 =	vld [tilespmem:s23+$0x840]  }
0x75: {  	v11 =	vld [tilespmem:s23+$0x850];
	v10 =	vbroadcast v3, $0x1;
	v4 =	vmul.f32 v4, v8  }
0x76: {  	v35 =	vld [tilespmem:s23+$0x860];
	v6 =	vmul.f32 v6, v8  }
0x77: {  	v12 =	vld [tilespmem:s23+$0x870];
	v13 =	vbroadcast v3, $0x2;
	v7 =	vmul.f32 v7, v10;
	v4 =	vadd.f32 $0.0e+00, v4  }
0x78: {  	v36 =	vld [tilespmem:s23+$0x880];
	v5 =	vmul.f32 v5, v10;
	v6 =	vadd.f32 $0.0e+00, v6  }
0x79: {  	v14 =	vld [tilespmem:s23+$0x890];
	v15 =	vbroadcast v3, $0x3;
	v37 =	vmul.f32 v9, v13;
	v4 =	vadd.f32 v7, v4  }
0x7a: {  	v39 =	vld [tilespmem:s23+$0x8A0];
	v38 =	vmul.f32 v11, v13;
	v5 =	vadd.f32 v5, v6  }
0x7b: {  	v40 =	vld [tilespmem:s23+$0x8B0];
	v41 =	vbroadcast v3, $0x4;
	v42 =	vmul.f32 v35, v15;
	v4 =	vadd.f32 v37, v4  }
0x7c: {  	v44 =	vld [tilespmem:s23+$0x8C0];
	v43 =	vmul.f32 v12, v15;
	v5 =	vadd.f32 v38, v5  }
0x7d: {  	v45 =	vld [tilespmem:s23+$0x8D0];
	v46 =	vbroadcast v3, $0x5;
	v47 =	vmul.f32 v36, v41;
	v4 =	vadd.f32 v42, v4  }
0x7e: {  	v49 =	vld [tilespmem:s23+$0x8E0];
	v48 =	vmul.f32 v14, v41;
	v5 =	vadd.f32 v43, v5  }
0x7f: {  	v50 =	vld [tilespmem:s23+$0x8F0];
	v51 =	vbroadcast v3, $0x6;
	v6 =	vmul.f32 v39, v46;
	v4 =	vadd.f32 v47, v4  }
0x80: {  	v53 =	vld [tilespmem:s23+$0x900];
	v52 =	vmul.f32 v40, v46;
	v5 =	vadd.f32 v48, v5  }
0x81: {  	v55 =	vld [tilespmem:s23+$0x910];
	v54 =	vbroadcast v3, $0x7;
	v56 =	vmul.f32 v44, v51;
	v4 =	vadd.f32 v6, v4  }
0x82: {  	v58 =	vld [tilespmem:s23+$0x920];
	v57 =	vmul.f32 v45, v51;
	v5 =	vadd.f32 v52, v5  }
0x83: {  	v60 =	vld [tilespmem:s23+$0x930];
	v59 =	vbroadcast v3, $0x8;
	v61 =	vmul.f32 v49, v54;
	v4 =	vadd.f32 v56, v4  }
0x84: {  	v63 =	vld [tilespmem:s23+$0x940];
	v62 =	vmul.f32 v50, v54;
	v5 =	vadd.f32 v57, v5  }
0x85: {  	v18 =	vld [tilespmem:s23+$0x950];
	v17 =	vbroadcast v3, $0x9;
	v19 =	vmul.f32 v53, v59;
	v4 =	vadd.f32 v61, v4  }
0x86: {  	v21 =	vld [tilespmem:s23+$0x960];
	v20 =	vmul.f32 v55, v59;
	v5 =	vadd.f32 v62, v5  }
0x87: {  	v22 =	vld [tilespmem:s23+$0x970];
	v24 =	vbroadcast v3, $0xA;
	v23 =	vmul.f32 v58, v17;
	v4 =	vadd.f32 v19, v4  }
0x88: {  	v25 =	vld [tilespmem:s23+$0x980];
	v11 =	vmul.f32 v60, v17;
	v5 =	vadd.f32 v20, v5  }
0x89: {  	v26 =	vld [tilespmem:s23+$0x990];
	v27 =	vbroadcast v3, $0xB;
	v28 =	vmul.f32 v63, v24;
	v4 =	vadd.f32 v23, v4  }
0x8a: {  	v29 =	vld [tilespmem:s23+$0x9A0];
	v7 =	vmul.f32 v18, v24;
	v5 =	vadd.f32 v11, v5  }
0x8b: {  	v30 =	vld [tilespmem:s23+$0x9B0];
	v31 =	vbroadcast v3, $0xC;
	v32 =	vmul.f32 v21, v27;
	v4 =	vadd.f32 v28, v4  }
0x8c: {  	v34 =	vld [tilespmem:s23+$0x9C0];
	v33 =	vmul.f32 v22, v27;
	v5 =	vadd.f32 v7, v5  }
0x8d: {  	v35 =	vld [tilespmem:s23+$0x9D0];
	v36 =	vbroadcast v3, $0xD;
	v37 =	vmul.f32 v25, v31;
	v4 =	vadd.f32 v32, v4  }
0x8e: {  	v39 =	vld [tilespmem:s23+$0x9E0];
	v38 =	vmul.f32 v26, v31;
	v5 =	vadd.f32 v33, v5  }
0x8f: {  	v40 =	vld [tilespmem:s23+$0x9F0];
	v41 =	vbroadcast v3, $0xE;
	v42 =	vmul.f32 v29, v36;
	v4 =	vadd.f32 v37, v4  }
0x90: {  	v44 =	vld [tilespmem:s23+$0xA00];
	v43 =	vmul.f32 v30, v36;
	v5 =	vadd.f32 v38, v5  }
0x91: {  	v3 =	vbroadcast v3, $0xF;
	v45 =	vld [tilespmem:s23+$0xA10];
	v46 =	vmul.f32 v34, v41;
	v4 =	vadd.f32 v42, v4  }
0x92: {  	v47 =	vmul.f32 v35, v41;
	v48 =	vld [tilespmem:s23+$0xA20];
	v5 =	vadd.f32 v43, v5  }
0x93: {  	v49 =	vld [tilespmem:s23+$0xA30];
	v51 =	vbroadcast v2, $0x0;
	v50 =	vmul.f32 v39, v3;
	v4 =	vadd.f32 v46, v4  }
0x94: {  	v3 =	vmul.f32 v40, v3;
	v52 =	vld [tilespmem:s23+$0xA40];
	v5 =	vadd.f32 v47, v5  }
0x95: {  	v53 =	vbroadcast v2, $0x1;
	v54 =	vld [tilespmem:s23+$0xA50];
	v55 =	vmul.f32 v44, v51;
	v4 =	vadd.f32 v50, v4  }
0x96: {  	v8 =	vmul.f32 v45, v51;
	v56 =	vld [tilespmem:s23+$0xA60];
	v3 =	vadd.f32 v3, v5  }
0x97: {  	v58 =	vld [tilespmem:s23+$0xA70];
	v57 =	vbroadcast v2, $0x2;
	v59 =	vmul.f32 v48, v53;
	v4 =	vadd.f32 v55, v4  }
0x98: {  	v60 =	vmul.f32 v49, v53;
	v61 =	vld [tilespmem:s23+$0xA80];
	v3 =	vadd.f32 v8, v3  }
0x99: {  	v63 =	vld [tilespmem:s23+$0xA90];
	v62 =	vbroadcast v2, $0x3;
	v15 =	vmul.f32 v52, v57;
	v4 =	vadd.f32 v59, v4  }
0x9a: {  	v17 =	vld [tilespmem:s23+$0xAA0];
	v16 =	vmul.f32 v54, v57;
	v3 =	vadd.f32 v60, v3  }
0x9b: {  	v18 =	vld [tilespmem:s23+$0xAB0];
	v19 =	vbroadcast v2, $0x4;
	v5 =	vmul.f32 v56, v62;
	v4 =	vadd.f32 v15, v4  }
0x9c: {  	v20 =	vld [tilespmem:s23+$0xAC0];
	v11 =	vmul.f32 v58, v62;
	v3 =	vadd.f32 v16, v3  }
0x9d: {  	v21 =	vbroadcast v2, $0x5;
	v22 =	vld [tilespmem:s23+$0xAD0];
	v23 =	vmul.f32 v61, v19;
	v4 =	vadd.f32 v5, v4  }
0x9e: {  	v24 =	vld [tilespmem:s23+$0xAE0];
	v6 =	vmul.f32 v63, v19;
	v3 =	vadd.f32 v11, v3  }
0x9f: {  	v27 =	vbroadcast v2, $0x6;
	v25 =	vld [tilespmem:s23+$0xAF0];
	v26 =	vmul.f32 v17, v21;
	v4 =	vadd.f32 v23, v4  }
0xa0: {  	v10 =	vmul.f32 v18, v21;
	v28 =	vld [tilespmem:s23+$0xB00];
	v3 =	vadd.f32 v6, v3  }
0xa1: {  	v29 =	vbroadcast v2, $0x7;
	v30 =	vld [tilespmem:s23+$0xB10];
	v31 =	vmul.f32 v20, v27;
	v4 =	vadd.f32 v26, v4  }
0xa2: {  	v32 =	vmul.f32 v22, v27;
	v33 =	vld [tilespmem:s23+$0xB20];
	v3 =	vadd.f32 v10, v3  }
0xa3: {  	v34 =	vld [tilespmem:s23+$0xB30];
	v36 =	vbroadcast v2, $0x8;
	v35 =	vmul.f32 v24, v29;
	v4 =	vadd.f32 v31, v4  }
0xa4: {  	v37 =	vld [tilespmem:s23+$0xB40];
	v11 =	vmul.f32 v25, v29;
	v3 =	vadd.f32 v32, v3  }
0xa5: {  	v39 =	vld [tilespmem:s23+$0xB50];
	v38 =	vbroadcast v2, $0x9;
	v40 =	vmul.f32 v28, v36;
	v4 =	vadd.f32 v35, v4  }
0xa6: {  	v41 =	vmul.f32 v30, v36;
	v42 =	vld [tilespmem:s23+$0xB60];
	v3 =	vadd.f32 v11, v3  }
0xa7: {  	v45 =	vbroadcast v2, $0xA;
	v43 =	vld [tilespmem:s23+$0xB70];
	v44 =	vmul.f32 v33, v38;
	v4 =	vadd.f32 v40, v4  }
0xa8: {  	v46 =	vld [tilespmem:s23+$0xB80];
	v10 =	vmul.f32 v34, v38;
	v3 =	vadd.f32 v41, v3  }
0xa9: {  	v48 =	vbroadcast v2, $0xB;
	v47 =	vld [tilespmem:s23+$0xB90];
	v49 =	vmul.f32 v37, v45;
	v4 =	vadd.f32 v44, v4  }
0xaa: {  	v51 =	vld [tilespmem:s23+$0xBA0];
	v50 =	vmul.f32 v39, v45;
	v3 =	vadd.f32 v10, v3  }
0xab: {  	v53 =	vbroadcast v2, $0xC;
	v52 =	vld [tilespmem:s23+$0xBB0];
	v54 =	vmul.f32 v42, v48;
	v4 =	vadd.f32 v49, v4  }
0xac: {  	v56 =	vld [tilespmem:s23+$0xBC0];
	v55 =	vmul.f32 v43, v48;
	v3 =	vadd.f32 v50, v3  }
0xad: {  	v57 =	vld [tilespmem:s23+$0xBD0];
	v58 =	vbroadcast v2, $0xD;
	v59 =	vmul.f32 v46, v53;
	v4 =	vadd.f32 v54, v4  }
0xae: {  	v61 =	vld [tilespmem:s23+$0xBE0];
	v60 =	vmul.f32 v47, v53;
	v3 =	vadd.f32 v55, v3  }
0xaf: {  	v63 =	vbroadcast v2, $0xE;
	v62 =	vld [tilespmem:s23+$0xBF0];
	v16 =	vmul.f32 v51, v58;
	v4 =	vadd.f32 v59, v4  }
0xb0: {  	v18 =	vld [tilespmem:s23+$0xC00];
	v17 =	vmul.f32 v52, v58;
	v3 =	vadd.f32 v60, v3  }
0xb1: {  	v19 =	vld [tilespmem:s23+$0xC10];
	v2 =	vbroadcast v2, $0xF;
	v20 =	vmul.f32 v56, v63;
	v4 =	vadd.f32 v16, v4  }
0xb2: {  	v21 =	vmul.f32 v57, v63;
	v22 =	vld [tilespmem:s23+$0xC20];
	v3 =	vadd.f32 v17, v3  }
0xb3: {  	v24 =	vbroadcast v1, $0x0;
	v25 =	vmul.f32 v61, v2;
	v23 =	vld [tilespmem:s23+$0xC30];
	v4 =	vadd.f32 v20, v4  }
0xb4: {  	v2 =	vmul.f32 v62, v2;
	v26 =	vld [tilespmem:s23+$0xC40];
	v3 =	vadd.f32 v21, v3  }
0xb5: {  	v27 =	vld [tilespmem:s23+$0xC50];
	v28 =	vbroadcast v1, $0x1;
	v29 =	vmul.f32 v18, v24;
	v4 =	vadd.f32 v25, v4  }
0xb6: {  	v30 =	vmul.f32 v19, v24;
	v2 =	vadd.f32 v2, v3;
	v3 =	vld [tilespmem:s23+$0xC60]  }
0xb7: {  	v33 =	vmul.f32 v22, v28;
	v31 =	vld [tilespmem:s23+$0xC70];
	v32 =	vbroadcast v1, $0x2;
	v4 =	vadd.f32 v29, v4  }
0xb8: {  	v34 =	vmul.f32 v23, v28;
	v35 =	vld [tilespmem:s23+$0xC80];
	v2 =	vadd.f32 v30, v2  }
0xb9: {  	v36 =	vld [tilespmem:s23+$0xC90];
	v37 =	vbroadcast v1, $0x3;
	v38 =	vmul.f32 v26, v32;
	v4 =	vadd.f32 v33, v4  }
0xba: {  	v39 =	vmul.f32 v27, v32;
	v40 =	vld [tilespmem:s23+$0xCA0];
	v2 =	vadd.f32 v34, v2  }
0xbb: {  	v42 =	vbroadcast v1, $0x4;
	v41 =	vld [tilespmem:s23+$0xCB0];
	v3 =	vmul.f32 v3, v37;
	v4 =	vadd.f32 v38, v4  }
0xbc: {  	v43 =	vmul.f32 v31, v37;
	v44 =	vld [tilespmem:s23+$0xCC0];
	v2 =	vadd.f32 v39, v2  }
0xbd: {  	v45 =	vld [tilespmem:s23+$0xCD0];
	v46 =	vbroadcast v1, $0x5;
	v47 =	vmul.f32 v35, v42;
	v3 =	vadd.f32 v3, v4  }
0xbe: {  	v48 =	vmul.f32 v36, v42;
	v49 =	vld [tilespmem:s23+$0xCE0];
	v2 =	vadd.f32 v43, v2  }
0xbf: {  	v51 =	vbroadcast v1, $0x6;
	v50 =	vld [tilespmem:s23+$0xCF0];
	v52 =	vmul.f32 v40, v46;
	v3 =	vadd.f32 v47, v3  }
0xc0: {  	v53 =	vmul.f32 v41, v46;
	v54 =	vld [tilespmem:s23+$0xD00];
	v2 =	vadd.f32 v48, v2  }
0xc1: {  	v56 =	vbroadcast v1, $0x7;
	v55 =	vld [tilespmem:s23+$0xD10];
	v57 =	vmul.f32 v44, v51;
	v3 =	vadd.f32 v52, v3  }
0xc2: {  	v58 =	vmul.f32 v45, v51;
	v59 =	vld [tilespmem:s23+$0xD20];
	v2 =	vadd.f32 v53, v2  }
0xc3: {  	v61 =	vbroadcast v1, $0x8;
	v60 =	vld [tilespmem:s23+$0xD30];
	v62 =	vmul.f32 v49, v56;
	v3 =	vadd.f32 v57, v3  }
0xc4: {  	v63 =	vmul.f32 v50, v56;
	v16 =	vld [tilespmem:s23+$0xD40];
	v2 =	vadd.f32 v58, v2  }
0xc5: {  	v18 =	vbroadcast v1, $0x9;
	v17 =	vld [tilespmem:s23+$0xD50];
	v19 =	vmul.f32 v54, v61;
	v3 =	vadd.f32 v62, v3  }
0xc6: {  	v20 =	vmul.f32 v55, v61;
	v21 =	vld [tilespmem:s23+$0xD60];
	v2 =	vadd.f32 v63, v2  }
0xc7: {  	v22 =	vld [tilespmem:s23+$0xD70];
	v23 =	vbroadcast v1, $0xA;
	v24 =	vmul.f32 v59, v18;
	v3 =	vadd.f32 v19, v3  }
0xc8: {  	v26 =	vld [tilespmem:s23+$0xD80];
	v25 =	vmul.f32 v60, v18;
	v2 =	vadd.f32 v20, v2  }
0xc9: {  	v28 =	vbroadcast v1, $0xB;
	v27 =	vld [tilespmem:s23+$0xD90];
	v29 =	vmul.f32 v16, v23;
	v3 =	vadd.f32 v24, v3  }
0xca: {  	v31 =	vld [tilespmem:s23+$0xDA0];
	v30 =	vmul.f32 v17, v23;
	v2 =	vadd.f32 v25, v2  }
0xcb: {  	v32 =	vld [tilespmem:s23+$0xDB0];
	v33 =	vbroadcast v1, $0xC;
	v34 =	vmul.f32 v21, v28;
	v3 =	vadd.f32 v29, v3  }
0xcc: {  	v36 =	vld [tilespmem:s23+$0xDC0];
	v35 =	vmul.f32 v22, v28;
	v2 =	vadd.f32 v30, v2  }
0xcd: {  	v37 =	vld [tilespmem:s23+$0xDD0];
	v38 =	vbroadcast v1, $0xD;
	v39 =	vmul.f32 v26, v33;
	v3 =	vadd.f32 v34, v3  }
0xce: {  	v41 =	vld [tilespmem:s23+$0xDE0];
	v40 =	vmul.f32 v27, v33;
	v2 =	vadd.f32 v35, v2  }
0xcf: {  	v42 =	vld [tilespmem:s23+$0xDF0];
	v43 =	vbroadcast v1, $0xE;
	v44 =	vmul.f32 v31, v38;
	v3 =	vadd.f32 v39, v3  }
0xd0: {  	v46 =	vld [tilespmem:s23+$0xE00];
	v45 =	vmul.f32 v32, v38;
	v2 =	vadd.f32 v40, v2  }
0xd1: {  	v1 =	vbroadcast v1, $0xF;
	v47 =	vld [tilespmem:s23+$0xE10];
	v48 =	vmul.f32 v36, v43;
	v3 =	vadd.f32 v44, v3  }
0xd2: {  	v50 =	vld [tilespmem:s23+$0xE20];
	v49 =	vmul.f32 v37, v43;
	v2 =	vadd.f32 v45, v2  }
0xd3: {  	v51 =	vld [tilespmem:s23+$0xE30];
	v52 =	vbroadcast v0, $0x0;
	v53 =	vmul.f32 v41, v1;
	v3 =	vadd.f32 v48, v3  }
0xd4: {  	v54 =	vld [tilespmem:s23+$0xE40];
	v1 =	vmul.f32 v42, v1;
	v2 =	vadd.f32 v49, v2  }
0xd5: {  	v56 =	vbroadcast v0, $0x1;
	v55 =	vld [tilespmem:s23+$0xE50];
	v57 =	vmul.f32 v46, v52;
	v3 =	vadd.f32 v53, v3  }
0xd6: {  	v58 =	vmul.f32 v47, v52;
	v1 =	vadd.f32 v1, v2;
	v2 =	vld [tilespmem:s23+$0xE60]  }
0xd7: {  	v59 =	vld [tilespmem:s23+$0xE70];
	v60 =	vbroadcast v0, $0x2;
	v61 =	vmul.f32 v50, v56;
	v3 =	vadd.f32 v57, v3  }
0xd8: {  	v62 =	vmul.f32 v51, v56;
	v63 =	vld [tilespmem:s23+$0xE80];
	v1 =	vadd.f32 v58, v1  }
0xd9: {  	v16 =	vld [tilespmem:s23+$0xE90];
	v17 =	vbroadcast v0, $0x3;
	v18 =	vmul.f32 v54, v60;
	v3 =	vadd.f32 v61, v3  }
0xda: {  	v19 =	vmul.f32 v55, v60;
	v20 =	vld [tilespmem:s23+$0xEA0];
	v1 =	vadd.f32 v62, v1  }
0xdb: {  	v22 =	vbroadcast v0, $0x4;
	v21 =	vld [tilespmem:s23+$0xEB0];
	v2 =	vmul.f32 v2, v17;
	v3 =	vadd.f32 v18, v3  }
0xdc: {  	v23 =	vmul.f32 v59, v17;
	v24 =	vld [tilespmem:s23+$0xEC0];
	v1 =	vadd.f32 v19, v1  }
0xdd: {  	v26 =	vbroadcast v0, $0x5;
	v25 =	vld [tilespmem:s23+$0xED0];
	v2 =	vadd.f32 v2, v3;
	v3 =	vmul.f32 v63, v22  }
0xde: {  	v28 =	vld [tilespmem:s23+$0xEE0];
	v27 =	vmul.f32 v16, v22;
	v1 =	vadd.f32 v23, v1  }
0xdf: {  	v29 =	vld [tilespmem:s23+$0xEF0];
	v30 =	vbroadcast v0, $0x6;
	v2 =	vadd.f32 v3, v2;
	v3 =	vmul.f32 v20, v26  }
0xe0: {  	v32 =	vld [tilespmem:s23+$0xF00];
	v31 =	vmul.f32 v21, v26;
	v1 =	vadd.f32 v27, v1  }
0xe1: {  	v33 =	vld [tilespmem:s23+$0xF10];
	v34 =	vbroadcast v0, $0x7;
	v2 =	vadd.f32 v3, v2;
	v3 =	vmul.f32 v24, v30  }
0xe2: {  	v36 =	vld [tilespmem:s23+$0xF20];
	v35 =	vmul.f32 v25, v30;
	v1 =	vadd.f32 v31, v1  }
0xe3: {  	v38 =	vbroadcast v0, $0x8;
	v37 =	vld [tilespmem:s23+$0xF30];
	v2 =	vadd.f32 v3, v2;
	v3 =	vmul.f32 v28, v34  }
0xe4: {  	v40 =	vld [tilespmem:s23+$0xF40];
	v39 =	vmul.f32 v29, v34;
	v1 =	vadd.f32 v35, v1  }
0xe5: {  	v41 =	vld [tilespmem:s23+$0xF50];
	v42 =	vbroadcast v0, $0x9;
	v2 =	vadd.f32 v3, v2;
	v3 =	vmul.f32 v32, v38  }
0xe6: {  	v43 =	vmul.f32 v33, v38;
	v44 =	vld [tilespmem:s23+$0xF60];
	v1 =	vadd.f32 v39, v1  }
0xe7: {  	v46 =	vbroadcast v0, $0xA;
	v45 =	vld [tilespmem:s23+$0xF70];
	v2 =	vadd.f32 v3, v2;
	v3 =	vmul.f32 v36, v42  }
0xe8: {  	v47 =	vmul.f32 v37, v42;
	v48 =	vld [tilespmem:s23+$0xF80];
	v1 =	vadd.f32 v43, v1  }
0xe9: {  	v50 =	vbroadcast v0, $0xB;
	v49 =	vld [tilespmem:s23+$0xF90];
	v2 =	vadd.f32 v3, v2;
	v3 =	vmul.f32 v40, v46  }
0xea: {  	v52 =	vld [tilespmem:s23+$0xFA0];
	v51 =	vmul.f32 v41, v46;
	v1 =	vadd.f32 v47, v1  }
0xeb: {  	v54 =	vbroadcast v0, $0xC;
	v53 =	vld [tilespmem:s23+$0xFB0];
	v2 =	vadd.f32 v3, v2;
	v3 =	vmul.f32 v44, v50  }
0xec: {  	v56 =	vld [tilespmem:s23+$0xFC0];
	v55 =	vmul.f32 v45, v50;
	v1 =	vadd.f32 v51, v1  }
0xed: {  	v57 =	vld [tilespmem:s23+$0xFD0];
	v58 =	vbroadcast v0, $0xD;
	v2 =	vadd.f32 v3, v2;
	v3 =	vmul.f32 v48, v54  }
0xee: {  	v60 =	vld [tilespmem:s23+$0xFF0];
	v59 =	vmul.f32 v49, v54;
	v1 =	vadd.f32 v55, v1  }
0xef: {  	v61 =	vbroadcast v0, $0xE;
	v62 =	vld [tilespmem:s23+$0xFE0];
	v2 =	vadd.f32 v3, v2;
	v3 =	vmul.f32 v52, v58  }
0xf0: {  	v63 =	vmul.f32 v53, v58;
	v1 =	vadd.f32 v59, v1  }
0xf1: {  	v2 =	vadd.f32 v3, v2;
	v3 =	vmul.f32 v56, v61  }
0xf2: {  	v0 =	vbroadcast v0, $0xF;
	v4 =	vmul.f32 v57, v61;
	v1 =	vadd.f32 v63, v1  }
0xf3: {  	v2 =	vadd.f32 v3, v2  }
0xf4: {  	v3 =	vmul.f32 v62, v0;
	v0 =	vmul.f32 v60, v0;
	v4 =	vadd.f32 v4, v1  }
0xf5: {  	s24 =	simm.s32 $0x10860  }
0xf6: {  	s26 =	simm.s32 $0x800;
	s25 =	simm.s32 $0x11010;
	s23 =	simm.s32 $0x11010;
	v1 =	vadd.f32 v3, v2;
	v0 =	vadd.f32 v0, v4  }
.LBB2_3:
0xf7: {  	s29 =	smov.u32 s26  }
0xf8: {  	s28 =	sand.u32 $0xF800, s26;
	[tilespmem:s23+$0xFFFFFFF0] =	vst v1;
	s25 =	sadd.s32 $0x20, s25;
	s29 =	sadd.s32 $0x800, s26  }
0xf9: {  	p0 =	sne.s32 s26, $0xF800;
	[tilespmem:s23+$0x0] =	vst v0;
	s23 =	smov.u32 s25  }
0xfa: {  	v0 =	vld [tilespmem:s24+$0x10]  }
0xfb: {  	v1 =	vld [tilespmem:s24+$0x0]  }
0xfc: {  	v3 =	vld [tilespmem:s28+$0x800]  }
0xfd: {  	v6 =	vld [tilespmem:s24+$0xFFFFFFE0]  }
0xfe: {  	v4 =	vld [tilespmem:s28+$0x830]  }
0xff: {  	v5 =	vld [tilespmem:s28+$0x810]  }
0x100: {  	v2 =	vld [tilespmem:s24+$0xFFFFFFF0]  }
0x101: {  	v7 =	vld [tilespmem:s28+$0x820]  }
0x102: {  	v8 =	vbroadcast v6, $0x0;
	v9 =	vbroadcast v6, $0x1;
	v10 =	vld [tilespmem:s28+$0x850]  }
0x103: {  	v12 =	vbroadcast v6, $0x7;
	v13 =	vbroadcast v6, $0x8;
	v11 =	vld [tilespmem:s28+$0x840]  }
0x104: {  	v3 =	vmul.f32 v3, v8;
	v4 =	vmul.f32 v4, v9;
	v14 =	vld [tilespmem:s28+$0x870]  }
0x105: {  	v15 =	vbroadcast v6, $0x9;
	v5 =	vmul.f32 v5, v8;
	v8 =	vld [tilespmem:s28+$0x860]  }
0x106: {  	v3 =	vadd.f32 $0.0e+00, v3;
	v7 =	vmul.f32 v7, v9;
	v9 =	vbroadcast v6, $0x2;
	v16 =	vld [tilespmem:s28+$0x890]  }
0x107: {  	v17 =	vbroadcast v6, $0x3;
	v19 =	vbroadcast v6, $0xF;
	v5 =	vadd.f32 $0.0e+00, v5;
	v18 =	vld [tilespmem:s28+$0x880]  }
0x108: {  	v3 =	vadd.f32 v7, v3;
	v7 =	vmul.f32 v11, v9;
	v9 =	vmul.f32 v10, v9;
	v10 =	vld [tilespmem:s28+$0x8B0]  }
0x109: {  	v4 =	vadd.f32 v4, v5;
	v11 =	vbroadcast v6, $0x4;
	v5 =	vbroadcast v2, $0x3;
	v20 =	vld [tilespmem:s28+$0x8A0]  }
0x10a: {  	v3 =	vadd.f32 v7, v3;
	v7 =	vmul.f32 v8, v17;
	v8 =	vmul.f32 v14, v17;
	v14 =	vld [tilespmem:s28+$0x8D0]  }
0x10b: {  	v21 =	vbroadcast v2, $0x1;
	v4 =	vadd.f32 v9, v4;
	v9 =	vbroadcast v6, $0x5;
	v17 =	vld [tilespmem:s28+$0x8C0]  }
0x10c: {  	v3 =	vadd.f32 v7, v3;
	v7 =	vmul.f32 v18, v11;
	v11 =	vmul.f32 v16, v11;
	v16 =	vld [tilespmem:s28+$0x8F0]  }
0x10d: {  	v22 =	vbroadcast v2, $0x2;
	v4 =	vadd.f32 v8, v4;
	v8 =	vbroadcast v6, $0x6;
	v18 =	vld [tilespmem:s28+$0x8E0]  }
0x10e: {  	v3 =	vadd.f32 v7, v3;
	v7 =	vmul.f32 v20, v9;
	v9 =	vmul.f32 v10, v9;
	v10 =	vld [tilespmem:s28+$0x910]  }
0x10f: {  	v11 =	vadd.f32 v11, v4;
	v4 =	vbroadcast v2, $0x7;
	v14 =	vmul.f32 v14, v8;
	v20 =	vld [tilespmem:s28+$0x900]  }
0x110: {  	v23 =	vbroadcast v2, $0x5;
	v7 =	vadd.f32 v7, v3;
	v8 =	vmul.f32 v17, v8;
	v17 =	vld [tilespmem:s28+$0x930]  }
0x111: {  	v9 =	vadd.f32 v9, v11;
	v3 =	vbroadcast v2, $0x9;
	v11 =	vmul.f32 v16, v12;
	v16 =	vld [tilespmem:s28+$0x920]  }
0x112: {  	v7 =	vadd.f32 v8, v7;
	v8 =	vmul.f32 v18, v12;
	v12 =	vld [tilespmem:s28+$0x950]  }
0x113: {  	v9 =	vadd.f32 v14, v9;
	v10 =	vmul.f32 v10, v13;
	v14 =	vld [tilespmem:s28+$0x940]  }
0x114: {  	v7 =	vadd.f32 v8, v7;
	v8 =	vmul.f32 v20, v13;
	v13 =	vld [tilespmem:s28+$0x970]  }
0x115: {  	v9 =	vadd.f32 v11, v9;
	v11 =	vmul.f32 v17, v15;
	v17 =	vld [tilespmem:s28+$0x960]  }
0x116: {  	v7 =	vadd.f32 v8, v7;
	v8 =	vmul.f32 v16, v15;
	v15 =	vbroadcast v6, $0xA;
	v16 =	vld [tilespmem:s28+$0x990]  }
0x117: {  	v9 =	vadd.f32 v10, v9;
	v10 =	vbroadcast v6, $0xB;
	v18 =	vld [tilespmem:s28+$0x980]  }
0x118: {  	v7 =	vadd.f32 v8, v7;
	v8 =	vmul.f32 v14, v15;
	v12 =	vmul.f32 v12, v15;
	v14 =	vld [tilespmem:s28+$0x9B0]  }
0x119: {  	v9 =	vadd.f32 v11, v9;
	v11 =	vbroadcast v6, $0xC;
	v15 =	vld [tilespmem:s28+$0x9A0]  }
0x11a: {  	v7 =	vadd.f32 v8, v7;
	v8 =	vmul.f32 v17, v10;
	v10 =	vmul.f32 v13, v10;
	v13 =	vld [tilespmem:s28+$0x9D0]  }
0x11b: {  	v9 =	vadd.f32 v12, v9;
	v12 =	vbroadcast v6, $0xD;
	v17 =	vld [tilespmem:s28+$0x9C0]  }
0x11c: {  	v7 =	vadd.f32 v8, v7;
	v8 =	vmul.f32 v18, v11;
	v11 =	vmul.f32 v16, v11;
	v16 =	vld [tilespmem:s28+$0x9F0]  }
0x11d: {  	v6 =	vbroadcast v6, $0xE;
	v9 =	vadd.f32 v10, v9;
	v10 =	vld [tilespmem:s28+$0x9E0]  }
0x11e: {  	v7 =	vadd.f32 v8, v7;
	v8 =	vmul.f32 v15, v12;
	v12 =	vmul.f32 v14, v12;
	v14 =	vld [tilespmem:s28+$0xA10]  }
0x11f: {  	v9 =	vadd.f32 v11, v9;
	v11 =	vld [tilespmem:s28+$0xA00]  }
0x120: {  	v7 =	vadd.f32 v8, v7;
	v8 =	vmul.f32 v17, v6;
	v6 =	vmul.f32 v13, v6;
	v13 =	vld [tilespmem:s28+$0xA30]  }
0x121: {  	v9 =	vadd.f32 v12, v9;
	v12 =	vmul.f32 v16, v19;
	v15 =	vld [tilespmem:s28+$0xA20]  }
0x122: {  	v7 =	vadd.f32 v8, v7;
	v8 =	vmul.f32 v10, v19;
	v10 =	vbroadcast v2, $0x0;
	v16 =	vld [tilespmem:s28+$0xA50]  }
0x123: {  	v6 =	vadd.f32 v6, v9;
	v9 =	vld [tilespmem:s28+$0xA40]  }
0x124: {  	v7 =	vadd.f32 v8, v7;
	v8 =	vmul.f32 v11, v10;
	v10 =	vmul.f32 v14, v10;
	v11 =	vld [tilespmem:s28+$0xA70]  }
0x125: {  	v6 =	vadd.f32 v12, v6;
	v12 =	vmul.f32 v13, v21;
	v13 =	vld [tilespmem:s28+$0xA60]  }
0x126: {  	v7 =	vadd.f32 v8, v7;
	v8 =	vmul.f32 v15, v21;
	v14 =	vld [tilespmem:s28+$0xA90]  }
0x127: {  	v6 =	vadd.f32 v10, v6;
	v10 =	vmul.f32 v16, v22;
	v15 =	vld [tilespmem:s28+$0xA80]  }
0x128: {  	v7 =	vadd.f32 v8, v7;
	v8 =	vmul.f32 v9, v22;
	v9 =	vld [tilespmem:s28+$0xAB0]  }
0x129: {  	v6 =	vadd.f32 v12, v6;
	v11 =	vmul.f32 v11, v5;
	v12 =	vld [tilespmem:s28+$0xAA0]  }
0x12a: {  	v7 =	vadd.f32 v8, v7;
	v5 =	vmul.f32 v13, v5;
	v8 =	vbroadcast v2, $0x4;
	v13 =	vld [tilespmem:s28+$0xAD0]  }
0x12b: {  	v6 =	vadd.f32 v10, v6;
	v10 =	vld [tilespmem:s28+$0xAC0]  }
0x12c: {  	v5 =	vadd.f32 v5, v7;
	v7 =	vmul.f32 v15, v8;
	v8 =	vmul.f32 v14, v8;
	v14 =	vld [tilespmem:s28+$0xAF0]  }
0x12d: {  	v6 =	vadd.f32 v11, v6;
	v9 =	vmul.f32 v9, v23;
	v11 =	vld [tilespmem:s28+$0xAE0]  }
0x12e: {  	v5 =	vadd.f32 v7, v5;
	v7 =	vmul.f32 v12, v23;
	v12 =	vbroadcast v2, $0x6;
	v15 =	vld [tilespmem:s28+$0xB10]  }
0x12f: {  	v6 =	vadd.f32 v8, v6;
	v8 =	vld [tilespmem:s28+$0xB00]  }
0x130: {  	v5 =	vadd.f32 v7, v5;
	v7 =	vmul.f32 v10, v12;
	v10 =	vmul.f32 v13, v12;
	v12 =	vld [tilespmem:s28+$0xB30]  }
0x131: {  	v6 =	vadd.f32 v9, v6;
	v9 =	vmul.f32 v14, v4;
	v13 =	vld [tilespmem:s28+$0xB20]  }
0x132: {  	v5 =	vadd.f32 v7, v5;
	v4 =	vmul.f32 v11, v4;
	v7 =	vbroadcast v2, $0x8;
	v11 =	vld [tilespmem:s28+$0xB50]  }
0x133: {  	v6 =	vadd.f32 v10, v6;
	v10 =	vld [tilespmem:s28+$0xB40]  }
0x134: {  	v4 =	vadd.f32 v4, v5;
	v5 =	vmul.f32 v8, v7;
	v7 =	vmul.f32 v15, v7;
	v8 =	vld [tilespmem:s28+$0xB70]  }
0x135: {  	v6 =	vadd.f32 v9, v6;
	v9 =	vmul.f32 v12, v3;
	v12 =	vld [tilespmem:s28+$0xB60]  }
0x136: {  	v4 =	vadd.f32 v5, v4;
	v3 =	vmul.f32 v13, v3;
	v5 =	vbroadcast v2, $0xA;
	v13 =	vld [tilespmem:s28+$0xB90]  }
0x137: {  	v6 =	vadd.f32 v7, v6;
	v7 =	vbroadcast v2, $0xB;
	v14 =	vld [tilespmem:s28+$0xB80]  }
0x138: {  	v3 =	vadd.f32 v3, v4;
	v4 =	vmul.f32 v10, v5;
	v5 =	vmul.f32 v11, v5;
	v10 =	vld [tilespmem:s28+$0xBB0]  }
0x139: {  	v6 =	vadd.f32 v9, v6;
	v9 =	vbroadcast v2, $0xC;
	v11 =	vld [tilespmem:s28+$0xBA0]  }
0x13a: {  	v3 =	vadd.f32 v4, v3;
	v4 =	vmul.f32 v12, v7;
	v7 =	vmul.f32 v8, v7;
	v8 =	vld [tilespmem:s28+$0xBD0]  }
0x13b: {  	v5 =	vadd.f32 v5, v6;
	v6 =	vbroadcast v2, $0xD;
	v12 =	vld [tilespmem:s28+$0xBC0]  }
0x13c: {  	v3 =	vadd.f32 v4, v3;
	v4 =	vmul.f32 v14, v9;
	v9 =	vmul.f32 v13, v9;
	v13 =	vld [tilespmem:s28+$0xBF0]  }
0x13d: {  	v5 =	vadd.f32 v7, v5;
	v7 =	vbroadcast v2, $0xE;
	v14 =	vld [tilespmem:s28+$0xBE0]  }
0x13e: {  	v3 =	vadd.f32 v4, v3;
	v4 =	vmul.f32 v11, v6;
	v6 =	vmul.f32 v10, v6;
	v10 =	vld [tilespmem:s28+$0xC10]  }
0x13f: {  	v2 =	vbroadcast v2, $0xF;
	v5 =	vadd.f32 v9, v5;
	v9 =	vld [tilespmem:s28+$0xC00]  }
0x140: {  	v3 =	vadd.f32 v4, v3;
	v4 =	vmul.f32 v12, v7;
	v7 =	vmul.f32 v8, v7;
	v8 =	vld [tilespmem:s28+$0xC30]  }
0x141: {  	v5 =	vadd.f32 v6, v5;
	v6 =	vbroadcast v1, $0x0;
	v11 =	vld [tilespmem:s28+$0xC20]  }
0x142: {  	v3 =	vadd.f32 v4, v3;
	v4 =	vmul.f32 v14, v2;
	v2 =	vmul.f32 v13, v2;
	v12 =	vld [tilespmem:s28+$0xC50]  }
0x143: {  	v5 =	vadd.f32 v7, v5;
	v7 =	vbroadcast v1, $0x1;
	v13 =	vld [tilespmem:s28+$0xC40]  }
0x144: {  	v3 =	vadd.f32 v4, v3;
	v4 =	vmul.f32 v9, v6;
	v6 =	vmul.f32 v10, v6;
	v9 =	vld [tilespmem:s28+$0xC70]  }
0x145: {  	v2 =	vadd.f32 v2, v5;
	v5 =	vbroadcast v1, $0x2;
	v10 =	vld [tilespmem:s28+$0xC60]  }
0x146: {  	v3 =	vadd.f32 v4, v3;
	v4 =	vmul.f32 v11, v7;
	v7 =	vmul.f32 v8, v7;
	v8 =	vld [tilespmem:s28+$0xC90]  }
0x147: {  	v2 =	vadd.f32 v6, v2;
	v6 =	vbroadcast v1, $0x3;
	v11 =	vld [tilespmem:s28+$0xC80]  }
0x148: {  	v3 =	vadd.f32 v4, v3;
	v4 =	vmul.f32 v13, v5;
	v5 =	vmul.f32 v12, v5;
	v12 =	vld [tilespmem:s28+$0xCB0]  }
0x149: {  	v2 =	vadd.f32 v7, v2;
	v7 =	vbroadcast v1, $0x4;
	v13 =	vld [tilespmem:s28+$0xCA0]  }
0x14a: {  	v3 =	vadd.f32 v4, v3;
	v4 =	vmul.f32 v10, v6;
	v6 =	vmul.f32 v9, v6;
	v9 =	vld [tilespmem:s28+$0xCD0]  }
0x14b: {  	v2 =	vadd.f32 v5, v2;
	v5 =	vbroadcast v1, $0x5;
	v10 =	vld [tilespmem:s28+$0xCC0]  }
0x14c: {  	v3 =	vadd.f32 v4, v3;
	v4 =	vmul.f32 v11, v7;
	v7 =	vmul.f32 v8, v7;
	v8 =	vld [tilespmem:s28+$0xCF0]  }
0x14d: {  	v2 =	vadd.f32 v6, v2;
	v6 =	vbroadcast v1, $0x6;
	v11 =	vld [tilespmem:s28+$0xCE0]  }
0x14e: {  	v3 =	vadd.f32 v4, v3;
	v4 =	vmul.f32 v13, v5;
	v5 =	vmul.f32 v12, v5;
	v12 =	vld [tilespmem:s28+$0xD10]  }
0x14f: {  	v2 =	vadd.f32 v7, v2;
	v7 =	vbroadcast v1, $0x7;
	v13 =	vld [tilespmem:s28+$0xD00]  }
0x150: {  	v3 =	vadd.f32 v4, v3;
	v4 =	vmul.f32 v10, v6;
	v6 =	vmul.f32 v9, v6;
	v9 =	vld [tilespmem:s28+$0xD30]  }
0x151: {  	v2 =	vadd.f32 v5, v2;
	v5 =	vbroadcast v1, $0x8;
	v10 =	vld [tilespmem:s28+$0xD20]  }
0x152: {  	v3 =	vadd.f32 v4, v3;
	v4 =	vmul.f32 v11, v7;
	v7 =	vmul.f32 v8, v7;
	v8 =	vld [tilespmem:s28+$0xD50]  }
0x153: {  	v2 =	vadd.f32 v6, v2;
	v6 =	vbroadcast v1, $0x9;
	v11 =	vld [tilespmem:s28+$0xD40]  }
0x154: {  	v3 =	vadd.f32 v4, v3;
	v4 =	vmul.f32 v13, v5;
	v5 =	vmul.f32 v12, v5;
	v12 =	vld [tilespmem:s28+$0xD70]  }
0x155: {  	v2 =	vadd.f32 v7, v2;
	v7 =	vbroadcast v1, $0xA;
	v13 =	vld [tilespmem:s28+$0xD60]  }
0x156: {  	v3 =	vadd.f32 v4, v3;
	v4 =	vmul.f32 v10, v6;
	v6 =	vmul.f32 v9, v6;
	v9 =	vld [tilespmem:s28+$0xD90]  }
0x157: {  	v2 =	vadd.f32 v5, v2;
	v5 =	vbroadcast v1, $0xB;
	v10 =	vld [tilespmem:s28+$0xD80]  }
0x158: {  	v3 =	vadd.f32 v4, v3;
	v4 =	vmul.f32 v11, v7;
	v7 =	vmul.f32 v8, v7;
	v8 =	vld [tilespmem:s28+$0xDB0]  }
0x159: {  	v2 =	vadd.f32 v6, v2;
	v6 =	vbroadcast v1, $0xC;
	v11 =	vld [tilespmem:s28+$0xDA0]  }
0x15a: {  	v3 =	vadd.f32 v4, v3;
	v4 =	vmul.f32 v13, v5;
	v5 =	vmul.f32 v12, v5;
	v12 =	vld [tilespmem:s28+$0xDD0]  }
0x15b: {  	v2 =	vadd.f32 v7, v2;
	v7 =	vbroadcast v1, $0xD;
	v13 =	vld [tilespmem:s28+$0xDC0]  }
0x15c: {  	v3 =	vadd.f32 v4, v3;
	v4 =	vmul.f32 v10, v6;
	v6 =	vmul.f32 v9, v6;
	v9 =	vld [tilespmem:s28+$0xDF0]  }
0x15d: {  	v2 =	vadd.f32 v5, v2;
	v5 =	vbroadcast v1, $0xE;
	v10 =	vld [tilespmem:s28+$0xDE0]  }
0x15e: {  	v3 =	vadd.f32 v4, v3;
	v4 =	vmul.f32 v11, v7;
	v7 =	vmul.f32 v8, v7;
	v8 =	vld [tilespmem:s28+$0xE10]  }
0x15f: {  	v1 =	vbroadcast v1, $0xF;
	v2 =	vadd.f32 v6, v2;
	v6 =	vld [tilespmem:s28+$0xE00]  }
0x160: {  	v3 =	vadd.f32 v4, v3;
	v4 =	vmul.f32 v13, v5;
	v5 =	vmul.f32 v12, v5;
	v11 =	vld [tilespmem:s28+$0xE30]  }
0x161: {  	v2 =	vadd.f32 v7, v2;
	v7 =	vbroadcast v0, $0x0;
	v12 =	vld [tilespmem:s28+$0xE20]  }
0x162: {  	v3 =	vadd.f32 v4, v3;
	v4 =	vmul.f32 v10, v1;
	v1 =	vmul.f32 v9, v1;
	v9 =	vld [tilespmem:s28+$0xE50]  }
0x163: {  	v2 =	vadd.f32 v5, v2;
	v5 =	vbroadcast v0, $0x1;
	v10 =	vld [tilespmem:s28+$0xE40]  }
0x164: {  	v3 =	vadd.f32 v4, v3;
	v4 =	vmul.f32 v6, v7;
	v6 =	vmul.f32 v8, v7;
	v7 =	vld [tilespmem:s28+$0xE70]  }
0x165: {  	v1 =	vadd.f32 v1, v2;
	v2 =	vbroadcast v0, $0x2;
	v8 =	vld [tilespmem:s28+$0xE60]  }
0x166: {  	v3 =	vadd.f32 v4, v3;
	v4 =	vmul.f32 v12, v5;
	v5 =	vmul.f32 v11, v5;
	v11 =	vld [tilespmem:s28+$0xE90]  }
0x167: {  	v1 =	vadd.f32 v6, v1;
	v6 =	vbroadcast v0, $0x3;
	v12 =	vld [tilespmem:s28+$0xE80]  }
0x168: {  	v3 =	vadd.f32 v4, v3;
	v4 =	vmul.f32 v10, v2;
	v2 =	vmul.f32 v9, v2;
	v9 =	vld [tilespmem:s28+$0xEB0]  }
0x169: {  	v1 =	vadd.f32 v5, v1;
	v5 =	vbroadcast v0, $0x4;
	v10 =	vld [tilespmem:s28+$0xEA0]  }
0x16a: {  	v3 =	vadd.f32 v4, v3;
	v4 =	vmul.f32 v8, v6;
	v6 =	vmul.f32 v7, v6;
	v7 =	vld [tilespmem:s28+$0xED0]  }
0x16b: {  	v1 =	vadd.f32 v2, v1;
	v2 =	vbroadcast v0, $0x5;
	v8 =	vld [tilespmem:s28+$0xEC0]  }
0x16c: {  	v3 =	vadd.f32 v4, v3;
	v4 =	vmul.f32 v12, v5;
	v5 =	vmul.f32 v11, v5;
	v11 =	vld [tilespmem:s28+$0xEF0]  }
0x16d: {  	v1 =	vadd.f32 v6, v1;
	v6 =	vbroadcast v0, $0x6;
	v12 =	vld [tilespmem:s28+$0xEE0]  }
0x16e: {  	v3 =	vadd.f32 v4, v3;
	v4 =	vmul.f32 v10, v2;
	v2 =	vmul.f32 v9, v2;
	v9 =	vld [tilespmem:s28+$0xF10]  }
0x16f: {  	v1 =	vadd.f32 v5, v1;
	v5 =	vbroadcast v0, $0x7;
	v10 =	vld [tilespmem:s28+$0xF00]  }
0x170: {  	v3 =	vadd.f32 v4, v3;
	v4 =	vmul.f32 v8, v6;
	v6 =	vmul.f32 v7, v6;
	v7 =	vld [tilespmem:s28+$0xF30]  }
0x171: {  	v1 =	vadd.f32 v2, v1;
	v2 =	vbroadcast v0, $0x8;
	v8 =	vld [tilespmem:s28+$0xF20]  }
0x172: {  	v3 =	vadd.f32 v4, v3;
	v4 =	vmul.f32 v12, v5;
	v5 =	vmul.f32 v11, v5;
	v11 =	vld [tilespmem:s28+$0xF50]  }
0x173: {  	v1 =	vadd.f32 v6, v1;
	v6 =	vbroadcast v0, $0x9;
	v12 =	vld [tilespmem:s28+$0xF40]  }
0x174: {  	v3 =	vadd.f32 v4, v3;
	v4 =	vmul.f32 v10, v2;
	v2 =	vmul.f32 v9, v2;
	v9 =	vld [tilespmem:s28+$0xF70]  }
0x175: {  	v1 =	vadd.f32 v5, v1;
	v5 =	vbroadcast v0, $0xA;
	v10 =	vld [tilespmem:s28+$0xF60]  }
0x176: {  	v3 =	vadd.f32 v4, v3;
	v4 =	vmul.f32 v8, v6;
	v6 =	vmul.f32 v7, v6;
	v7 =	vld [tilespmem:s28+$0xF90]  }
0x177: {  	v1 =	vadd.f32 v2, v1;
	v2 =	vbroadcast v0, $0xB;
	v8 =	vld [tilespmem:s28+$0xF80]  }
0x178: {  	v3 =	vadd.f32 v4, v3;
	v4 =	vmul.f32 v12, v5;
	v5 =	vmul.f32 v11, v5;
	v11 =	vld [tilespmem:s28+$0xFB0]  }
0x179: {  	v1 =	vadd.f32 v6, v1;
	v6 =	vbroadcast v0, $0xC;
	v12 =	vld [tilespmem:s28+$0xFA0]  }
0x17a: {  	v3 =	vadd.f32 v4, v3;
	v4 =	vmul.f32 v10, v2;
	v2 =	vmul.f32 v9, v2;
	v9 =	vld [tilespmem:s28+$0xFD0]  }
0x17b: {  	v1 =	vadd.f32 v5, v1;
	v5 =	vbroadcast v0, $0xD;
	v10 =	vld [tilespmem:s28+$0xFC0]  }
0x17c: {  	v3 =	vadd.f32 v4, v3;
	v4 =	vmul.f32 v8, v6;
	v6 =	vmul.f32 v7, v6;
	v7 =	vld [tilespmem:s28+$0xFF0]  }
0x17d: {  	v1 =	vadd.f32 v2, v1;
	v2 =	vbroadcast v0, $0xE;
	v8 =	vld [tilespmem:s28+$0xFE0]  }
0x17e: {  	v3 =	vadd.f32 v4, v3;
	v4 =	vmul.f32 v12, v5;
	v5 =	vmul.f32 v11, v5  }
0x17f: {  	v0 =	vbroadcast v0, $0xF;
	v1 =	vadd.f32 v6, v1  }
0x180: {  	v3 =	vadd.f32 v4, v3;
	v4 =	vmul.f32 v10, v2;
	v2 =	vmul.f32 v9, v2  }
.Ltmp0:
0x181: {  	v1 =	vadd.f32 v5, v1;
	(pc) =	sbr.rel @p0 .LBB2_3-.Ltmp0, $4  }
0x182: {  	v3 =	vadd.f32 v4, v3;
	v4 =	vmul.f32 v8, v0;
	v0 =	vmul.f32 v7, v0  }
0x183: {  	v2 =	vadd.f32 v2, v1  }
0x184: {  	v1 =	vadd.f32 v4, v3  }
0x185: {  	s26 =	smov.u32 s29;
	s24 =	sadd.s32 $0x40, s24;
	v0 =	vadd.f32 v0, v2  }
0x186: {  	s24 =	sshll.u32 s22, $0xA;
	s22 =	sadd.s32 $0x1, s22  }
0x187: {  	[tilespmem:s23+$0xFFFFFFF0] =	vst v1;
	p0 =	sne.s32 s22, $0x20  }
.Ltmp1:
0x188: {  	[tilespmem:s23+$0x0] =	vst v0;
	s29 =	sadd.s32 s24, s7;
	(pc) =	sbr.rel @p0 .LBB2_2-.Ltmp1, $4  }
0x189: {  	[hbm4b:s29+s20] =	stream.strided.scatter [tilespmem:s21], [sflag:$0x2], $0x400, s14, s20, $0x38;
	[tilespmem:$0x11400] =	vst v63  }
0x18a: {  	_ =	swait.ge [sflag:s9], $0x400  }
0x18b: {  	[sflag:s9] =	ssyncset.done $0x0  }
0x18c: {  	[sflag:s9] =	ssyncadd.s32 $0xFFFFFC00  }
0x18d: {  	s22 =	rddreg [dreg:$0x3]  }
0x18e: {  	s23 =	rddreg [dreg:$0x4];
	s22 =	sadd.s32 $0x1, s22  }
0x18f: {  	p0 =	sne.s32 s22, s23  }
.Ltmp2:
0x190: {  	_ = 	snop;
	(pc) =	sbr.rel @p0 .LBB2_1-.Ltmp2, $1  }
0x191: {  	_ =	sdelay $0x3  }
0x192: {  	_ =	sfence.sel $0x180000  }
0x193: {  	[bflag:$0x0] =	sbarrier.arrive $0xFFFF  }
0x194: {  	_ =	strace $0x90000047  }
0x195: {  	s0 =	stileid.u32;
	[bflag:$0x2] =	sbarrier.arrive $0xFFFF  }
0x196: {  	p0 =	sne.s32 s0, $0x0;
	s0 =	rddreg [dreg:$0x2]  }
0x197: {  	s0 =	sadd.s32 @!p0 $0x100000, s0  }
0x198: {  	[sflag:s0] =	ssyncadd.tile.s32 @!p0 $0x1;
	_ =	shalt  }
.Lfunc_end2:
_tile_overlayer_lowered:
.L_overlay_start_2:
0x199: {  	(tag) =	ssettag $0x2  }
0x19a: {  	s0 =	rddreg [dreg:$0x0];
	s2 =	stileid.u32  }
0x19b: {  	s1 =	rddreg [dreg:$0x1];
	p0 =	sne.s32 s2, $0x0  }
0x19c: {  	s3 =	rddreg [dreg:$0x2];
	[bflag:$0x3] =	sbarrier.arrive $0xFFFF;
	s2 =	simm.s32 @!p0 $0x1C02  }
0x19d: {  	[timem:s3], [sflag:s2] =	dma.local @!p0 [hbm:s0], s1  }
0x19e: {  	s0 =	simm.s32 @!p0 $0x2  }
0x19f: {  	_ =	swait.ge @!p0 [sflag:s0], s1  }
0x1a0: {  	s1 =	ssub.s32 @!p0 $0x0, s1;
	[sflag:s0] =	ssyncset.done @!p0 $0x0  }
0x1a1: {  	[sflag:s0] =	ssyncadd.s32 @!p0 s1  }
0x1a2: {  	[bflag:$0x3] =	sbarrier.arrive $0xFFFF  }
0x1a3: {  	_ =	shalt  }

</sc_bundles>
